<compile_context>
chip_gen: v7x
topology: tpu7x:2x2x1
jax: 0.10.2.dev20260603
libtpu: 0.0.44.dev20260713+nightly
codegen_flags: <defaults>
</compile_context>

<pallas_src>
import functools

import jax
import jax.numpy as jnp
import numpy as np
from jax import lax
from jax.experimental import pallas as pl
from jax.experimental.pallas import tpu as pltpu
from jax.experimental.pallas import tpu_sc as plsc

B = 2
N = 10000
D = 128
C = 129
E = 320000
CP = 144
CA = 258
CAP = 288
HID = 256
NLAYERS = 3

NSUB = 16
EPS = E // NSUB
K = 88
NPAD = 64
EPP = EPS + NPAD
NCH = EPP // K
SUP = 12
NSUP = NCH // SUP
NA = N + 8
RPS = 632
RPS_LAST = N - (NSUB - 1) * RPS

_f32 = jnp.float32


def _seg_body(h_hbm, srcg_hbm, dst_hbm, z_hbm, out_hbm,
              src_v, dst_v, buf0, buf1, buf2, acc,
              sg0, sg1, sg2, ss0, ss1, ss2):
    c = lax.axis_index("c")
    s = lax.axis_index("s")
    @pl.when(s < NSUB - 1)
    def _():
        pltpu.sync_copy(z_hbm.at[pl.ds(s * RPS, RPS)],
                        acc.at[pl.ds(s * RPS, RPS)])

    @pl.when(s == NSUB - 1)
    def _():
        pltpu.sync_copy(z_hbm.at[pl.ds((NSUB - 1) * RPS, RPS_LAST)],
                        acc.at[pl.ds((NSUB - 1) * RPS, RPS_LAST)])
    plsc.subcore_barrier()

    bufs = (buf0, buf1, buf2)
    sgs = (sg0, sg1, sg2)
    sss = (ss0, ss1, ss2)

    def g_start(ci, b):
        pltpu.async_copy(h_hbm.at[src_v.at[ci]], bufs[b], sgs[b])

    def g_wait(ci, b):
        pltpu.make_async_copy(h_hbm.at[src_v.at[ci]], bufs[b], sgs[b]).wait()

    def s_start(ci, b):
        pltpu.async_copy(bufs[b], acc.at[dst_v.at[ci]], sss[b], add=True)

    def s_wait(ci, b):
        pltpu.make_async_copy(bufs[b], acc.at[dst_v.at[ci]], sss[b]).wait()

    def superchunk(g, carry):
        pltpu.sync_copy(srcg_hbm.at[c, s, pl.ds(g * SUP, SUP)], src_v)
        pltpu.sync_copy(dst_hbm.at[s, pl.ds(g * SUP, SUP)], dst_v)
        g_start(0, 0)
        g_start(1, 1)

        def chunk(ci, b):
            g_wait(ci, b)
            s_start(ci, b)

            @pl.when(ci + 2 < SUP)
            def _():
                @pl.when(ci >= 1)
                def _():
                    s_wait(ci - 1, (b + 2) % 3)
                g_start(ci + 2, (b + 2) % 3)

        def body(j, carry2):
            c0 = j * 3
            chunk(c0, 0)
            chunk(c0 + 1, 1)
            chunk(c0 + 2, 2)
            return carry2

        lax.fori_loop(0, SUP // 3, body, 0)
        s_wait(SUP - 3, 0)
        s_wait(SUP - 2, 1)
        s_wait(SUP - 1, 2)
        return carry

    lax.fori_loop(0, NSUP, superchunk, 0)
    plsc.subcore_barrier()
    @pl.when(s < NSUB - 1)
    def _():
        pltpu.sync_copy(acc.at[pl.ds(s * RPS, RPS)],
                        out_hbm.at[pl.ds(c * N + s * RPS, RPS)])

    @pl.when(s == NSUB - 1)
    def _():
        pltpu.sync_copy(acc.at[pl.ds((NSUB - 1) * RPS, RPS_LAST)],
                        out_hbm.at[pl.ds(c * N + (NSUB - 1) * RPS, RPS_LAST)])


def _make_seg_kernel():
    mesh = plsc.VectorSubcoreMesh(core_axis_name="c", subcore_axis_name="s")
    return pl.kernel(
        _seg_body,
        mesh=mesh,
        compiler_params=pltpu.CompilerParams(use_tc_tiling_on_sc=False),
        out_type=jax.ShapeDtypeStruct((B * N, CP), _f32),
        scratch_types=[
            pltpu.VMEM((SUP, K), jnp.int32),
            pltpu.VMEM((SUP, K), jnp.int32),
            pltpu.VMEM((K, CP), _f32),
            pltpu.VMEM((K, CP), _f32),
            pltpu.VMEM((K, CP), _f32),
            pltpu.VMEM_SHARED((NA, CP), _f32),
            pltpu.SemaphoreType.DMA,
            pltpu.SemaphoreType.DMA,
            pltpu.SemaphoreType.DMA,
            pltpu.SemaphoreType.DMA,
            pltpu.SemaphoreType.DMA,
            pltpu.SemaphoreType.DMA,
        ],
    )


def _gru_body(S_ref, h_ref, Ur_ref, Uz_ref, Un_ref,
              Vr_ref, Vz_ref, Vn_ref, bias_ref, out_ref):
    dot = functools.partial(jnp.dot, preferred_element_type=_f32,
                            precision=jax.lax.Precision.HIGHEST)
    s = S_ref[...]
    h = h_ref[...]
    b = bias_ref[...]
    r = jax.nn.sigmoid(dot(s, Ur_ref[...]) + dot(h, Vr_ref[...]) + b[0:1])
    z = jax.nn.sigmoid(dot(s, Uz_ref[...]) + dot(h, Vz_ref[...]) + b[1:2])
    n = jnp.tanh(dot(s, Un_ref[...]) + b[2:3] + r * (dot(h, Vn_ref[...]) + b[3:4]))
    out_ref[...] = (1.0 - z) * n + z * h


def _gru_call(S, h, Ur, Uz, Un, Vr, Vz, Vn, bias, blk=2000):
    grid = (B * N) // blk
    row_spec = pl.BlockSpec((blk, CP), lambda i: (i, 0))
    w_spec = pl.BlockSpec((CP, CP), lambda i: (0, 0))
    return pl.pallas_call(
        _gru_body,
        grid=(grid,),
        in_specs=[row_spec, row_spec] + [w_spec] * 6
        + [pl.BlockSpec((4, CP), lambda i: (0, 0))],
        out_specs=row_spec,
        out_shape=jax.ShapeDtypeStruct((B * N, CP), _f32),
    )(S, h, Ur, Uz, Un, Vr, Vz, Vn, bias)


def _att_body(h_ref, h0_ref, WiH_ref, WiN_ref, WjH_ref, WjN_ref, b_ref, out_ref):
    i = pl.program_id(0)

    @pl.when(i == 0)
    def _():
        out_ref[...] = jnp.zeros_like(out_ref)

    dot = functools.partial(jnp.dot, preferred_element_type=_f32,
                            precision=jax.lax.Precision.HIGHEST)
    h = h_ref[...]
    h0 = h0_ref[...]
    b = b_ref[...]
    t1 = jax.nn.sigmoid(dot(h, WiH_ref[...]) + dot(h0, WiN_ref[...]) + b[0:1])
    t2 = jax.nn.relu(dot(h, WjH_ref[...]) + dot(h0, WjN_ref[...]) + b[1:2])
    partial = jnp.sum(t1 * t2, axis=0, keepdims=True)
    graph = i // (N // h.shape[0])
    onehot = (lax.broadcasted_iota(jnp.int32, (B, 1), 0) == graph).astype(_f32)
    out_ref[...] += onehot * partial


def _att_call(h, h0, WiH, WiN, WjH, WjN, batt, blk=2000):
    grid = (B * N) // blk
    row_spec = pl.BlockSpec((blk, CP), lambda i: (i, 0))
    w_spec = pl.BlockSpec((CP, CAP), lambda i: (0, 0))
    return pl.pallas_call(
        _att_body,
        grid=(grid,),
        in_specs=[row_spec, row_spec] + [w_spec] * 4
        + [pl.BlockSpec((2, CAP), lambda i: (0, 0))],
        out_specs=pl.BlockSpec((B, CAP), lambda i: (0, 0)),
        out_shape=jax.ShapeDtypeStruct((B, CAP), _f32),
    )(h, h0, WiH, WiN, WjH, WjN, batt)


def _asm_body(nodes_ref, cov_ref, out_ref):
    blk = nodes_ref.shape[0]
    out_ref[...] = jnp.concatenate(
        [nodes_ref[...], cov_ref[...], jnp.zeros((blk, CP - D - 1), _f32)],
        axis=1)


def _asm_call(nodes, cov_col, blk=2000):
    grid = (B * N) // blk
    per_graph = N // blk
    return pl.pallas_call(
        _asm_body,
        grid=(grid,),
        in_specs=[
            pl.BlockSpec((blk, D), lambda i, pg=per_graph: (i % pg, 0)),
            pl.BlockSpec((blk, 1), lambda i: (i, 0)),
        ],
        out_specs=pl.BlockSpec((blk, CP), lambda i: (i, 0)),
        out_shape=jax.ShapeDtypeStruct((B * N, CP), _f32),
    )(nodes, cov_col)


def _mlp_body(p_ref, Wm_ref, bm_ref, Wc_ref, bc_ref, out_ref):
    dot = functools.partial(jnp.dot, preferred_element_type=_f32,
                            precision=jax.lax.Precision.HIGHEST)
    p = jax.nn.relu(p_ref[...])
    state = jax.nn.relu(dot(p, Wm_ref[...]) + bm_ref[...])
    out_ref[...] = dot(state, Wc_ref[...]) + bc_ref[...]


def _mlp_call(pooled, Wm, bm, WcP, bcP):
    return pl.pallas_call(
        _mlp_body,
        out_shape=jax.ShapeDtypeStruct((B, 128), _f32),
    )(pooled, Wm, bm, WcP, bcP)


def _pad2(w, r, c):
    return jnp.zeros((r, c), w.dtype).at[: w.shape[0], : w.shape[1]].set(w)


def _padv(v, n, off=0):
    return jnp.zeros((n,), v.dtype).at[off: off + v.shape[0]].set(v)


def kernel(x, nodes, edge_index, count2label, W_gg, W_ih, W_hh, b_ih, b_hh,
           Wi, bi, Wj, bj, Wmlp, bmlp, Wc, bc):
    cov = jnp.zeros((B, N), x.dtype).at[:, count2label].set(x)
    h0p = _asm_call(nodes, cov.reshape(-1, 1))

    src = edge_index[0].reshape(NSUB, EPS)
    dst = edge_index[1].reshape(NSUB, EPS)
    sn = np.arange(NSUB)[:, None]
    jn = np.arange(NPAD)[None, :]
    pad_src = jnp.asarray((1237 * sn + 631 * jn) % (B * N), dtype=jnp.int32)
    pad_dst = jnp.asarray(N + (sn + jn) % 8, dtype=jnp.int32)
    srcg = jnp.stack([
        jnp.concatenate([src + c * N, pad_src], axis=1) for c in range(B)
    ]).reshape(B, NSUB, NCH, K)
    dstr = jnp.concatenate([dst, pad_dst], axis=1).reshape(NSUB, NCH, K)
    zrows = jnp.zeros((N, CP), _f32)

    U = W_ih.T
    V = W_hh.T
    Ur, Uz, Un = [_pad2(U[:, i * C:(i + 1) * C], CP, CP) for i in range(3)]
    Vr, Vz, Vn = [_pad2(V[:, i * C:(i + 1) * C], CP, CP) for i in range(3)]
    bir, biz, bin_ = [_padv(b_ih[i * C:(i + 1) * C], CP) for i in range(3)]
    bhr, bhz, bhn = [_padv(b_hh[i * C:(i + 1) * C], CP) for i in range(3)]
    gbias = jnp.stack([bir + bhr, biz + bhz, bin_, bhn])
    WiT = Wi.T
    WjT = Wj.T
    WiH = _pad2(WiT[:C, :], CP, CAP)
    WiN = _pad2(WiT[C:, :], CP, CAP)
    WjH = _pad2(WjT[:C, :], CP, CAP)
    WjN = _pad2(WjT[C:, :], CP, CAP)
    batt = jnp.stack([_padv(bi, CAP), _padv(bj, CAP)])
    Wm = _pad2(Wmlp.T, CAP, HID)
    bm = bmlp.reshape(1, HID)
    WcP = _pad2(Wc.T, HID, 128)
    bcP = _pad2(bc.reshape(1, 1), 1, 128)

    hp = functools.partial(jnp.matmul, preferred_element_type=_f32,
                           precision=jax.lax.Precision.HIGHEST)
    seg = _make_seg_kernel()
    h = h0p
    for l in range(NLAYERS):
        Wp = _pad2(W_gg[l], CP, CP)
        S = seg(h, srcg, dstr, zrows)
        h = _gru_call(S, h, hp(Wp, Ur), hp(Wp, Uz), hp(Wp, Un),
                      Vr, Vz, Vn, gbias)
    pooled = _att_call(h, h0p, WiH, WiN, WjH, WjN, batt)
    out = _mlp_call(pooled, Wm, bm, WcP, bcP)
    return out[:, :1]

# --- scband reference (transcript-rebuilt; emitter-appended) ---
"""Pipeline reference for scband-gnn-agent-34522947126002 (READ-ONLY COPY).

The authoritative reference and input builder live on the scoring server;
editing this copy changes nothing except your own understanding.
"""

import jax, jax.numpy as jnp
import numpy as np

N_NODES = 10000
D_FEAT = 128
C = D_FEAT + 1
N_EDGES = 320000
BATCH = 2
N_LABELS = 2000
NUM_LAYERS = 3
HID = 256

def setup_inputs(seed: int = 0):
    key = jax.random.key(seed)
    ks = jax.random.split(key, 16)
    s = float(1.0 / np.sqrt(C))
    s2 = float(1.0 / np.sqrt(2 * C))
    inp = {}
    inp["x"] = jax.random.uniform(ks[0], (BATCH, N_LABELS), dtype=jnp.float32)
    inp["nodes"] = jax.random.normal(ks[1], (N_NODES, D_FEAT), dtype=jnp.float32)
    inp["edge_index"] = jax.random.randint(ks[2], (2, N_EDGES), 0, N_NODES, dtype=jnp.int32)
    inp["count2label"] = jax.random.randint(ks[3], (N_LABELS,), 0, N_NODES, dtype=jnp.int32)
    inp["W_gg"] = jax.random.uniform(ks[4], (NUM_LAYERS, C, C), minval=-s, maxval=s, dtype=jnp.float32)
    inp["W_ih"] = jax.random.uniform(ks[5], (3 * C, C), minval=-s, maxval=s, dtype=jnp.float32)
    inp["W_hh"] = jax.random.uniform(ks[6], (3 * C, C), minval=-s, maxval=s, dtype=jnp.float32)
    inp["b_ih"] = jnp.zeros((3 * C,), dtype=jnp.float32)
    inp["b_hh"] = jnp.zeros((3 * C,), dtype=jnp.float32)
    inp["Wi"] = jax.random.uniform(ks[7], (2 * C, 2 * C), minval=-s2, maxval=s2, dtype=jnp.float32)
    inp["bi"] = jnp.zeros((2 * C,), dtype=jnp.float32)
    inp["Wj"] = jax.random.uniform(ks[8], (2 * C, 2 * C), minval=-s2, maxval=s2, dtype=jnp.float32)
    inp["bj"] = jnp.zeros((2 * C,), dtype=jnp.float32)
    inp["Wmlp"] = jax.random.normal(ks[9], (HID, 2 * C), dtype=jnp.float32) * 0.01
    inp["bmlp"] = jnp.zeros((HID,), dtype=jnp.float32)
    inp["Wc"] = jax.random.normal(ks[10], (1, HID), dtype=jnp.float32) * float(1.0 / np.sqrt(HID))
    inp["bc"] = jnp.zeros((1,), dtype=jnp.float32)
    return inp

def _gru_cell(m, h, W_ih, W_hh, b_ih, b_hh):
    gi = m @ W_ih.T + b_ih
    gh = h @ W_hh.T + b_hh
    i_r, i_z, i_n = jnp.split(gi, 3, axis=1)
    h_r, h_z, h_n = jnp.split(gh, 3, axis=1)
    r = jax.nn.sigmoid(i_r + h_r)
    z = jax.nn.sigmoid(i_z + h_z)
    n = jnp.tanh(i_n + r * h_n)
    return (1.0 - z) * n + z * h

def _forward(x, nodes, edge_index, count2label, W_gg, W_ih, W_hh, b_ih, b_hh, Wi, bi, Wj, bj, Wmlp, bmlp, Wc, bc):
    B = x.shape[0]
    N = nodes.shape[0]
    # scatter coverage values into per-graph node coverage column (covInGraph[count2label] = cov[i])
    cov = jnp.zeros((B, N), dtype=x.dtype).at[:, count2label].set(x)
    nodes_input = jnp.concatenate([jnp.tile(nodes, (B, 1)), cov.reshape(-1, 1)], axis=1)
    offsets = (jnp.arange(B, dtype=edge_index.dtype) * N)[:, None, None]
    edges = jnp.transpose(edge_index[None, :, :] + offsets, (1, 0, 2)).reshape(2, -1)
    src = edges[0]
    dst = edges[1]
    # GatedGraphConv: in_channels == out_channels == C, so no padding branch
    h = nodes_input
    for i in range(W_gg.shape[0]):
        m = h @ W_gg[i]
        agg = jax.ops.segment_sum(m[src], dst, num_segments=B * N)
        h = _gru_cell(agg, h, W_ih, W_hh, b_ih, b_hh)
    att_in = jnp.concatenate([h, nodes_input], axis=1)
    a = jax.nn.sigmoid(att_in @ Wi.T + bi) * jax.nn.relu(att_in @ Wj.T + bj)
    batch_ids = jnp.repeat(jnp.arange(B), N)
    pooled = jax.ops.segment_sum(a, batch_ids, num_segments=B)
    pooled = jax.nn.relu(pooled)
    state = jax.nn.relu(pooled @ Wmlp.T + bmlp)
    return state @ Wc.T + bc

def reference(x, nodes, edge_index, count2label, W_gg, W_ih, W_hh, b_ih, b_hh, Wi, bi, Wj, bj, Wmlp, bmlp, Wc, bc):
    return _forward(x, nodes, edge_index, count2label, W_gg, W_ih, W_hh, b_ih, b_hh, Wi, bi, Wj, bj, Wmlp, bmlp, Wc, bc)

if __name__ == "__main__":
    import jax
    _d = setup_inputs()
    print(jax.jit(kernel)(*tuple(_d.values())))

</pallas_src>

<mosaic_0001>
#map = affine_map<(d0, d1) -> (0, 0)>
#map1 = affine_map<(d0, d1) -> (0, 0, 0, 0)>
#map2 = affine_map<(d0, d1) -> (0, 0, 0)>
module attributes {stable_mosaic.version = 14 : i64} {
  func.func @_seg_body(%arg0: i32, %arg1: i32, %arg2: memref<20000x144xf32, #tpu.memory_space<hbm>>, %arg3: memref<2x16x228x88xi32, #tpu.memory_space<hbm>>, %arg4: memref<16x228x88xi32, #tpu.memory_space<hbm>>, %arg5: memref<10000x144xf32, #tpu.memory_space<hbm>>, %arg6: memref<20000x144xf32, #tpu.memory_space<hbm>>, %arg7: memref<12x88xi32, #tpu.memory_space<vmem>>, %arg8: memref<12x88xi32, #tpu.memory_space<vmem>>, %arg9: memref<88x144xf32, #tpu.memory_space<vmem>>, %arg10: memref<88x144xf32, #tpu.memory_space<vmem>>, %arg11: memref<88x144xf32, #tpu.memory_space<vmem>>, %arg12: memref<10008x144xf32, #tpu.memory_space<vmem_shared>>, %arg13: memref<!tpu.dma_semaphore, #tpu.memory_space<semaphore_mem>>, %arg14: memref<!tpu.dma_semaphore, #tpu.memory_space<semaphore_mem>>, %arg15: memref<!tpu.dma_semaphore, #tpu.memory_space<semaphore_mem>>, %arg16: memref<!tpu.dma_semaphore, #tpu.memory_space<semaphore_mem>>, %arg17: memref<!tpu.dma_semaphore, #tpu.memory_space<semaphore_mem>>, %arg18: memref<!tpu.dma_semaphore, #tpu.memory_space<semaphore_mem>>) attributes {dimension_semantics = [#tpu.dimension_semantics<core_parallel>, #tpu.dimension_semantics<subcore_parallel>], iteration_bounds = array<i64: 2, 16>, scalar_prefetch = 0 : i64, scratch_operands = 12 : i64, tpu.core_type = #tpu.core_type<sc_vector_subcore>, window_params = [{transform_indices = #map}, {transform_indices = #map1}, {transform_indices = #map2}, {transform_indices = #map}, {transform_indices = #map}]} {
    %lt3A = arith.constant 15 : i32
    %lt3A_0 = arith.cmpi slt, %arg1, %lt3A : i32
    %convert_element_type3A = arith.extui %lt3A_0 : i1 to i32
    %cond3A = arith.constant 0 : i32
    %cond3A_1 = arith.cmpi ne, %convert_element_type3A, %cond3A : i32
    scf.if %cond3A_1 {
      %mul3A = arith.constant 632 : i32
      %mul3A_22 = arith.muli %arg1, %mul3A : i32
      %mul3A_23 = arith.constant 632 : i32
      %mul3A_24 = arith.muli %arg1, %mul3A_23 : i32
      "tpu.region"() ({
        %run_scoped3A = tpu.sem_alloc : memref<!tpu.dma_semaphore, #tpu.memory_space<semaphore_mem>>
        %dma_start3A = arith.constant 0 : i32
        %dma_start3A_25 = tpu.memref_slice %arg12[%mul3A_24, %dma_start3A] : memref<10008x144xf32, #tpu.memory_space<vmem_shared>> -> memref<632x144xf32, #tpu.memory_space<vmem_shared>>
        %dma_start3A_26 = arith.constant 0 : i32
        %dma_start3A_27 = tpu.memref_slice %arg5[%mul3A_22, %dma_start3A_26] : memref<10000x144xf32, #tpu.memory_space<hbm>> -> memref<632x144xf32, #tpu.memory_space<hbm>>
        tpu.enqueue_dma source(%dma_start3A_27 : memref<632x144xf32, #tpu.memory_space<hbm>>) target(%dma_start3A_25 : memref<632x144xf32, #tpu.memory_space<vmem_shared>>) target_semaphore(%run_scoped3A : memref<!tpu.dma_semaphore, #tpu.memory_space<semaphore_mem>>)
        %dma_wait3A = arith.constant 0 : i32
        %dma_wait3A_28 = tpu.memref_slice %arg12[%mul3A_24, %dma_wait3A] : memref<10008x144xf32, #tpu.memory_space<vmem_shared>> -> memref<632x144xf32, #tpu.memory_space<vmem_shared>>
        %dma_wait3A_29 = arith.constant 0 : i32
        %dma_wait3A_30 = tpu.memref_slice %arg5[%mul3A_22, %dma_wait3A_29] : memref<10000x144xf32, #tpu.memory_space<hbm>> -> memref<632x144xf32, #tpu.memory_space<hbm>>
        tpu.wait_dma2 semaphore(%run_scoped3A : memref<!tpu.dma_semaphore, #tpu.memory_space<semaphore_mem>>) src(%dma_wait3A_30 : memref<632x144xf32, #tpu.memory_space<hbm>>) dst(%dma_wait3A_28 : memref<632x144xf32, #tpu.memory_space<vmem_shared>>)
        tpu.yield
      }) : () -> ()
    } else {
    }
    %eq3A = arith.constant 15 : i32
    %eq3A_2 = arith.cmpi eq, %arg1, %eq3A : i32
    %convert_element_type3A_3 = arith.extui %eq3A_2 : i1 to i32
    %cond3A_4 = arith.constant 0 : i32
    %cond3A_5 = arith.cmpi ne, %convert_element_type3A_3, %cond3A_4 : i32
    scf.if %cond3A_5 {
      "tpu.region"() ({
        %run_scoped3A = tpu.sem_alloc : memref<!tpu.dma_semaphore, #tpu.memory_space<semaphore_mem>>
        %dma_start3A = arith.constant 9480 : i32
        %dma_start3A_22 = arith.constant 0 : i32
        %dma_start3A_23 = tpu.memref_slice %arg12[%dma_start3A, %dma_start3A_22] : memref<10008x144xf32, #tpu.memory_space<vmem_shared>> -> memref<520x144xf32, #tpu.memory_space<vmem_shared>>
        %dma_start3A_24 = arith.constant 9480 : i32
        %dma_start3A_25 = arith.constant 0 : i32
        %dma_start3A_26 = tpu.memref_slice %arg5[%dma_start3A_24, %dma_start3A_25] : memref<10000x144xf32, #tpu.memory_space<hbm>> -> memref<520x144xf32, #tpu.memory_space<hbm>>
        tpu.enqueue_dma source(%dma_start3A_26 : memref<520x144xf32, #tpu.memory_space<hbm>>) target(%dma_start3A_23 : memref<520x144xf32, #tpu.memory_space<vmem_shared>>) target_semaphore(%run_scoped3A : memref<!tpu.dma_semaphore, #tpu.memory_space<semaphore_mem>>)
        %dma_wait3A = arith.constant 9480 : i32
        %dma_wait3A_27 = arith.constant 0 : i32
        %dma_wait3A_28 = tpu.memref_slice %arg12[%dma_wait3A, %dma_wait3A_27] : memref<10008x144xf32, #tpu.memory_space<vmem_shared>> -> memref<520x144xf32, #tpu.memory_space<vmem_shared>>
        %dma_wait3A_29 = arith.constant 9480 : i32
        %dma_wait3A_30 = arith.constant 0 : i32
        %dma_wait3A_31 = tpu.memref_slice %arg5[%dma_wait3A_29, %dma_wait3A_30] : memref<10000x144xf32, #tpu.memory_space<hbm>> -> memref<520x144xf32, #tpu.memory_space<hbm>>
        tpu.wait_dma2 semaphore(%run_scoped3A : memref<!tpu.dma_semaphore, #tpu.memory_space<semaphore_mem>>) src(%dma_wait3A_31 : memref<520x144xf32, #tpu.memory_space<hbm>>) dst(%dma_wait3A_28 : memref<520x144xf32, #tpu.memory_space<vmem_shared>>)
        tpu.yield
      }) : () -> ()
    } else {
    }
    %barrier3A = arith.constant 0 : index
    tpu.barrier barrier_id(%barrier3A)
    %scan3A = arith.constant 0 : i32
    %scan3A_6 = arith.constant 0 : i32
    %scan3A_7 = arith.constant 19 : i32
    %scan3A_8 = arith.addi %scan3A_6, %scan3A_7 : i32
    %scan3A_9 = arith.constant 1 : i32
    scf.for %scan3A_22 = %scan3A_6 to %scan3A_8 step %scan3A_9  : i32 {
      %mul3A = arith.constant 12 : i32
      %mul3A_23 = arith.muli %scan3A_22, %mul3A : i32
      "tpu.region"() ({
        %run_scoped3A = tpu.sem_alloc : memref<!tpu.dma_semaphore, #tpu.memory_space<semaphore_mem>>
        %dma_start3A_65 = arith.constant 0 : i32
        %dma_start3A_66 = tpu.memref_slice %arg3[%arg0, %arg1, %mul3A_23, %dma_start3A_65] : memref<2x16x228x88xi32, #tpu.memory_space<hbm>> -> memref<1x1x12x88xi32, #tpu.memory_space<hbm>>
        %dma_start3A_67 = tpu.memref_squeeze %dma_start3A_66 : memref<1x1x12x88xi32, #tpu.memory_space<hbm>> -> memref<12x88xi32, #tpu.memory_space<hbm>>
        %dma_start3A_68 = arith.constant 0 : i32
        %dma_start3A_69 = tpu.memref_slice %arg3[%arg0, %arg1, %mul3A_23, %dma_start3A_68] : memref<2x16x228x88xi32, #tpu.memory_space<hbm>> -> memref<1x1x12x88xi32, #tpu.memory_space<hbm>>
        %dma_start3A_70 = tpu.memref_squeeze %dma_start3A_69 : memref<1x1x12x88xi32, #tpu.memory_space<hbm>> -> memref<12x88xi32, #tpu.memory_space<hbm>>
        tpu.enqueue_dma source(%dma_start3A_70 : memref<12x88xi32, #tpu.memory_space<hbm>>) target(%arg7 : memref<12x88xi32, #tpu.memory_space<vmem>>) target_semaphore(%run_scoped3A : memref<!tpu.dma_semaphore, #tpu.memory_space<semaphore_mem>>)
        %dma_wait3A_71 = arith.constant 0 : i32
        %dma_wait3A_72 = tpu.memref_slice %arg3[%arg0, %arg1, %mul3A_23, %dma_wait3A_71] : memref<2x16x228x88xi32, #tpu.memory_space<hbm>> -> memref<1x1x12x88xi32, #tpu.memory_space<hbm>>
        %dma_wait3A_73 = tpu.memref_squeeze %dma_wait3A_72 : memref<1x1x12x88xi32, #tpu.memory_space<hbm>> -> memref<12x88xi32, #tpu.memory_space<hbm>>
        %dma_wait3A_74 = arith.constant 0 : i32
        %dma_wait3A_75 = tpu.memref_slice %arg3[%arg0, %arg1, %mul3A_23, %dma_wait3A_74] : memref<2x16x228x88xi32, #tpu.memory_space<hbm>> -> memref<1x1x12x88xi32, #tpu.memory_space<hbm>>
        %dma_wait3A_76 = tpu.memref_squeeze %dma_wait3A_75 : memref<1x1x12x88xi32, #tpu.memory_space<hbm>> -> memref<12x88xi32, #tpu.memory_space<hbm>>
        tpu.wait_dma2 semaphore(%run_scoped3A : memref<!tpu.dma_semaphore, #tpu.memory_space<semaphore_mem>>) src(%dma_wait3A_76 : memref<12x88xi32, #tpu.memory_space<hbm>>) dst(%arg7 : memref<12x88xi32, #tpu.memory_space<vmem>>)
        tpu.yield
      }) : () -> ()
      %mul3A_24 = arith.constant 12 : i32
      %mul3A_25 = arith.muli %scan3A_22, %mul3A_24 : i32
      "tpu.region"() ({
        %run_scoped3A = tpu.sem_alloc : memref<!tpu.dma_semaphore, #tpu.memory_space<semaphore_mem>>
        %dma_start3A_65 = arith.constant 0 : i32
        %dma_start3A_66 = tpu.memref_slice %arg4[%arg1, %mul3A_25, %dma_start3A_65] : memref<16x228x88xi32, #tpu.memory_space<hbm>> -> memref<1x12x88xi32, #tpu.memory_space<hbm>>
        %dma_start3A_67 = tpu.memref_squeeze %dma_start3A_66 : memref<1x12x88xi32, #tpu.memory_space<hbm>> -> memref<12x88xi32, #tpu.memory_space<hbm>>
        %dma_start3A_68 = arith.constant 0 : i32
        %dma_start3A_69 = tpu.memref_slice %arg4[%arg1, %mul3A_25, %dma_start3A_68] : memref<16x228x88xi32, #tpu.memory_space<hbm>> -> memref<1x12x88xi32, #tpu.memory_space<hbm>>
        %dma_start3A_70 = tpu.memref_squeeze %dma_start3A_69 : memref<1x12x88xi32, #tpu.memory_space<hbm>> -> memref<12x88xi32, #tpu.memory_space<hbm>>
        tpu.enqueue_dma source(%dma_start3A_70 : memref<12x88xi32, #tpu.memory_space<hbm>>) target(%arg8 : memref<12x88xi32, #tpu.memory_space<vmem>>) target_semaphore(%run_scoped3A : memref<!tpu.dma_semaphore, #tpu.memory_space<semaphore_mem>>)
        %dma_wait3A_71 = arith.constant 0 : i32
        %dma_wait3A_72 = tpu.memref_slice %arg4[%arg1, %mul3A_25, %dma_wait3A_71] : memref<16x228x88xi32, #tpu.memory_space<hbm>> -> memref<1x12x88xi32, #tpu.memory_space<hbm>>
        %dma_wait3A_73 = tpu.memref_squeeze %dma_wait3A_72 : memref<1x12x88xi32, #tpu.memory_space<hbm>> -> memref<12x88xi32, #tpu.memory_space<hbm>>
        %dma_wait3A_74 = arith.constant 0 : i32
        %dma_wait3A_75 = tpu.memref_slice %arg4[%arg1, %mul3A_25, %dma_wait3A_74] : memref<16x228x88xi32, #tpu.memory_space<hbm>> -> memref<1x12x88xi32, #tpu.memory_space<hbm>>
        %dma_wait3A_76 = tpu.memref_squeeze %dma_wait3A_75 : memref<1x12x88xi32, #tpu.memory_space<hbm>> -> memref<12x88xi32, #tpu.memory_space<hbm>>
        tpu.wait_dma2 semaphore(%run_scoped3A : memref<!tpu.dma_semaphore, #tpu.memory_space<semaphore_mem>>) src(%dma_wait3A_76 : memref<12x88xi32, #tpu.memory_space<hbm>>) dst(%arg8 : memref<12x88xi32, #tpu.memory_space<vmem>>)
        tpu.yield
      }) : () -> ()
      %dma_start3A = arith.constant 0 : i32
      %dma_start3A_26 = arith.constant 0 : i32
      %dma_start3A_27 = tpu.memref_slice %arg7[%dma_start3A, %dma_start3A_26] : memref<12x88xi32, #tpu.memory_space<vmem>> -> memref<1x88xi32, #tpu.memory_space<vmem>>
      %dma_start3A_28 = tpu.memref_squeeze %dma_start3A_27 : memref<1x88xi32, #tpu.memory_space<vmem>> -> memref<88xi32, #tpu.memory_space<vmem>>
      %dma_start3A_29 = arith.constant 0 : i32
      %dma_start3A_30 = arith.constant 0 : i32
      %dma_start3A_31 = tpu.memref_slice %arg2[%dma_start3A_29, %dma_start3A_30] : memref<20000x144xf32, #tpu.memory_space<hbm>> -> memref<20000x144xf32, #tpu.memory_space<hbm>>
      tpu.enqueue_indirect_dma source(%dma_start3A_31 : memref<20000x144xf32, #tpu.memory_space<hbm>>) target(%arg9 : memref<88x144xf32, #tpu.memory_space<vmem>>) offsets(%dma_start3A_28 : memref<88xi32, #tpu.memory_space<vmem>>) semaphore(%arg13 : memref<!tpu.dma_semaphore, #tpu.memory_space<semaphore_mem>>)
      %dma_start3A_32 = arith.constant 1 : i32
      %dma_start3A_33 = arith.constant 0 : i32
      %dma_start3A_34 = tpu.memref_slice %arg7[%dma_start3A_32, %dma_start3A_33] : memref<12x88xi32, #tpu.memory_space<vmem>> -> memref<1x88xi32, #tpu.memory_space<vmem>>
      %dma_start3A_35 = tpu.memref_squeeze %dma_start3A_34 : memref<1x88xi32, #tpu.memory_space<vmem>> -> memref<88xi32, #tpu.memory_space<vmem>>
      %dma_start3A_36 = arith.constant 0 : i32
      %dma_start3A_37 = arith.constant 0 : i32
      %dma_start3A_38 = tpu.memref_slice %arg2[%dma_start3A_36, %dma_start3A_37] : memref<20000x144xf32, #tpu.memory_space<hbm>> -> memref<20000x144xf32, #tpu.memory_space<hbm>>
      tpu.enqueue_indirect_dma source(%dma_start3A_38 : memref<20000x144xf32, #tpu.memory_space<hbm>>) target(%arg10 : memref<88x144xf32, #tpu.memory_space<vmem>>) offsets(%dma_start3A_35 : memref<88xi32, #tpu.memory_space<vmem>>) semaphore(%arg14 : memref<!tpu.dma_semaphore, #tpu.memory_space<semaphore_mem>>)
      %scan3A_39 = arith.constant 0 : i32
      %scan3A_40 = arith.constant 0 : i32
      %scan3A_41 = arith.constant 4 : i32
      %scan3A_42 = arith.addi %scan3A_40, %scan3A_41 : i32
      %scan3A_43 = arith.constant 1 : i32
      scf.for %scan3A_65 = %scan3A_40 to %scan3A_42 step %scan3A_43  : i32 {
        %mul3A_66 = arith.constant 3 : i32
        %mul3A_67 = arith.muli %scan3A_65, %mul3A_66 : i32
        %dma_wait3A_68 = arith.constant 0 : i32
        %dma_wait3A_69 = tpu.memref_slice %arg7[%mul3A_67, %dma_wait3A_68] : memref<12x88xi32, #tpu.memory_space<vmem>> -> memref<1x88xi32, #tpu.memory_space<vmem>>
        %dma_wait3A_70 = tpu.memref_squeeze %dma_wait3A_69 : memref<1x88xi32, #tpu.memory_space<vmem>> -> memref<88xi32, #tpu.memory_space<vmem>>
        %dma_wait3A_71 = arith.constant 0 : i32
        %dma_wait3A_72 = arith.constant 0 : i32
        %dma_wait3A_73 = tpu.memref_slice %arg2[%dma_wait3A_71, %dma_wait3A_72] : memref<20000x144xf32, #tpu.memory_space<hbm>> -> memref<20000x144xf32, #tpu.memory_space<hbm>>
        tpu.wait_indirect_dma semaphore(%arg13 : memref<!tpu.dma_semaphore, #tpu.memory_space<semaphore_mem>>) src(%dma_wait3A_73 : memref<20000x144xf32, #tpu.memory_space<hbm>>) dst(%arg9 : memref<88x144xf32, #tpu.memory_space<vmem>>)
        %dma_start3A_74 = arith.constant 0 : i32
        %dma_start3A_75 = tpu.memref_slice %arg8[%mul3A_67, %dma_start3A_74] : memref<12x88xi32, #tpu.memory_space<vmem>> -> memref<1x88xi32, #tpu.memory_space<vmem>>
        %dma_start3A_76 = tpu.memref_squeeze %dma_start3A_75 : memref<1x88xi32, #tpu.memory_space<vmem>> -> memref<88xi32, #tpu.memory_space<vmem>>
        %dma_start3A_77 = arith.constant 0 : i32
        %dma_start3A_78 = arith.constant 0 : i32
        %dma_start3A_79 = tpu.memref_slice %arg12[%dma_start3A_77, %dma_start3A_78] : memref<10008x144xf32, #tpu.memory_space<vmem_shared>> -> memref<10008x144xf32, #tpu.memory_space<vmem_shared>>
        tpu.enqueue_indirect_dma source(%arg9 : memref<88x144xf32, #tpu.memory_space<vmem>>) target(%dma_start3A_79 : memref<10008x144xf32, #tpu.memory_space<vmem_shared>>) offsets(%dma_start3A_76 : memref<88xi32, #tpu.memory_space<vmem>>) semaphore(%arg16 : memref<!tpu.dma_semaphore, #tpu.memory_space<semaphore_mem>>) {add = true}
        %add3A = arith.constant 2 : i32
        %add3A_80 = arith.addi %mul3A_67, %add3A : i32
        %lt3A_81 = arith.constant 12 : i32
        %lt3A_82 = arith.cmpi slt, %add3A_80, %lt3A_81 : i32
        %convert_element_type3A_83 = arith.extui %lt3A_82 : i1 to i32
        %cond3A_84 = arith.constant 0 : i32
        %cond3A_85 = arith.cmpi ne, %convert_element_type3A_83, %cond3A_84 : i32
        scf.if %cond3A_85 {
          %ge3A = arith.constant 1 : i32
          %ge3A_128 = arith.cmpi sge, %mul3A_67, %ge3A : i32
          %convert_element_type3A_129 = arith.extui %ge3A_128 : i1 to i32
          %cond3A_130 = arith.constant 0 : i32
          %cond3A_131 = arith.cmpi ne, %convert_element_type3A_129, %cond3A_130 : i32
          scf.if %cond3A_131 {
            %sub3A = arith.constant 1 : i32
            %sub3A_140 = arith.subi %mul3A_67, %sub3A : i32
            %dma_wait3A_141 = arith.constant 0 : i32
            %dma_wait3A_142 = tpu.memref_slice %arg8[%sub3A_140, %dma_wait3A_141] : memref<12x88xi32, #tpu.memory_space<vmem>> -> memref<1x88xi32, #tpu.memory_space<vmem>>
            %dma_wait3A_143 = tpu.memref_squeeze %dma_wait3A_142 : memref<1x88xi32, #tpu.memory_space<vmem>> -> memref<88xi32, #tpu.memory_space<vmem>>
            %dma_wait3A_144 = arith.constant 0 : i32
            %dma_wait3A_145 = arith.constant 0 : i32
            %dma_wait3A_146 = tpu.memref_slice %arg12[%dma_wait3A_144, %dma_wait3A_145] : memref<10008x144xf32, #tpu.memory_space<vmem_shared>> -> memref<10008x144xf32, #tpu.memory_space<vmem_shared>>
            tpu.wait_indirect_dma semaphore(%arg18 : memref<!tpu.dma_semaphore, #tpu.memory_space<semaphore_mem>>) src(%arg11 : memref<88x144xf32, #tpu.memory_space<vmem>>) dst(%dma_wait3A_146 : memref<10008x144xf32, #tpu.memory_space<vmem_shared>>)
          } else {
          }
          %add3A_132 = arith.constant 2 : i32
          %add3A_133 = arith.addi %mul3A_67, %add3A_132 : i32
          %dma_start3A_134 = arith.constant 0 : i32
          %dma_start3A_135 = tpu.memref_slice %arg7[%add3A_133, %dma_start3A_134] : memref<12x88xi32, #tpu.memory_space<vmem>> -> memref<1x88xi32, #tpu.memory_space<vmem>>
          %dma_start3A_136 = tpu.memref_squeeze %dma_start3A_135 : memref<1x88xi32, #tpu.memory_space<vmem>> -> memref<88xi32, #tpu.memory_space<vmem>>
          %dma_start3A_137 = arith.constant 0 : i32
          %dma_start3A_138 = arith.constant 0 : i32
          %dma_start3A_139 = tpu.memref_slice %arg2[%dma_start3A_137, %dma_start3A_138] : memref<20000x144xf32, #tpu.memory_space<hbm>> -> memref<20000x144xf32, #tpu.memory_space<hbm>>
          tpu.enqueue_indirect_dma source(%dma_start3A_139 : memref<20000x144xf32, #tpu.memory_space<hbm>>) target(%arg11 : memref<88x144xf32, #tpu.memory_space<vmem>>) offsets(%dma_start3A_136 : memref<88xi32, #tpu.memory_space<vmem>>) semaphore(%arg15 : memref<!tpu.dma_semaphore, #tpu.memory_space<semaphore_mem>>)
        } else {
        }
        %add3A_86 = arith.constant 1 : i32
        %add3A_87 = arith.addi %mul3A_67, %add3A_86 : i32
        %dma_wait3A_88 = arith.constant 0 : i32
        %dma_wait3A_89 = tpu.memref_slice %arg7[%add3A_87, %dma_wait3A_88] : memref<12x88xi32, #tpu.memory_space<vmem>> -> memref<1x88xi32, #tpu.memory_space<vmem>>
        %dma_wait3A_90 = tpu.memref_squeeze %dma_wait3A_89 : memref<1x88xi32, #tpu.memory_space<vmem>> -> memref<88xi32, #tpu.memory_space<vmem>>
        %dma_wait3A_91 = arith.constant 0 : i32
        %dma_wait3A_92 = arith.constant 0 : i32
        %dma_wait3A_93 = tpu.memref_slice %arg2[%dma_wait3A_91, %dma_wait3A_92] : memref<20000x144xf32, #tpu.memory_space<hbm>> -> memref<20000x144xf32, #tpu.memory_space<hbm>>
        tpu.wait_indirect_dma semaphore(%arg14 : memref<!tpu.dma_semaphore, #tpu.memory_space<semaphore_mem>>) src(%dma_wait3A_93 : memref<20000x144xf32, #tpu.memory_space<hbm>>) dst(%arg10 : memref<88x144xf32, #tpu.memory_space<vmem>>)
        %dma_start3A_94 = arith.constant 0 : i32
        %dma_start3A_95 = tpu.memref_slice %arg8[%add3A_87, %dma_start3A_94] : memref<12x88xi32, #tpu.memory_space<vmem>> -> memref<1x88xi32, #tpu.memory_space<vmem>>
        %dma_start3A_96 = tpu.memref_squeeze %dma_start3A_95 : memref<1x88xi32, #tpu.memory_space<vmem>> -> memref<88xi32, #tpu.memory_space<vmem>>
        %dma_start3A_97 = arith.constant 0 : i32
        %dma_start3A_98 = arith.constant 0 : i32
        %dma_start3A_99 = tpu.memref_slice %arg12[%dma_start3A_97, %dma_start3A_98] : memref<10008x144xf32, #tpu.memory_space<vmem_shared>> -> memref<10008x144xf32, #tpu.memory_space<vmem_shared>>
        tpu.enqueue_indirect_dma source(%arg10 : memref<88x144xf32, #tpu.memory_space<vmem>>) target(%dma_start3A_99 : memref<10008x144xf32, #tpu.memory_space<vmem_shared>>) offsets(%dma_start3A_96 : memref<88xi32, #tpu.memory_space<vmem>>) semaphore(%arg17 : memref<!tpu.dma_semaphore, #tpu.memory_space<semaphore_mem>>) {add = true}
        %add3A_100 = arith.constant 2 : i32
        %add3A_101 = arith.addi %add3A_87, %add3A_100 : i32
        %lt3A_102 = arith.constant 12 : i32
        %lt3A_103 = arith.cmpi slt, %add3A_101, %lt3A_102 : i32
        %convert_element_type3A_104 = arith.extui %lt3A_103 : i1 to i32
        %cond3A_105 = arith.constant 0 : i32
        %cond3A_106 = arith.cmpi ne, %convert_element_type3A_104, %cond3A_105 : i32
        scf.if %cond3A_106 {
          %ge3A = arith.constant 1 : i32
          %ge3A_128 = arith.cmpi sge, %add3A_87, %ge3A : i32
          %convert_element_type3A_129 = arith.extui %ge3A_128 : i1 to i32
          %cond3A_130 = arith.constant 0 : i32
          %cond3A_131 = arith.cmpi ne, %convert_element_type3A_129, %cond3A_130 : i32
          scf.if %cond3A_131 {
            %sub3A = arith.constant 1 : i32
            %sub3A_140 = arith.subi %add3A_87, %sub3A : i32
            %dma_wait3A_141 = arith.constant 0 : i32
            %dma_wait3A_142 = tpu.memref_slice %arg8[%sub3A_140, %dma_wait3A_141] : memref<12x88xi32, #tpu.memory_space<vmem>> -> memref<1x88xi32, #tpu.memory_space<vmem>>
            %dma_wait3A_143 = tpu.memref_squeeze %dma_wait3A_142 : memref<1x88xi32, #tpu.memory_space<vmem>> -> memref<88xi32, #tpu.memory_space<vmem>>
            %dma_wait3A_144 = arith.constant 0 : i32
            %dma_wait3A_145 = arith.constant 0 : i32
            %dma_wait3A_146 = tpu.memref_slice %arg12[%dma_wait3A_144, %dma_wait3A_145] : memref<10008x144xf32, #tpu.memory_space<vmem_shared>> -> memref<10008x144xf32, #tpu.memory_space<vmem_shared>>
            tpu.wait_indirect_dma semaphore(%arg16 : memref<!tpu.dma_semaphore, #tpu.memory_space<semaphore_mem>>) src(%arg9 : memref<88x144xf32, #tpu.memory_space<vmem>>) dst(%dma_wait3A_146 : memref<10008x144xf32, #tpu.memory_space<vmem_shared>>)
          } else {
          }
          %add3A_132 = arith.constant 2 : i32
          %add3A_133 = arith.addi %add3A_87, %add3A_132 : i32
          %dma_start3A_134 = arith.constant 0 : i32
          %dma_start3A_135 = tpu.memref_slice %arg7[%add3A_133, %dma_start3A_134] : memref<12x88xi32, #tpu.memory_space<vmem>> -> memref<1x88xi32, #tpu.memory_space<vmem>>
          %dma_start3A_136 = tpu.memref_squeeze %dma_start3A_135 : memref<1x88xi32, #tpu.memory_space<vmem>> -> memref<88xi32, #tpu.memory_space<vmem>>
          %dma_start3A_137 = arith.constant 0 : i32
          %dma_start3A_138 = arith.constant 0 : i32
          %dma_start3A_139 = tpu.memref_slice %arg2[%dma_start3A_137, %dma_start3A_138] : memref<20000x144xf32, #tpu.memory_space<hbm>> -> memref<20000x144xf32, #tpu.memory_space<hbm>>
          tpu.enqueue_indirect_dma source(%dma_start3A_139 : memref<20000x144xf32, #tpu.memory_space<hbm>>) target(%arg9 : memref<88x144xf32, #tpu.memory_space<vmem>>) offsets(%dma_start3A_136 : memref<88xi32, #tpu.memory_space<vmem>>) semaphore(%arg13 : memref<!tpu.dma_semaphore, #tpu.memory_space<semaphore_mem>>)
        } else {
        }
        %add3A_107 = arith.constant 2 : i32
        %add3A_108 = arith.addi %mul3A_67, %add3A_107 : i32
        %dma_wait3A_109 = arith.constant 0 : i32
        %dma_wait3A_110 = tpu.memref_slice %arg7[%add3A_108, %dma_wait3A_109] : memref<12x88xi32, #tpu.memory_space<vmem>> -> memref<1x88xi32, #tpu.memory_space<vmem>>
        %dma_wait3A_111 = tpu.memref_squeeze %dma_wait3A_110 : memref<1x88xi32, #tpu.memory_space<vmem>> -> memref<88xi32, #tpu.memory_space<vmem>>
        %dma_wait3A_112 = arith.constant 0 : i32
        %dma_wait3A_113 = arith.constant 0 : i32
        %dma_wait3A_114 = tpu.memref_slice %arg2[%dma_wait3A_112, %dma_wait3A_113] : memref<20000x144xf32, #tpu.memory_space<hbm>> -> memref<20000x144xf32, #tpu.memory_space<hbm>>
        tpu.wait_indirect_dma semaphore(%arg15 : memref<!tpu.dma_semaphore, #tpu.memory_space<semaphore_mem>>) src(%dma_wait3A_114 : memref<20000x144xf32, #tpu.memory_space<hbm>>) dst(%arg11 : memref<88x144xf32, #tpu.memory_space<vmem>>)
        %dma_start3A_115 = arith.constant 0 : i32
        %dma_start3A_116 = tpu.memref_slice %arg8[%add3A_108, %dma_start3A_115] : memref<12x88xi32, #tpu.memory_space<vmem>> -> memref<1x88xi32, #tpu.memory_space<vmem>>
        %dma_start3A_117 = tpu.memref_squeeze %dma_start3A_116 : memref<1x88xi32, #tpu.memory_space<vmem>> -> memref<88xi32, #tpu.memory_space<vmem>>
        %dma_start3A_118 = arith.constant 0 : i32
        %dma_start3A_119 = arith.constant 0 : i32
        %dma_start3A_120 = tpu.memref_slice %arg12[%dma_start3A_118, %dma_start3A_119] : memref<10008x144xf32, #tpu.memory_space<vmem_shared>> -> memref<10008x144xf32, #tpu.memory_space<vmem_shared>>
        tpu.enqueue_indirect_dma source(%arg11 : memref<88x144xf32, #tpu.memory_space<vmem>>) target(%dma_start3A_120 : memref<10008x144xf32, #tpu.memory_space<vmem_shared>>) offsets(%dma_start3A_117 : memref<88xi32, #tpu.memory_space<vmem>>) semaphore(%arg18 : memref<!tpu.dma_semaphore, #tpu.memory_space<semaphore_mem>>) {add = true}
        %add3A_121 = arith.constant 2 : i32
        %add3A_122 = arith.addi %add3A_108, %add3A_121 : i32
        %lt3A_123 = arith.constant 12 : i32
        %lt3A_124 = arith.cmpi slt, %add3A_122, %lt3A_123 : i32
        %convert_element_type3A_125 = arith.extui %lt3A_124 : i1 to i32
        %cond3A_126 = arith.constant 0 : i32
        %cond3A_127 = arith.cmpi ne, %convert_element_type3A_125, %cond3A_126 : i32
        scf.if %cond3A_127 {
          %ge3A = arith.constant 1 : i32
          %ge3A_128 = arith.cmpi sge, %add3A_108, %ge3A : i32
          %convert_element_type3A_129 = arith.extui %ge3A_128 : i1 to i32
          %cond3A_130 = arith.constant 0 : i32
          %cond3A_131 = arith.cmpi ne, %convert_element_type3A_129, %cond3A_130 : i32
          scf.if %cond3A_131 {
            %sub3A = arith.constant 1 : i32
            %sub3A_140 = arith.subi %add3A_108, %sub3A : i32
            %dma_wait3A_141 = arith.constant 0 : i32
            %dma_wait3A_142 = tpu.memref_slice %arg8[%sub3A_140, %dma_wait3A_141] : memref<12x88xi32, #tpu.memory_space<vmem>> -> memref<1x88xi32, #tpu.memory_space<vmem>>
            %dma_wait3A_143 = tpu.memref_squeeze %dma_wait3A_142 : memref<1x88xi32, #tpu.memory_space<vmem>> -> memref<88xi32, #tpu.memory_space<vmem>>
            %dma_wait3A_144 = arith.constant 0 : i32
            %dma_wait3A_145 = arith.constant 0 : i32
            %dma_wait3A_146 = tpu.memref_slice %arg12[%dma_wait3A_144, %dma_wait3A_145] : memref<10008x144xf32, #tpu.memory_space<vmem_shared>> -> memref<10008x144xf32, #tpu.memory_space<vmem_shared>>
            tpu.wait_indirect_dma semaphore(%arg17 : memref<!tpu.dma_semaphore, #tpu.memory_space<semaphore_mem>>) src(%arg10 : memref<88x144xf32, #tpu.memory_space<vmem>>) dst(%dma_wait3A_146 : memref<10008x144xf32, #tpu.memory_space<vmem_shared>>)
          } else {
          }
          %add3A_132 = arith.constant 2 : i32
          %add3A_133 = arith.addi %add3A_108, %add3A_132 : i32
          %dma_start3A_134 = arith.constant 0 : i32
          %dma_start3A_135 = tpu.memref_slice %arg7[%add3A_133, %dma_start3A_134] : memref<12x88xi32, #tpu.memory_space<vmem>> -> memref<1x88xi32, #tpu.memory_space<vmem>>
          %dma_start3A_136 = tpu.memref_squeeze %dma_start3A_135 : memref<1x88xi32, #tpu.memory_space<vmem>> -> memref<88xi32, #tpu.memory_space<vmem>>
          %dma_start3A_137 = arith.constant 0 : i32
          %dma_start3A_138 = arith.constant 0 : i32
          %dma_start3A_139 = tpu.memref_slice %arg2[%dma_start3A_137, %dma_start3A_138] : memref<20000x144xf32, #tpu.memory_space<hbm>> -> memref<20000x144xf32, #tpu.memory_space<hbm>>
          tpu.enqueue_indirect_dma source(%dma_start3A_139 : memref<20000x144xf32, #tpu.memory_space<hbm>>) target(%arg10 : memref<88x144xf32, #tpu.memory_space<vmem>>) offsets(%dma_start3A_136 : memref<88xi32, #tpu.memory_space<vmem>>) semaphore(%arg14 : memref<!tpu.dma_semaphore, #tpu.memory_space<semaphore_mem>>)
        } else {
        }
      }
      %scan3A_44 = arith.constant 4 : i32
      %dma_wait3A = arith.constant 9 : i32
      %dma_wait3A_45 = arith.constant 0 : i32
      %dma_wait3A_46 = tpu.memref_slice %arg8[%dma_wait3A, %dma_wait3A_45] : memref<12x88xi32, #tpu.memory_space<vmem>> -> memref<1x88xi32, #tpu.memory_space<vmem>>
      %dma_wait3A_47 = tpu.memref_squeeze %dma_wait3A_46 : memref<1x88xi32, #tpu.memory_space<vmem>> -> memref<88xi32, #tpu.memory_space<vmem>>
      %dma_wait3A_48 = arith.constant 0 : i32
      %dma_wait3A_49 = arith.constant 0 : i32
      %dma_wait3A_50 = tpu.memref_slice %arg12[%dma_wait3A_48, %dma_wait3A_49] : memref<10008x144xf32, #tpu.memory_space<vmem_shared>> -> memref<10008x144xf32, #tpu.memory_space<vmem_shared>>
      tpu.wait_indirect_dma semaphore(%arg16 : memref<!tpu.dma_semaphore, #tpu.memory_space<semaphore_mem>>) src(%arg9 : memref<88x144xf32, #tpu.memory_space<vmem>>) dst(%dma_wait3A_50 : memref<10008x144xf32, #tpu.memory_space<vmem_shared>>)
      %dma_wait3A_51 = arith.constant 10 : i32
      %dma_wait3A_52 = arith.constant 0 : i32
      %dma_wait3A_53 = tpu.memref_slice %arg8[%dma_wait3A_51, %dma_wait3A_52] : memref<12x88xi32, #tpu.memory_space<vmem>> -> memref<1x88xi32, #tpu.memory_space<vmem>>
      %dma_wait3A_54 = tpu.memref_squeeze %dma_wait3A_53 : memref<1x88xi32, #tpu.memory_space<vmem>> -> memref<88xi32, #tpu.memory_space<vmem>>
      %dma_wait3A_55 = arith.constant 0 : i32
      %dma_wait3A_56 = arith.constant 0 : i32
      %dma_wait3A_57 = tpu.memref_slice %arg12[%dma_wait3A_55, %dma_wait3A_56] : memref<10008x144xf32, #tpu.memory_space<vmem_shared>> -> memref<10008x144xf32, #tpu.memory_space<vmem_shared>>
      tpu.wait_indirect_dma semaphore(%arg17 : memref<!tpu.dma_semaphore, #tpu.memory_space<semaphore_mem>>) src(%arg10 : memref<88x144xf32, #tpu.memory_space<vmem>>) dst(%dma_wait3A_57 : memref<10008x144xf32, #tpu.memory_space<vmem_shared>>)
      %dma_wait3A_58 = arith.constant 11 : i32
      %dma_wait3A_59 = arith.constant 0 : i32
      %dma_wait3A_60 = tpu.memref_slice %arg8[%dma_wait3A_58, %dma_wait3A_59] : memref<12x88xi32, #tpu.memory_space<vmem>> -> memref<1x88xi32, #tpu.memory_space<vmem>>
      %dma_wait3A_61 = tpu.memref_squeeze %dma_wait3A_60 : memref<1x88xi32, #tpu.memory_space<vmem>> -> memref<88xi32, #tpu.memory_space<vmem>>
      %dma_wait3A_62 = arith.constant 0 : i32
      %dma_wait3A_63 = arith.constant 0 : i32
      %dma_wait3A_64 = tpu.memref_slice %arg12[%dma_wait3A_62, %dma_wait3A_63] : memref<10008x144xf32, #tpu.memory_space<vmem_shared>> -> memref<10008x144xf32, #tpu.memory_space<vmem_shared>>
      tpu.wait_indirect_dma semaphore(%arg18 : memref<!tpu.dma_semaphore, #tpu.memory_space<semaphore_mem>>) src(%arg11 : memref<88x144xf32, #tpu.memory_space<vmem>>) dst(%dma_wait3A_64 : memref<10008x144xf32, #tpu.memory_space<vmem_shared>>)
    }
    %scan3A_10 = arith.constant 19 : i32
    %barrier3A_11 = arith.constant 0 : index
    tpu.barrier barrier_id(%barrier3A_11)
    %lt3A_12 = arith.constant 15 : i32
    %lt3A_13 = arith.cmpi slt, %arg1, %lt3A_12 : i32
    %convert_element_type3A_14 = arith.extui %lt3A_13 : i1 to i32
    %cond3A_15 = arith.constant 0 : i32
    %cond3A_16 = arith.cmpi ne, %convert_element_type3A_14, %cond3A_15 : i32
    scf.if %cond3A_16 {
      %mul3A = arith.constant 632 : i32
      %mul3A_22 = arith.muli %arg1, %mul3A : i32
      %mul3A_23 = arith.constant 10000 : i32
      %mul3A_24 = arith.muli %arg0, %mul3A_23 : i32
      %mul3A_25 = arith.constant 632 : i32
      %mul3A_26 = arith.muli %arg1, %mul3A_25 : i32
      %add3A = arith.addi %mul3A_24, %mul3A_26 : i32
      "tpu.region"() ({
        %run_scoped3A = tpu.sem_alloc : memref<!tpu.dma_semaphore, #tpu.memory_space<semaphore_mem>>
        %dma_start3A = arith.constant 0 : i32
        %dma_start3A_27 = tpu.memref_slice %arg6[%add3A, %dma_start3A] : memref<20000x144xf32, #tpu.memory_space<hbm>> -> memref<632x144xf32, #tpu.memory_space<hbm>>
        %dma_start3A_28 = arith.constant 0 : i32
        %dma_start3A_29 = tpu.memref_slice %arg12[%mul3A_22, %dma_start3A_28] : memref<10008x144xf32, #tpu.memory_space<vmem_shared>> -> memref<632x144xf32, #tpu.memory_space<vmem_shared>>
        tpu.enqueue_dma source(%dma_start3A_29 : memref<632x144xf32, #tpu.memory_space<vmem_shared>>) target(%dma_start3A_27 : memref<632x144xf32, #tpu.memory_space<hbm>>) target_semaphore(%run_scoped3A : memref<!tpu.dma_semaphore, #tpu.memory_space<semaphore_mem>>)
        %dma_wait3A = arith.constant 0 : i32
        %dma_wait3A_30 = tpu.memref_slice %arg6[%add3A, %dma_wait3A] : memref<20000x144xf32, #tpu.memory_space<hbm>> -> memref<632x144xf32, #tpu.memory_space<hbm>>
        %dma_wait3A_31 = arith.constant 0 : i32
        %dma_wait3A_32 = tpu.memref_slice %arg12[%mul3A_22, %dma_wait3A_31] : memref<10008x144xf32, #tpu.memory_space<vmem_shared>> -> memref<632x144xf32, #tpu.memory_space<vmem_shared>>
        tpu.wait_dma2 semaphore(%run_scoped3A : memref<!tpu.dma_semaphore, #tpu.memory_space<semaphore_mem>>) src(%dma_wait3A_32 : memref<632x144xf32, #tpu.memory_space<vmem_shared>>) dst(%dma_wait3A_30 : memref<632x144xf32, #tpu.memory_space<hbm>>)
        tpu.yield
      }) : () -> ()
    } else {
    }
    %eq3A_17 = arith.constant 15 : i32
    %eq3A_18 = arith.cmpi eq, %arg1, %eq3A_17 : i32
    %convert_element_type3A_19 = arith.extui %eq3A_18 : i1 to i32
    %cond3A_20 = arith.constant 0 : i32
    %cond3A_21 = arith.cmpi ne, %convert_element_type3A_19, %cond3A_20 : i32
    scf.if %cond3A_21 {
      %mul3A = arith.constant 10000 : i32
      %mul3A_22 = arith.muli %arg0, %mul3A : i32
      %add3A = arith.constant 9480 : i32
      %add3A_23 = arith.addi %mul3A_22, %add3A : i32
      "tpu.region"() ({
        %run_scoped3A = tpu.sem_alloc : memref<!tpu.dma_semaphore, #tpu.memory_space<semaphore_mem>>
        %dma_start3A = arith.constant 0 : i32
        %dma_start3A_24 = tpu.memref_slice %arg6[%add3A_23, %dma_start3A] : memref<20000x144xf32, #tpu.memory_space<hbm>> -> memref<520x144xf32, #tpu.memory_space<hbm>>
        %dma_start3A_25 = arith.constant 9480 : i32
        %dma_start3A_26 = arith.constant 0 : i32
        %dma_start3A_27 = tpu.memref_slice %arg12[%dma_start3A_25, %dma_start3A_26] : memref<10008x144xf32, #tpu.memory_space<vmem_shared>> -> memref<520x144xf32, #tpu.memory_space<vmem_shared>>
        tpu.enqueue_dma source(%dma_start3A_27 : memref<520x144xf32, #tpu.memory_space<vmem_shared>>) target(%dma_start3A_24 : memref<520x144xf32, #tpu.memory_space<hbm>>) target_semaphore(%run_scoped3A : memref<!tpu.dma_semaphore, #tpu.memory_space<semaphore_mem>>)
        %dma_wait3A = arith.constant 0 : i32
        %dma_wait3A_28 = tpu.memref_slice %arg6[%add3A_23, %dma_wait3A] : memref<20000x144xf32, #tpu.memory_space<hbm>> -> memref<520x144xf32, #tpu.memory_space<hbm>>
        %dma_wait3A_29 = arith.constant 9480 : i32
        %dma_wait3A_30 = arith.constant 0 : i32
        %dma_wait3A_31 = tpu.memref_slice %arg12[%dma_wait3A_29, %dma_wait3A_30] : memref<10008x144xf32, #tpu.memory_space<vmem_shared>> -> memref<520x144xf32, #tpu.memory_space<vmem_shared>>
        tpu.wait_dma2 semaphore(%run_scoped3A : memref<!tpu.dma_semaphore, #tpu.memory_space<semaphore_mem>>) src(%dma_wait3A_31 : memref<520x144xf32, #tpu.memory_space<vmem_shared>>) dst(%dma_wait3A_28 : memref<520x144xf32, #tpu.memory_space<hbm>>)
        tpu.yield
      }) : () -> ()
    } else {
    }
    return
  }
}

#map = affine_map<(d0, d1) -> (0, 0)>
#map1 = affine_map<(d0, d1) -> (0, 0, 0, 0)>
#map2 = affine_map<(d0, d1) -> (0, 0, 0)>
module attributes {stable_mosaic.version = 14 : i64} {
  func.func @_seg_body(%arg0: i32, %arg1: i32, %arg2: memref<20000x144xf32, #tpu.memory_space<hbm>>, %arg3: memref<2x16x228x88xi32, #tpu.memory_space<hbm>>, %arg4: memref<16x228x88xi32, #tpu.memory_space<hbm>>, %arg5: memref<10000x144xf32, #tpu.memory_space<hbm>>, %arg6: memref<20000x144xf32, #tpu.memory_space<hbm>>, %arg7: memref<12x88xi32, #tpu.memory_space<vmem>>, %arg8: memref<12x88xi32, #tpu.memory_space<vmem>>, %arg9: memref<88x144xf32, #tpu.memory_space<vmem>>, %arg10: memref<88x144xf32, #tpu.memory_space<vmem>>, %arg11: memref<88x144xf32, #tpu.memory_space<vmem>>, %arg12: memref<10008x144xf32, #tpu.memory_space<vmem_shared>>, %arg13: memref<!tpu.dma_semaphore, #tpu.memory_space<semaphore_mem>>, %arg14: memref<!tpu.dma_semaphore, #tpu.memory_space<semaphore_mem>>, %arg15: memref<!tpu.dma_semaphore, #tpu.memory_space<semaphore_mem>>, %arg16: memref<!tpu.dma_semaphore, #tpu.memory_space<semaphore_mem>>, %arg17: memref<!tpu.dma_semaphore, #tpu.memory_space<semaphore_mem>>, %arg18: memref<!tpu.dma_semaphore, #tpu.memory_space<semaphore_mem>>) attributes {dimension_semantics = [#tpu.dimension_semantics<core_parallel>, #tpu.dimension_semantics<subcore_parallel>], iteration_bounds = array<i64: 2, 16>, scalar_prefetch = 0 : i64, scratch_operands = 12 : i64, tpu.core_type = #tpu.core_type<sc_vector_subcore>, window_params = [{transform_indices = #map}, {transform_indices = #map1}, {transform_indices = #map2}, {transform_indices = #map}, {transform_indices = #map}]} {
    %lt3A = arith.constant 15 : i32
    %lt3A_0 = arith.cmpi slt, %arg1, %lt3A : i32
    %convert_element_type3A = arith.extui %lt3A_0 : i1 to i32
    %cond3A = arith.constant 0 : i32
    %cond3A_1 = arith.cmpi ne, %convert_element_type3A, %cond3A : i32
    scf.if %cond3A_1 {
      %mul3A = arith.constant 632 : i32
      %mul3A_22 = arith.muli %arg1, %mul3A : i32
      %mul3A_23 = arith.constant 632 : i32
      %mul3A_24 = arith.muli %arg1, %mul3A_23 : i32
      "tpu.region"() ({
        %run_scoped3A = tpu.sem_alloc : memref<!tpu.dma_semaphore, #tpu.memory_space<semaphore_mem>>
        %dma_start3A = arith.constant 0 : i32
        %dma_start3A_25 = tpu.memref_slice %arg12[%mul3A_24, %dma_start3A] : memref<10008x144xf32, #tpu.memory_space<vmem_shared>> -> memref<632x144xf32, #tpu.memory_space<vmem_shared>>
        %dma_start3A_26 = arith.constant 0 : i32
        %dma_start3A_27 = tpu.memref_slice %arg5[%mul3A_22, %dma_start3A_26] : memref<10000x144xf32, #tpu.memory_space<hbm>> -> memref<632x144xf32, #tpu.memory_space<hbm>>
        tpu.enqueue_dma source(%dma_start3A_27 : memref<632x144xf32, #tpu.memory_space<hbm>>) target(%dma_start3A_25 : memref<632x144xf32, #tpu.memory_space<vmem_shared>>) target_semaphore(%run_scoped3A : memref<!tpu.dma_semaphore, #tpu.memory_space<semaphore_mem>>)
        %dma_wait3A = arith.constant 0 : i32
        %dma_wait3A_28 = tpu.memref_slice %arg12[%mul3A_24, %dma_wait3A] : memref<10008x144xf32, #tpu.memory_space<vmem_shared>> -> memref<632x144xf32, #tpu.memory_space<vmem_shared>>
        %dma_wait3A_29 = arith.constant 0 : i32
        %dma_wait3A_30 = tpu.memref_slice %arg5[%mul3A_22, %dma_wait3A_29] : memref<10000x144xf32, #tpu.memory_space<hbm>> -> memref<632x144xf32, #tpu.memory_space<hbm>>
        tpu.wait_dma2 semaphore(%run_scoped3A : memref<!tpu.dma_semaphore, #tpu.memory_space<semaphore_mem>>) src(%dma_wait3A_30 : memref<632x144xf32, #tpu.memory_space<hbm>>) dst(%dma_wait3A_28 : memref<632x144xf32, #tpu.memory_space<vmem_shared>>)
        tpu.yield
      }) : () -> ()
    } else {
    }
    %eq3A = arith.constant 15 : i32
    %eq3A_2 = arith.cmpi eq, %arg1, %eq3A : i32
    %convert_element_type3A_3 = arith.extui %eq3A_2 : i1 to i32
    %cond3A_4 = arith.constant 0 : i32
    %cond3A_5 = arith.cmpi ne, %convert_element_type3A_3, %cond3A_4 : i32
    scf.if %cond3A_5 {
      "tpu.region"() ({
        %run_scoped3A = tpu.sem_alloc : memref<!tpu.dma_semaphore, #tpu.memory_space<semaphore_mem>>
        %dma_start3A = arith.constant 9480 : i32
        %dma_start3A_22 = arith.constant 0 : i32
        %dma_start3A_23 = tpu.memref_slice %arg12[%dma_start3A, %dma_start3A_22] : memref<10008x144xf32, #tpu.memory_space<vmem_shared>> -> memref<520x144xf32, #tpu.memory_space<vmem_shared>>
        %dma_start3A_24 = arith.constant 9480 : i32
        %dma_start3A_25 = arith.constant 0 : i32
        %dma_start3A_26 = tpu.memref_slice %arg5[%dma_start3A_24, %dma_start3A_25] : memref<10000x144xf32, #tpu.memory_space<hbm>> -> memref<520x144xf32, #tpu.memory_space<hbm>>
        tpu.enqueue_dma source(%dma_start3A_26 : memref<520x144xf32, #tpu.memory_space<hbm>>) target(%dma_start3A_23 : memref<520x144xf32, #tpu.memory_space<vmem_shared>>) target_semaphore(%run_scoped3A : memref<!tpu.dma_semaphore, #tpu.memory_space<semaphore_mem>>)
        %dma_wait3A = arith.constant 9480 : i32
        %dma_wait3A_27 = arith.constant 0 : i32
        %dma_wait3A_28 = tpu.memref_slice %arg12[%dma_wait3A, %dma_wait3A_27] : memref<10008x144xf32, #tpu.memory_space<vmem_shared>> -> memref<520x144xf32, #tpu.memory_space<vmem_shared>>
        %dma_wait3A_29 = arith.constant 9480 : i32
        %dma_wait3A_30 = arith.constant 0 : i32
        %dma_wait3A_31 = tpu.memref_slice %arg5[%dma_wait3A_29, %dma_wait3A_30] : memref<10000x144xf32, #tpu.memory_space<hbm>> -> memref<520x144xf32, #tpu.memory_space<hbm>>
        tpu.wait_dma2 semaphore(%run_scoped3A : memref<!tpu.dma_semaphore, #tpu.memory_space<semaphore_mem>>) src(%dma_wait3A_31 : memref<520x144xf32, #tpu.memory_space<hbm>>) dst(%dma_wait3A_28 : memref<520x144xf32, #tpu.memory_space<vmem_shared>>)
        tpu.yield
      }) : () -> ()
    } else {
    }
    %barrier3A = arith.constant 0 : index
    tpu.barrier barrier_id(%barrier3A)
    %scan3A = arith.constant 0 : i32
    %scan3A_6 = arith.constant 0 : i32
    %scan3A_7 = arith.constant 19 : i32
    %scan3A_8 = arith.addi %scan3A_6, %scan3A_7 : i32
    %scan3A_9 = arith.constant 1 : i32
    scf.for %scan3A_22 = %scan3A_6 to %scan3A_8 step %scan3A_9  : i32 {
      %mul3A = arith.constant 12 : i32
      %mul3A_23 = arith.muli %scan3A_22, %mul3A : i32
      "tpu.region"() ({
        %run_scoped3A = tpu.sem_alloc : memref<!tpu.dma_semaphore, #tpu.memory_space<semaphore_mem>>
        %dma_start3A_65 = arith.constant 0 : i32
        %dma_start3A_66 = tpu.memref_slice %arg3[%arg0, %arg1, %mul3A_23, %dma_start3A_65] : memref<2x16x228x88xi32, #tpu.memory_space<hbm>> -> memref<1x1x12x88xi32, #tpu.memory_space<hbm>>
        %dma_start3A_67 = tpu.memref_squeeze %dma_start3A_66 : memref<1x1x12x88xi32, #tpu.memory_space<hbm>> -> memref<12x88xi32, #tpu.memory_space<hbm>>
        %dma_start3A_68 = arith.constant 0 : i32
        %dma_start3A_69 = tpu.memref_slice %arg3[%arg0, %arg1, %mul3A_23, %dma_start3A_68] : memref<2x16x228x88xi32, #tpu.memory_space<hbm>> -> memref<1x1x12x88xi32, #tpu.memory_space<hbm>>
        %dma_start3A_70 = tpu.memref_squeeze %dma_start3A_69 : memref<1x1x12x88xi32, #tpu.memory_space<hbm>> -> memref<12x88xi32, #tpu.memory_space<hbm>>
        tpu.enqueue_dma source(%dma_start3A_70 : memref<12x88xi32, #tpu.memory_space<hbm>>) target(%arg7 : memref<12x88xi32, #tpu.memory_space<vmem>>) target_semaphore(%run_scoped3A : memref<!tpu.dma_semaphore, #tpu.memory_space<semaphore_mem>>)
        %dma_wait3A_71 = arith.constant 0 : i32
        %dma_wait3A_72 = tpu.memref_slice %arg3[%arg0, %arg1, %mul3A_23, %dma_wait3A_71] : memref<2x16x228x88xi32, #tpu.memory_space<hbm>> -> memref<1x1x12x88xi32, #tpu.memory_space<hbm>>
        %dma_wait3A_73 = tpu.memref_squeeze %dma_wait3A_72 : memref<1x1x12x88xi32, #tpu.memory_space<hbm>> -> memref<12x88xi32, #tpu.memory_space<hbm>>
        %dma_wait3A_74 = arith.constant 0 : i32
        %dma_wait3A_75 = tpu.memref_slice %arg3[%arg0, %arg1, %mul3A_23, %dma_wait3A_74] : memref<2x16x228x88xi32, #tpu.memory_space<hbm>> -> memref<1x1x12x88xi32, #tpu.memory_space<hbm>>
        %dma_wait3A_76 = tpu.memref_squeeze %dma_wait3A_75 : memref<1x1x12x88xi32, #tpu.memory_space<hbm>> -> memref<12x88xi32, #tpu.memory_space<hbm>>
        tpu.wait_dma2 semaphore(%run_scoped3A : memref<!tpu.dma_semaphore, #tpu.memory_space<semaphore_mem>>) src(%dma_wait3A_76 : memref<12x88xi32, #tpu.memory_space<hbm>>) dst(%arg7 : memref<12x88xi32, #tpu.memory_space<vmem>>)
        tpu.yield
      }) : () -> ()
      %mul3A_24 = arith.constant 12 : i32
      %mul3A_25 = arith.muli %scan3A_22, %mul3A_24 : i32
      "tpu.region"() ({
        %run_scoped3A = tpu.sem_alloc : memref<!tpu.dma_semaphore, #tpu.memory_space<semaphore_mem>>
        %dma_start3A_65 = arith.constant 0 : i32
        %dma_start3A_66 = tpu.memref_slice %arg4[%arg1, %mul3A_25, %dma_start3A_65] : memref<16x228x88xi32, #tpu.memory_space<hbm>> -> memref<1x12x88xi32, #tpu.memory_space<hbm>>
        %dma_start3A_67 = tpu.memref_squeeze %dma_start3A_66 : memref<1x12x88xi32, #tpu.memory_space<hbm>> -> memref<12x88xi32, #tpu.memory_space<hbm>>
        %dma_start3A_68 = arith.constant 0 : i32
        %dma_start3A_69 = tpu.memref_slice %arg4[%arg1, %mul3A_25, %dma_start3A_68] : memref<16x228x88xi32, #tpu.memory_space<hbm>> -> memref<1x12x88xi32, #tpu.memory_space<hbm>>
        %dma_start3A_70 = tpu.memref_squeeze %dma_start3A_69 : memref<1x12x88xi32, #tpu.memory_space<hbm>> -> memref<12x88xi32, #tpu.memory_space<hbm>>
        tpu.enqueue_dma source(%dma_start3A_70 : memref<12x88xi32, #tpu.memory_space<hbm>>) target(%arg8 : memref<12x88xi32, #tpu.memory_space<vmem>>) target_semaphore(%run_scoped3A : memref<!tpu.dma_semaphore, #tpu.memory_space<semaphore_mem>>)
        %dma_wait3A_71 = arith.constant 0 : i32
        %dma_wait3A_72 = tpu.memref_slice %arg4[%arg1, %mul3A_25, %dma_wait3A_71] : memref<16x228x88xi32, #tpu.memory_space<hbm>> -> memref<1x12x88xi32, #tpu.memory_space<hbm>>
        %dma_wait3A_73 = tpu.memref_squeeze %dma_wait3A_72 : memref<1x12x88xi32, #tpu.memory_space<hbm>> -> memref<12x88xi32, #tpu.memory_space<hbm>>
        %dma_wait3A_74 = arith.constant 0 : i32
        %dma_wait3A_75 = tpu.memref_slice %arg4[%arg1, %mul3A_25, %dma_wait3A_74] : memref<16x228x88xi32, #tpu.memory_space<hbm>> -> memref<1x12x88xi32, #tpu.memory_space<hbm>>
        %dma_wait3A_76 = tpu.memref_squeeze %dma_wait3A_75 : memref<1x12x88xi32, #tpu.memory_space<hbm>> -> memref<12x88xi32, #tpu.memory_space<hbm>>
        tpu.wait_dma2 semaphore(%run_scoped3A : memref<!tpu.dma_semaphore, #tpu.memory_space<semaphore_mem>>) src(%dma_wait3A_76 : memref<12x88xi32, #tpu.memory_space<hbm>>) dst(%arg8 : memref<12x88xi32, #tpu.memory_space<vmem>>)
        tpu.yield
      }) : () -> ()
      %dma_start3A = arith.constant 0 : i32
      %dma_start3A_26 = arith.constant 0 : i32
      %dma_start3A_27 = tpu.memref_slice %arg7[%dma_start3A, %dma_start3A_26] : memref<12x88xi32, #tpu.memory_space<vmem>> -> memref<1x88xi32, #tpu.memory_space<vmem>>
      %dma_start3A_28 = tpu.memref_squeeze %dma_start3A_27 : memref<1x88xi32, #tpu.memory_space<vmem>> -> memref<88xi32, #tpu.memory_space<vmem>>
      %dma_start3A_29 = arith.constant 0 : i32
      %dma_start3A_30 = arith.constant 0 : i32
      %dma_start3A_31 = tpu.memref_slice %arg2[%dma_start3A_29, %dma_start3A_30] : memref<20000x144xf32, #tpu.memory_space<hbm>> -> memref<20000x144xf32, #tpu.memory_space<hbm>>
      tpu.enqueue_indirect_dma source(%dma_start3A_31 : memref<20000x144xf32, #tpu.memory_space<hbm>>) target(%arg9 : memref<88x144xf32, #tpu.memory_space<vmem>>) offsets(%dma_start3A_28 : memref<88xi32, #tpu.memory_space<vmem>>) semaphore(%arg13 : memref<!tpu.dma_semaphore, #tpu.memory_space<semaphore_mem>>)
      %dma_start3A_32 = arith.constant 1 : i32
      %dma_start3A_33 = arith.constant 0 : i32
      %dma_start3A_34 = tpu.memref_slice %arg7[%dma_start3A_32, %dma_start3A_33] : memref<12x88xi32, #tpu.memory_space<vmem>> -> memref<1x88xi32, #tpu.memory_space<vmem>>
      %dma_start3A_35 = tpu.memref_squeeze %dma_start3A_34 : memref<1x88xi32, #tpu.memory_space<vmem>> -> memref<88xi32, #tpu.memory_space<vmem>>
      %dma_start3A_36 = arith.constant 0 : i32
      %dma_start3A_37 = arith.constant 0 : i32
      %dma_start3A_38 = tpu.memref_slice %arg2[%dma_start3A_36, %dma_start3A_37] : memref<20000x144xf32, #tpu.memory_space<hbm>> -> memref<20000x144xf32, #tpu.memory_space<hbm>>
      tpu.enqueue_indirect_dma source(%dma_start3A_38 : memref<20000x144xf32, #tpu.memory_space<hbm>>) target(%arg10 : memref<88x144xf32, #tpu.memory_space<vmem>>) offsets(%dma_start3A_35 : memref<88xi32, #tpu.memory_space<vmem>>) semaphore(%arg14 : memref<!tpu.dma_semaphore, #tpu.memory_space<semaphore_mem>>)
      %scan3A_39 = arith.constant 0 : i32
      %scan3A_40 = arith.constant 0 : i32
      %scan3A_41 = arith.constant 4 : i32
      %scan3A_42 = arith.addi %scan3A_40, %scan3A_41 : i32
      %scan3A_43 = arith.constant 1 : i32
      scf.for %scan3A_65 = %scan3A_40 to %scan3A_42 step %scan3A_43  : i32 {
        %mul3A_66 = arith.constant 3 : i32
        %mul3A_67 = arith.muli %scan3A_65, %mul3A_66 : i32
        %dma_wait3A_68 = arith.constant 0 : i32
        %dma_wait3A_69 = tpu.memref_slice %arg7[%mul3A_67, %dma_wait3A_68] : memref<12x88xi32, #tpu.memory_space<vmem>> -> memref<1x88xi32, #tpu.memory_space<vmem>>
        %dma_wait3A_70 = tpu.memref_squeeze %dma_wait3A_69 : memref<1x88xi32, #tpu.memory_space<vmem>> -> memref<88xi32, #tpu.memory_space<vmem>>
        %dma_wait3A_71 = arith.constant 0 : i32
        %dma_wait3A_72 = arith.constant 0 : i32
        %dma_wait3A_73 = tpu.memref_slice %arg2[%dma_wait3A_71, %dma_wait3A_72] : memref<20000x144xf32, #tpu.memory_space<hbm>> -> memref<20000x144xf32, #tpu.memory_space<hbm>>
        tpu.wait_indirect_dma semaphore(%arg13 : memref<!tpu.dma_semaphore, #tpu.memory_space<semaphore_mem>>) src(%dma_wait3A_73 : memref<20000x144xf32, #tpu.memory_space<hbm>>) dst(%arg9 : memref<88x144xf32, #tpu.memory_space<vmem>>)
        %dma_start3A_74 = arith.constant 0 : i32
        %dma_start3A_75 = tpu.memref_slice %arg8[%mul3A_67, %dma_start3A_74] : memref<12x88xi32, #tpu.memory_space<vmem>> -> memref<1x88xi32, #tpu.memory_space<vmem>>
        %dma_start3A_76 = tpu.memref_squeeze %dma_start3A_75 : memref<1x88xi32, #tpu.memory_space<vmem>> -> memref<88xi32, #tpu.memory_space<vmem>>
        %dma_start3A_77 = arith.constant 0 : i32
        %dma_start3A_78 = arith.constant 0 : i32
        %dma_start3A_79 = tpu.memref_slice %arg12[%dma_start3A_77, %dma_start3A_78] : memref<10008x144xf32, #tpu.memory_space<vmem_shared>> -> memref<10008x144xf32, #tpu.memory_space<vmem_shared>>
        tpu.enqueue_indirect_dma source(%arg9 : memref<88x144xf32, #tpu.memory_space<vmem>>) target(%dma_start3A_79 : memref<10008x144xf32, #tpu.memory_space<vmem_shared>>) offsets(%dma_start3A_76 : memref<88xi32, #tpu.memory_space<vmem>>) semaphore(%arg16 : memref<!tpu.dma_semaphore, #tpu.memory_space<semaphore_mem>>) {add = true}
        %add3A = arith.constant 2 : i32
        %add3A_80 = arith.addi %mul3A_67, %add3A : i32
        %lt3A_81 = arith.constant 12 : i32
        %lt3A_82 = arith.cmpi slt, %add3A_80, %lt3A_81 : i32
        %convert_element_type3A_83 = arith.extui %lt3A_82 : i1 to i32
        %cond3A_84 = arith.constant 0 : i32
        %cond3A_85 = arith.cmpi ne, %convert_element_type3A_83, %cond3A_84 : i32
        scf.if %cond3A_85 {
          %ge3A = arith.constant 1 : i32
          %ge3A_128 = arith.cmpi sge, %mul3A_67, %ge3A : i32
          %convert_element_type3A_129 = arith.extui %ge3A_128 : i1 to i32
          %cond3A_130 = arith.constant 0 : i32
          %cond3A_131 = arith.cmpi ne, %convert_element_type3A_129, %cond3A_130 : i32
          scf.if %cond3A_131 {
            %sub3A = arith.constant 1 : i32
            %sub3A_140 = arith.subi %mul3A_67, %sub3A : i32
            %dma_wait3A_141 = arith.constant 0 : i32
            %dma_wait3A_142 = tpu.memref_slice %arg8[%sub3A_140, %dma_wait3A_141] : memref<12x88xi32, #tpu.memory_space<vmem>> -> memref<1x88xi32, #tpu.memory_space<vmem>>
            %dma_wait3A_143 = tpu.memref_squeeze %dma_wait3A_142 : memref<1x88xi32, #tpu.memory_space<vmem>> -> memref<88xi32, #tpu.memory_space<vmem>>
            %dma_wait3A_144 = arith.constant 0 : i32
            %dma_wait3A_145 = arith.constant 0 : i32
            %dma_wait3A_146 = tpu.memref_slice %arg12[%dma_wait3A_144, %dma_wait3A_145] : memref<10008x144xf32, #tpu.memory_space<vmem_shared>> -> memref<10008x144xf32, #tpu.memory_space<vmem_shared>>
            tpu.wait_indirect_dma semaphore(%arg18 : memref<!tpu.dma_semaphore, #tpu.memory_space<semaphore_mem>>) src(%arg11 : memref<88x144xf32, #tpu.memory_space<vmem>>) dst(%dma_wait3A_146 : memref<10008x144xf32, #tpu.memory_space<vmem_shared>>)
          } else {
          }
          %add3A_132 = arith.constant 2 : i32
          %add3A_133 = arith.addi %mul3A_67, %add3A_132 : i32
          %dma_start3A_134 = arith.constant 0 : i32
          %dma_start3A_135 = tpu.memref_slice %arg7[%add3A_133, %dma_start3A_134] : memref<12x88xi32, #tpu.memory_space<vmem>> -> memref<1x88xi32, #tpu.memory_space<vmem>>
          %dma_start3A_136 = tpu.memref_squeeze %dma_start3A_135 : memref<1x88xi32, #tpu.memory_space<vmem>> -> memref<88xi32, #tpu.memory_space<vmem>>
          %dma_start3A_137 = arith.constant 0 : i32
          %dma_start3A_138 = arith.constant 0 : i32
          %dma_start3A_139 = tpu.memref_slice %arg2[%dma_start3A_137, %dma_start3A_138] : memref<20000x144xf32, #tpu.memory_space<hbm>> -> memref<20000x144xf32, #tpu.memory_space<hbm>>
          tpu.enqueue_indirect_dma source(%dma_start3A_139 : memref<20000x144xf32, #tpu.memory_space<hbm>>) target(%arg11 : memref<88x144xf32, #tpu.memory_space<vmem>>) offsets(%dma_start3A_136 : memref<88xi32, #tpu.memory_space<vmem>>) semaphore(%arg15 : memref<!tpu.dma_semaphore, #tpu.memory_space<semaphore_mem>>)
        } else {
        }
        %add3A_86 = arith.constant 1 : i32
        %add3A_87 = arith.addi %mul3A_67, %add3A_86 : i32
        %dma_wait3A_88 = arith.constant 0 : i32
        %dma_wait3A_89 = tpu.memref_slice %arg7[%add3A_87, %dma_wait3A_88] : memref<12x88xi32, #tpu.memory_space<vmem>> -> memref<1x88xi32, #tpu.memory_space<vmem>>
        %dma_wait3A_90 = tpu.memref_squeeze %dma_wait3A_89 : memref<1x88xi32, #tpu.memory_space<vmem>> -> memref<88xi32, #tpu.memory_space<vmem>>
        %dma_wait3A_91 = arith.constant 0 : i32
        %dma_wait3A_92 = arith.constant 0 : i32
        %dma_wait3A_93 = tpu.memref_slice %arg2[%dma_wait3A_91, %dma_wait3A_92] : memref<20000x144xf32, #tpu.memory_space<hbm>> -> memref<20000x144xf32, #tpu.memory_space<hbm>>
        tpu.wait_indirect_dma semaphore(%arg14 : memref<!tpu.dma_semaphore, #tpu.memory_space<semaphore_mem>>) src(%dma_wait3A_93 : memref<20000x144xf32, #tpu.memory_space<hbm>>) dst(%arg10 : memref<88x144xf32, #tpu.memory_space<vmem>>)
        %dma_start3A_94 = arith.constant 0 : i32
        %dma_start3A_95 = tpu.memref_slice %arg8[%add3A_87, %dma_start3A_94] : memref<12x88xi32, #tpu.memory_space<vmem>> -> memref<1x88xi32, #tpu.memory_space<vmem>>
        %dma_start3A_96 = tpu.memref_squeeze %dma_start3A_95 : memref<1x88xi32, #tpu.memory_space<vmem>> -> memref<88xi32, #tpu.memory_space<vmem>>
        %dma_start3A_97 = arith.constant 0 : i32
        %dma_start3A_98 = arith.constant 0 : i32
        %dma_start3A_99 = tpu.memref_slice %arg12[%dma_start3A_97, %dma_start3A_98] : memref<10008x144xf32, #tpu.memory_space<vmem_shared>> -> memref<10008x144xf32, #tpu.memory_space<vmem_shared>>
        tpu.enqueue_indirect_dma source(%arg10 : memref<88x144xf32, #tpu.memory_space<vmem>>) target(%dma_start3A_99 : memref<10008x144xf32, #tpu.memory_space<vmem_shared>>) offsets(%dma_start3A_96 : memref<88xi32, #tpu.memory_space<vmem>>) semaphore(%arg17 : memref<!tpu.dma_semaphore, #tpu.memory_space<semaphore_mem>>) {add = true}
        %add3A_100 = arith.constant 2 : i32
        %add3A_101 = arith.addi %add3A_87, %add3A_100 : i32
        %lt3A_102 = arith.constant 12 : i32
        %lt3A_103 = arith.cmpi slt, %add3A_101, %lt3A_102 : i32
        %convert_element_type3A_104 = arith.extui %lt3A_103 : i1 to i32
        %cond3A_105 = arith.constant 0 : i32
        %cond3A_106 = arith.cmpi ne, %convert_element_type3A_104, %cond3A_105 : i32
        scf.if %cond3A_106 {
          %ge3A = arith.constant 1 : i32
          %ge3A_128 = arith.cmpi sge, %add3A_87, %ge3A : i32
          %convert_element_type3A_129 = arith.extui %ge3A_128 : i1 to i32
          %cond3A_130 = arith.constant 0 : i32
          %cond3A_131 = arith.cmpi ne, %convert_element_type3A_129, %cond3A_130 : i32
          scf.if %cond3A_131 {
            %sub3A = arith.constant 1 : i32
            %sub3A_140 = arith.subi %add3A_87, %sub3A : i32
            %dma_wait3A_141 = arith.constant 0 : i32
            %dma_wait3A_142 = tpu.memref_slice %arg8[%sub3A_140, %dma_wait3A_141] : memref<12x88xi32, #tpu.memory_space<vmem>> -> memref<1x88xi32, #tpu.memory_space<vmem>>
            %dma_wait3A_143 = tpu.memref_squeeze %dma_wait3A_142 : memref<1x88xi32, #tpu.memory_space<vmem>> -> memref<88xi32, #tpu.memory_space<vmem>>
            %dma_wait3A_144 = arith.constant 0 : i32
            %dma_wait3A_145 = arith.constant 0 : i32
            %dma_wait3A_146 = tpu.memref_slice %arg12[%dma_wait3A_144, %dma_wait3A_145] : memref<10008x144xf32, #tpu.memory_space<vmem_shared>> -> memref<10008x144xf32, #tpu.memory_space<vmem_shared>>
            tpu.wait_indirect_dma semaphore(%arg16 : memref<!tpu.dma_semaphore, #tpu.memory_space<semaphore_mem>>) src(%arg9 : memref<88x144xf32, #tpu.memory_space<vmem>>) dst(%dma_wait3A_146 : memref<10008x144xf32, #tpu.memory_space<vmem_shared>>)
          } else {
          }
          %add3A_132 = arith.constant 2 : i32
          %add3A_133 = arith.addi %add3A_87, %add3A_132 : i32
          %dma_start3A_134 = arith.constant 0 : i32
          %dma_start3A_135 = tpu.memref_slice %arg7[%add3A_133, %dma_start3A_134] : memref<12x88xi32, #tpu.memory_space<vmem>> -> memref<1x88xi32, #tpu.memory_space<vmem>>
          %dma_start3A_136 = tpu.memref_squeeze %dma_start3A_135 : memref<1x88xi32, #tpu.memory_space<vmem>> -> memref<88xi32, #tpu.memory_space<vmem>>
          %dma_start3A_137 = arith.constant 0 : i32
          %dma_start3A_138 = arith.constant 0 : i32
          %dma_start3A_139 = tpu.memref_slice %arg2[%dma_start3A_137, %dma_start3A_138] : memref<20000x144xf32, #tpu.memory_space<hbm>> -> memref<20000x144xf32, #tpu.memory_space<hbm>>
          tpu.enqueue_indirect_dma source(%dma_start3A_139 : memref<20000x144xf32, #tpu.memory_space<hbm>>) target(%arg9 : memref<88x144xf32, #tpu.memory_space<vmem>>) offsets(%dma_start3A_136 : memref<88xi32, #tpu.memory_space<vmem>>) semaphore(%arg13 : memref<!tpu.dma_semaphore, #tpu.memory_space<semaphore_mem>>)
        } else {
        }
        %add3A_107 = arith.constant 2 : i32
        %add3A_108 = arith.addi %mul3A_67, %add3A_107 : i32
        %dma_wait3A_109 = arith.constant 0 : i32
        %dma_wait3A_110 = tpu.memref_slice %arg7[%add3A_108, %dma_wait3A_109] : memref<12x88xi32, #tpu.memory_space<vmem>> -> memref<1x88xi32, #tpu.memory_space<vmem>>
        %dma_wait3A_111 = tpu.memref_squeeze %dma_wait3A_110 : memref<1x88xi32, #tpu.memory_space<vmem>> -> memref<88xi32, #tpu.memory_space<vmem>>
        %dma_wait3A_112 = arith.constant 0 : i32
        %dma_wait3A_113 = arith.constant 0 : i32
        %dma_wait3A_114 = tpu.memref_slice %arg2[%dma_wait3A_112, %dma_wait3A_113] : memref<20000x144xf32, #tpu.memory_space<hbm>> -> memref<20000x144xf32, #tpu.memory_space<hbm>>
        tpu.wait_indirect_dma semaphore(%arg15 : memref<!tpu.dma_semaphore, #tpu.memory_space<semaphore_mem>>) src(%dma_wait3A_114 : memref<20000x144xf32, #tpu.memory_space<hbm>>) dst(%arg11 : memref<88x144xf32, #tpu.memory_space<vmem>>)
        %dma_start3A_115 = arith.constant 0 : i32
        %dma_start3A_116 = tpu.memref_slice %arg8[%add3A_108, %dma_start3A_115] : memref<12x88xi32, #tpu.memory_space<vmem>> -> memref<1x88xi32, #tpu.memory_space<vmem>>
        %dma_start3A_117 = tpu.memref_squeeze %dma_start3A_116 : memref<1x88xi32, #tpu.memory_space<vmem>> -> memref<88xi32, #tpu.memory_space<vmem>>
        %dma_start3A_118 = arith.constant 0 : i32
        %dma_start3A_119 = arith.constant 0 : i32
        %dma_start3A_120 = tpu.memref_slice %arg12[%dma_start3A_118, %dma_start3A_119] : memref<10008x144xf32, #tpu.memory_space<vmem_shared>> -> memref<10008x144xf32, #tpu.memory_space<vmem_shared>>
        tpu.enqueue_indirect_dma source(%arg11 : memref<88x144xf32, #tpu.memory_space<vmem>>) target(%dma_start3A_120 : memref<10008x144xf32, #tpu.memory_space<vmem_shared>>) offsets(%dma_start3A_117 : memref<88xi32, #tpu.memory_space<vmem>>) semaphore(%arg18 : memref<!tpu.dma_semaphore, #tpu.memory_space<semaphore_mem>>) {add = true}
        %add3A_121 = arith.constant 2 : i32
        %add3A_122 = arith.addi %add3A_108, %add3A_121 : i32
        %lt3A_123 = arith.constant 12 : i32
        %lt3A_124 = arith.cmpi slt, %add3A_122, %lt3A_123 : i32
        %convert_element_type3A_125 = arith.extui %lt3A_124 : i1 to i32
        %cond3A_126 = arith.constant 0 : i32
        %cond3A_127 = arith.cmpi ne, %convert_element_type3A_125, %cond3A_126 : i32
        scf.if %cond3A_127 {
          %ge3A = arith.constant 1 : i32
          %ge3A_128 = arith.cmpi sge, %add3A_108, %ge3A : i32
          %convert_element_type3A_129 = arith.extui %ge3A_128 : i1 to i32
          %cond3A_130 = arith.constant 0 : i32
          %cond3A_131 = arith.cmpi ne, %convert_element_type3A_129, %cond3A_130 : i32
          scf.if %cond3A_131 {
            %sub3A = arith.constant 1 : i32
            %sub3A_140 = arith.subi %add3A_108, %sub3A : i32
            %dma_wait3A_141 = arith.constant 0 : i32
            %dma_wait3A_142 = tpu.memref_slice %arg8[%sub3A_140, %dma_wait3A_141] : memref<12x88xi32, #tpu.memory_space<vmem>> -> memref<1x88xi32, #tpu.memory_space<vmem>>
            %dma_wait3A_143 = tpu.memref_squeeze %dma_wait3A_142 : memref<1x88xi32, #tpu.memory_space<vmem>> -> memref<88xi32, #tpu.memory_space<vmem>>
            %dma_wait3A_144 = arith.constant 0 : i32
            %dma_wait3A_145 = arith.constant 0 : i32
            %dma_wait3A_146 = tpu.memref_slice %arg12[%dma_wait3A_144, %dma_wait3A_145] : memref<10008x144xf32, #tpu.memory_space<vmem_shared>> -> memref<10008x144xf32, #tpu.memory_space<vmem_shared>>
            tpu.wait_indirect_dma semaphore(%arg17 : memref<!tpu.dma_semaphore, #tpu.memory_space<semaphore_mem>>) src(%arg10 : memref<88x144xf32, #tpu.memory_space<vmem>>) dst(%dma_wait3A_146 : memref<10008x144xf32, #tpu.memory_space<vmem_shared>>)
          } else {
          }
          %add3A_132 = arith.constant 2 : i32
          %add3A_133 = arith.addi %add3A_108, %add3A_132 : i32
          %dma_start3A_134 = arith.constant 0 : i32
          %dma_start3A_135 = tpu.memref_slice %arg7[%add3A_133, %dma_start3A_134] : memref<12x88xi32, #tpu.memory_space<vmem>> -> memref<1x88xi32, #tpu.memory_space<vmem>>
          %dma_start3A_136 = tpu.memref_squeeze %dma_start3A_135 : memref<1x88xi32, #tpu.memory_space<vmem>> -> memref<88xi32, #tpu.memory_space<vmem>>
          %dma_start3A_137 = arith.constant 0 : i32
          %dma_start3A_138 = arith.constant 0 : i32
          %dma_start3A_139 = tpu.memref_slice %arg2[%dma_start3A_137, %dma_start3A_138] : memref<20000x144xf32, #tpu.memory_space<hbm>> -> memref<20000x144xf32, #tpu.memory_space<hbm>>
          tpu.enqueue_indirect_dma source(%dma_start3A_139 : memref<20000x144xf32, #tpu.memory_space<hbm>>) target(%arg10 : memref<88x144xf32, #tpu.memory_space<vmem>>) offsets(%dma_start3A_136 : memref<88xi32, #tpu.memory_space<vmem>>) semaphore(%arg14 : memref<!tpu.dma_semaphore, #tpu.memory_space<semaphore_mem>>)
        } else {
        }
      }
      %scan3A_44 = arith.constant 4 : i32
      %dma_wait3A = arith.constant 9 : i32
      %dma_wait3A_45 = arith.constant 0 : i32
      %dma_wait3A_46 = tpu.memref_slice %arg8[%dma_wait3A, %dma_wait3A_45] : memref<12x88xi32, #tpu.memory_space<vmem>> -> memref<1x88xi32, #tpu.memory_space<vmem>>
      %dma_wait3A_47 = tpu.memref_squeeze %dma_wait3A_46 : memref<1x88xi32, #tpu.memory_space<vmem>> -> memref<88xi32, #tpu.memory_space<vmem>>
      %dma_wait3A_48 = arith.constant 0 : i32
      %dma_wait3A_49 = arith.constant 0 : i32
      %dma_wait3A_50 = tpu.memref_slice %arg12[%dma_wait3A_48, %dma_wait3A_49] : memref<10008x144xf32, #tpu.memory_space<vmem_shared>> -> memref<10008x144xf32, #tpu.memory_space<vmem_shared>>
      tpu.wait_indirect_dma semaphore(%arg16 : memref<!tpu.dma_semaphore, #tpu.memory_space<semaphore_mem>>) src(%arg9 : memref<88x144xf32, #tpu.memory_space<vmem>>) dst(%dma_wait3A_50 : memref<10008x144xf32, #tpu.memory_space<vmem_shared>>)
      %dma_wait3A_51 = arith.constant 10 : i32
      %dma_wait3A_52 = arith.constant 0 : i32
      %dma_wait3A_53 = tpu.memref_slice %arg8[%dma_wait3A_51, %dma_wait3A_52] : memref<12x88xi32, #tpu.memory_space<vmem>> -> memref<1x88xi32, #tpu.memory_space<vmem>>
      %dma_wait3A_54 = tpu.memref_squeeze %dma_wait3A_53 : memref<1x88xi32, #tpu.memory_space<vmem>> -> memref<88xi32, #tpu.memory_space<vmem>>
      %dma_wait3A_55 = arith.constant 0 : i32
      %dma_wait3A_56 = arith.constant 0 : i32
      %dma_wait3A_57 = tpu.memref_slice %arg12[%dma_wait3A_55, %dma_wait3A_56] : memref<10008x144xf32, #tpu.memory_space<vmem_shared>> -> memref<10008x144xf32, #tpu.memory_space<vmem_shared>>
      tpu.wait_indirect_dma semaphore(%arg17 : memref<!tpu.dma_semaphore, #tpu.memory_space<semaphore_mem>>) src(%arg10 : memref<88x144xf32, #tpu.memory_space<vmem>>) dst(%dma_wait3A_57 : memref<10008x144xf32, #tpu.memory_space<vmem_shared>>)
      %dma_wait3A_58 = arith.constant 11 : i32
      %dma_wait3A_59 = arith.constant 0 : i32
      %dma_wait3A_60 = tpu.memref_slice %arg8[%dma_wait3A_58, %dma_wait3A_59] : memref<12x88xi32, #tpu.memory_space<vmem>> -> memref<1x88xi32, #tpu.memory_space<vmem>>
      %dma_wait3A_61 = tpu.memref_squeeze %dma_wait3A_60 : memref<1x88xi32, #tpu.memory_space<vmem>> -> memref<88xi32, #tpu.memory_space<vmem>>
      %dma_wait3A_62 = arith.constant 0 : i32
      %dma_wait3A_63 = arith.constant 0 : i32
      %dma_wait3A_64 = tpu.memref_slice %arg12[%dma_wait3A_62, %dma_wait3A_63] : memref<10008x144xf32, #tpu.memory_space<vmem_shared>> -> memref<10008x144xf32, #tpu.memory_space<vmem_shared>>
      tpu.wait_indirect_dma semaphore(%arg18 : memref<!tpu.dma_semaphore, #tpu.memory_space<semaphore_mem>>) src(%arg11 : memref<88x144xf32, #tpu.memory_space<vmem>>) dst(%dma_wait3A_64 : memref<10008x144xf32, #tpu.memory_space<vmem_shared>>)
    }
    %scan3A_10 = arith.constant 19 : i32
    %barrier3A_11 = arith.constant 0 : index
    tpu.barrier barrier_id(%barrier3A_11)
    %lt3A_12 = arith.constant 15 : i32
    %lt3A_13 = arith.cmpi slt, %arg1, %lt3A_12 : i32
    %convert_element_type3A_14 = arith.extui %lt3A_13 : i1 to i32
    %cond3A_15 = arith.constant 0 : i32
    %cond3A_16 = arith.cmpi ne, %convert_element_type3A_14, %cond3A_15 : i32
    scf.if %cond3A_16 {
      %mul3A = arith.constant 632 : i32
      %mul3A_22 = arith.muli %arg1, %mul3A : i32
      %mul3A_23 = arith.constant 10000 : i32
      %mul3A_24 = arith.muli %arg0, %mul3A_23 : i32
      %mul3A_25 = arith.constant 632 : i32
      %mul3A_26 = arith.muli %arg1, %mul3A_25 : i32
      %add3A = arith.addi %mul3A_24, %mul3A_26 : i32
      "tpu.region"() ({
        %run_scoped3A = tpu.sem_alloc : memref<!tpu.dma_semaphore, #tpu.memory_space<semaphore_mem>>
        %dma_start3A = arith.constant 0 : i32
        %dma_start3A_27 = tpu.memref_slice %arg6[%add3A, %dma_start3A] : memref<20000x144xf32, #tpu.memory_space<hbm>> -> memref<632x144xf32, #tpu.memory_space<hbm>>
        %dma_start3A_28 = arith.constant 0 : i32
        %dma_start3A_29 = tpu.memref_slice %arg12[%mul3A_22, %dma_start3A_28] : memref<10008x144xf32, #tpu.memory_space<vmem_shared>> -> memref<632x144xf32, #tpu.memory_space<vmem_shared>>
        tpu.enqueue_dma source(%dma_start3A_29 : memref<632x144xf32, #tpu.memory_space<vmem_shared>>) target(%dma_start3A_27 : memref<632x144xf32, #tpu.memory_space<hbm>>) target_semaphore(%run_scoped3A : memref<!tpu.dma_semaphore, #tpu.memory_space<semaphore_mem>>)
        %dma_wait3A = arith.constant 0 : i32
        %dma_wait3A_30 = tpu.memref_slice %arg6[%add3A, %dma_wait3A] : memref<20000x144xf32, #tpu.memory_space<hbm>> -> memref<632x144xf32, #tpu.memory_space<hbm>>
        %dma_wait3A_31 = arith.constant 0 : i32
        %dma_wait3A_32 = tpu.memref_slice %arg12[%mul3A_22, %dma_wait3A_31] : memref<10008x144xf32, #tpu.memory_space<vmem_shared>> -> memref<632x144xf32, #tpu.memory_space<vmem_shared>>
        tpu.wait_dma2 semaphore(%run_scoped3A : memref<!tpu.dma_semaphore, #tpu.memory_space<semaphore_mem>>) src(%dma_wait3A_32 : memref<632x144xf32, #tpu.memory_space<vmem_shared>>) dst(%dma_wait3A_30 : memref<632x144xf32, #tpu.memory_space<hbm>>)
        tpu.yield
      }) : () -> ()
    } else {
    }
    %eq3A_17 = arith.constant 15 : i32
    %eq3A_18 = arith.cmpi eq, %arg1, %eq3A_17 : i32
    %convert_element_type3A_19 = arith.extui %eq3A_18 : i1 to i32
    %cond3A_20 = arith.constant 0 : i32
    %cond3A_21 = arith.cmpi ne, %convert_element_type3A_19, %cond3A_20 : i32
    scf.if %cond3A_21 {
      %mul3A = arith.constant 10000 : i32
      %mul3A_22 = arith.muli %arg0, %mul3A : i32
      %add3A = arith.constant 9480 : i32
      %add3A_23 = arith.addi %mul3A_22, %add3A : i32
      "tpu.region"() ({
        %run_scoped3A = tpu.sem_alloc : memref<!tpu.dma_semaphore, #tpu.memory_space<semaphore_mem>>
        %dma_start3A = arith.constant 0 : i32
        %dma_start3A_24 = tpu.memref_slice %arg6[%add3A_23, %dma_start3A] : memref<20000x144xf32, #tpu.memory_space<hbm>> -> memref<520x144xf32, #tpu.memory_space<hbm>>
        %dma_start3A_25 = arith.constant 9480 : i32
        %dma_start3A_26 = arith.constant 0 : i32
        %dma_start3A_27 = tpu.memref_slice %arg12[%dma_start3A_25, %dma_start3A_26] : memref<10008x144xf32, #tpu.memory_space<vmem_shared>> -> memref<520x144xf32, #tpu.memory_space<vmem_shared>>
        tpu.enqueue_dma source(%dma_start3A_27 : memref<520x144xf32, #tpu.memory_space<vmem_shared>>) target(%dma_start3A_24 : memref<520x144xf32, #tpu.memory_space<hbm>>) target_semaphore(%run_scoped3A : memref<!tpu.dma_semaphore, #tpu.memory_space<semaphore_mem>>)
        %dma_wait3A = arith.constant 0 : i32
        %dma_wait3A_28 = tpu.memref_slice %arg6[%add3A_23, %dma_wait3A] : memref<20000x144xf32, #tpu.memory_space<hbm>> -> memref<520x144xf32, #tpu.memory_space<hbm>>
        %dma_wait3A_29 = arith.constant 9480 : i32
        %dma_wait3A_30 = arith.constant 0 : i32
        %dma_wait3A_31 = tpu.memref_slice %arg12[%dma_wait3A_29, %dma_wait3A_30] : memref<10008x144xf32, #tpu.memory_space<vmem_shared>> -> memref<520x144xf32, #tpu.memory_space<vmem_shared>>
        tpu.wait_dma2 semaphore(%run_scoped3A : memref<!tpu.dma_semaphore, #tpu.memory_space<semaphore_mem>>) src(%dma_wait3A_31 : memref<520x144xf32, #tpu.memory_space<vmem_shared>>) dst(%dma_wait3A_28 : memref<520x144xf32, #tpu.memory_space<hbm>>)
        tpu.yield
      }) : () -> ()
    } else {
    }
    return
  }
}

#map = affine_map<(d0, d1) -> (0, 0)>
#map1 = affine_map<(d0, d1) -> (0, 0, 0, 0)>
#map2 = affine_map<(d0, d1) -> (0, 0, 0)>
module attributes {stable_mosaic.version = 14 : i64} {
  func.func @_seg_body(%arg0: i32, %arg1: i32, %arg2: memref<20000x144xf32, #tpu.memory_space<hbm>>, %arg3: memref<2x16x228x88xi32, #tpu.memory_space<hbm>>, %arg4: memref<16x228x88xi32, #tpu.memory_space<hbm>>, %arg5: memref<10000x144xf32, #tpu.memory_space<hbm>>, %arg6: memref<20000x144xf32, #tpu.memory_space<hbm>>, %arg7: memref<12x88xi32, #tpu.memory_space<vmem>>, %arg8: memref<12x88xi32, #tpu.memory_space<vmem>>, %arg9: memref<88x144xf32, #tpu.memory_space<vmem>>, %arg10: memref<88x144xf32, #tpu.memory_space<vmem>>, %arg11: memref<88x144xf32, #tpu.memory_space<vmem>>, %arg12: memref<10008x144xf32, #tpu.memory_space<vmem_shared>>, %arg13: memref<!tpu.dma_semaphore, #tpu.memory_space<semaphore_mem>>, %arg14: memref<!tpu.dma_semaphore, #tpu.memory_space<semaphore_mem>>, %arg15: memref<!tpu.dma_semaphore, #tpu.memory_space<semaphore_mem>>, %arg16: memref<!tpu.dma_semaphore, #tpu.memory_space<semaphore_mem>>, %arg17: memref<!tpu.dma_semaphore, #tpu.memory_space<semaphore_mem>>, %arg18: memref<!tpu.dma_semaphore, #tpu.memory_space<semaphore_mem>>) attributes {dimension_semantics = [#tpu.dimension_semantics<core_parallel>, #tpu.dimension_semantics<subcore_parallel>], iteration_bounds = array<i64: 2, 16>, scalar_prefetch = 0 : i64, scratch_operands = 12 : i64, tpu.core_type = #tpu.core_type<sc_vector_subcore>, window_params = [{transform_indices = #map}, {transform_indices = #map1}, {transform_indices = #map2}, {transform_indices = #map}, {transform_indices = #map}]} {
    %lt3A = arith.constant 15 : i32
    %lt3A_0 = arith.cmpi slt, %arg1, %lt3A : i32
    %convert_element_type3A = arith.extui %lt3A_0 : i1 to i32
    %cond3A = arith.constant 0 : i32
    %cond3A_1 = arith.cmpi ne, %convert_element_type3A, %cond3A : i32
    scf.if %cond3A_1 {
      %mul3A = arith.constant 632 : i32
      %mul3A_22 = arith.muli %arg1, %mul3A : i32
      %mul3A_23 = arith.constant 632 : i32
      %mul3A_24 = arith.muli %arg1, %mul3A_23 : i32
      "tpu.region"() ({
        %run_scoped3A = tpu.sem_alloc : memref<!tpu.dma_semaphore, #tpu.memory_space<semaphore_mem>>
        %dma_start3A = arith.constant 0 : i32
        %dma_start3A_25 = tpu.memref_slice %arg12[%mul3A_24, %dma_start3A] : memref<10008x144xf32, #tpu.memory_space<vmem_shared>> -> memref<632x144xf32, #tpu.memory_space<vmem_shared>>
        %dma_start3A_26 = arith.constant 0 : i32
        %dma_start3A_27 = tpu.memref_slice %arg5[%mul3A_22, %dma_start3A_26] : memref<10000x144xf32, #tpu.memory_space<hbm>> -> memref<632x144xf32, #tpu.memory_space<hbm>>
        tpu.enqueue_dma source(%dma_start3A_27 : memref<632x144xf32, #tpu.memory_space<hbm>>) target(%dma_start3A_25 : memref<632x144xf32, #tpu.memory_space<vmem_shared>>) target_semaphore(%run_scoped3A : memref<!tpu.dma_semaphore, #tpu.memory_space<semaphore_mem>>)
        %dma_wait3A = arith.constant 0 : i32
        %dma_wait3A_28 = tpu.memref_slice %arg12[%mul3A_24, %dma_wait3A] : memref<10008x144xf32, #tpu.memory_space<vmem_shared>> -> memref<632x144xf32, #tpu.memory_space<vmem_shared>>
        %dma_wait3A_29 = arith.constant 0 : i32
        %dma_wait3A_30 = tpu.memref_slice %arg5[%mul3A_22, %dma_wait3A_29] : memref<10000x144xf32, #tpu.memory_space<hbm>> -> memref<632x144xf32, #tpu.memory_space<hbm>>
        tpu.wait_dma2 semaphore(%run_scoped3A : memref<!tpu.dma_semaphore, #tpu.memory_space<semaphore_mem>>) src(%dma_wait3A_30 : memref<632x144xf32, #tpu.memory_space<hbm>>) dst(%dma_wait3A_28 : memref<632x144xf32, #tpu.memory_space<vmem_shared>>)
        tpu.yield
      }) : () -> ()
    } else {
    }
    %eq3A = arith.constant 15 : i32
    %eq3A_2 = arith.cmpi eq, %arg1, %eq3A : i32
    %convert_element_type3A_3 = arith.extui %eq3A_2 : i1 to i32
    %cond3A_4 = arith.constant 0 : i32
    %cond3A_5 = arith.cmpi ne, %convert_element_type3A_3, %cond3A_4 : i32
    scf.if %cond3A_5 {
      "tpu.region"() ({
        %run_scoped3A = tpu.sem_alloc : memref<!tpu.dma_semaphore, #tpu.memory_space<semaphore_mem>>
        %dma_start3A = arith.constant 9480 : i32
        %dma_start3A_22 = arith.constant 0 : i32
        %dma_start3A_23 = tpu.memref_slice %arg12[%dma_start3A, %dma_start3A_22] : memref<10008x144xf32, #tpu.memory_space<vmem_shared>> -> memref<520x144xf32, #tpu.memory_space<vmem_shared>>
        %dma_start3A_24 = arith.constant 9480 : i32
        %dma_start3A_25 = arith.constant 0 : i32
        %dma_start3A_26 = tpu.memref_slice %arg5[%dma_start3A_24, %dma_start3A_25] : memref<10000x144xf32, #tpu.memory_space<hbm>> -> memref<520x144xf32, #tpu.memory_space<hbm>>
        tpu.enqueue_dma source(%dma_start3A_26 : memref<520x144xf32, #tpu.memory_space<hbm>>) target(%dma_start3A_23 : memref<520x144xf32, #tpu.memory_space<vmem_shared>>) target_semaphore(%run_scoped3A : memref<!tpu.dma_semaphore, #tpu.memory_space<semaphore_mem>>)
        %dma_wait3A = arith.constant 9480 : i32
        %dma_wait3A_27 = arith.constant 0 : i32
        %dma_wait3A_28 = tpu.memref_slice %arg12[%dma_wait3A, %dma_wait3A_27] : memref<10008x144xf32, #tpu.memory_space<vmem_shared>> -> memref<520x144xf32, #tpu.memory_space<vmem_shared>>
        %dma_wait3A_29 = arith.constant 9480 : i32
        %dma_wait3A_30 = arith.constant 0 : i32
        %dma_wait3A_31 = tpu.memref_slice %arg5[%dma_wait3A_29, %dma_wait3A_30] : memref<10000x144xf32, #tpu.memory_space<hbm>> -> memref<520x144xf32, #tpu.memory_space<hbm>>
        tpu.wait_dma2 semaphore(%run_scoped3A : memref<!tpu.dma_semaphore, #tpu.memory_space<semaphore_mem>>) src(%dma_wait3A_31 : memref<520x144xf32, #tpu.memory_space<hbm>>) dst(%dma_wait3A_28 : memref<520x144xf32, #tpu.memory_space<vmem_shared>>)
        tpu.yield
      }) : () -> ()
    } else {
    }
    %barrier3A = arith.constant 0 : index
    tpu.barrier barrier_id(%barrier3A)
    %scan3A = arith.constant 0 : i32
    %scan3A_6 = arith.constant 0 : i32
    %scan3A_7 = arith.constant 19 : i32
    %scan3A_8 = arith.addi %scan3A_6, %scan3A_7 : i32
    %scan3A_9 = arith.constant 1 : i32
    scf.for %scan3A_22 = %scan3A_6 to %scan3A_8 step %scan3A_9  : i32 {
      %mul3A = arith.constant 12 : i32
      %mul3A_23 = arith.muli %scan3A_22, %mul3A : i32
      "tpu.region"() ({
        %run_scoped3A = tpu.sem_alloc : memref<!tpu.dma_semaphore, #tpu.memory_space<semaphore_mem>>
        %dma_start3A_65 = arith.constant 0 : i32
        %dma_start3A_66 = tpu.memref_slice %arg3[%arg0, %arg1, %mul3A_23, %dma_start3A_65] : memref<2x16x228x88xi32, #tpu.memory_space<hbm>> -> memref<1x1x12x88xi32, #tpu.memory_space<hbm>>
        %dma_start3A_67 = tpu.memref_squeeze %dma_start3A_66 : memref<1x1x12x88xi32, #tpu.memory_space<hbm>> -> memref<12x88xi32, #tpu.memory_space<hbm>>
        %dma_start3A_68 = arith.constant 0 : i32
        %dma_start3A_69 = tpu.memref_slice %arg3[%arg0, %arg1, %mul3A_23, %dma_start3A_68] : memref<2x16x228x88xi32, #tpu.memory_space<hbm>> -> memref<1x1x12x88xi32, #tpu.memory_space<hbm>>
        %dma_start3A_70 = tpu.memref_squeeze %dma_start3A_69 : memref<1x1x12x88xi32, #tpu.memory_space<hbm>> -> memref<12x88xi32, #tpu.memory_space<hbm>>
        tpu.enqueue_dma source(%dma_start3A_70 : memref<12x88xi32, #tpu.memory_space<hbm>>) target(%arg7 : memref<12x88xi32, #tpu.memory_space<vmem>>) target_semaphore(%run_scoped3A : memref<!tpu.dma_semaphore, #tpu.memory_space<semaphore_mem>>)
        %dma_wait3A_71 = arith.constant 0 : i32
        %dma_wait3A_72 = tpu.memref_slice %arg3[%arg0, %arg1, %mul3A_23, %dma_wait3A_71] : memref<2x16x228x88xi32, #tpu.memory_space<hbm>> -> memref<1x1x12x88xi32, #tpu.memory_space<hbm>>
        %dma_wait3A_73 = tpu.memref_squeeze %dma_wait3A_72 : memref<1x1x12x88xi32, #tpu.memory_space<hbm>> -> memref<12x88xi32, #tpu.memory_space<hbm>>
        %dma_wait3A_74 = arith.constant 0 : i32
        %dma_wait3A_75 = tpu.memref_slice %arg3[%arg0, %arg1, %mul3A_23, %dma_wait3A_74] : memref<2x16x228x88xi32, #tpu.memory_space<hbm>> -> memref<1x1x12x88xi32, #tpu.memory_space<hbm>>
        %dma_wait3A_76 = tpu.memref_squeeze %dma_wait3A_75 : memref<1x1x12x88xi32, #tpu.memory_space<hbm>> -> memref<12x88xi32, #tpu.memory_space<hbm>>
        tpu.wait_dma2 semaphore(%run_scoped3A : memref<!tpu.dma_semaphore, #tpu.memory_space<semaphore_mem>>) src(%dma_wait3A_76 : memref<12x88xi32, #tpu.memory_space<hbm>>) dst(%arg7 : memref<12x88xi32, #tpu.memory_space<vmem>>)
        tpu.yield
      }) : () -> ()
      %mul3A_24 = arith.constant 12 : i32
      %mul3A_25 = arith.muli %scan3A_22, %mul3A_24 : i32
      "tpu.region"() ({
        %run_scoped3A = tpu.sem_alloc : memref<!tpu.dma_semaphore, #tpu.memory_space<semaphore_mem>>
        %dma_start3A_65 = arith.constant 0 : i32
        %dma_start3A_66 = tpu.memref_slice %arg4[%arg1, %mul3A_25, %dma_start3A_65] : memref<16x228x88xi32, #tpu.memory_space<hbm>> -> memref<1x12x88xi32, #tpu.memory_space<hbm>>
        %dma_start3A_67 = tpu.memref_squeeze %dma_start3A_66 : memref<1x12x88xi32, #tpu.memory_space<hbm>> -> memref<12x88xi32, #tpu.memory_space<hbm>>
        %dma_start3A_68 = arith.constant 0 : i32
        %dma_start3A_69 = tpu.memref_slice %arg4[%arg1, %mul3A_25, %dma_start3A_68] : memref<16x228x88xi32, #tpu.memory_space<hbm>> -> memref<1x12x88xi32, #tpu.memory_space<hbm>>
        %dma_start3A_70 = tpu.memref_squeeze %dma_start3A_69 : memref<1x12x88xi32, #tpu.memory_space<hbm>> -> memref<12x88xi32, #tpu.memory_space<hbm>>
        tpu.enqueue_dma source(%dma_start3A_70 : memref<12x88xi32, #tpu.memory_space<hbm>>) target(%arg8 : memref<12x88xi32, #tpu.memory_space<vmem>>) target_semaphore(%run_scoped3A : memref<!tpu.dma_semaphore, #tpu.memory_space<semaphore_mem>>)
        %dma_wait3A_71 = arith.constant 0 : i32
        %dma_wait3A_72 = tpu.memref_slice %arg4[%arg1, %mul3A_25, %dma_wait3A_71] : memref<16x228x88xi32, #tpu.memory_space<hbm>> -> memref<1x12x88xi32, #tpu.memory_space<hbm>>
        %dma_wait3A_73 = tpu.memref_squeeze %dma_wait3A_72 : memref<1x12x88xi32, #tpu.memory_space<hbm>> -> memref<12x88xi32, #tpu.memory_space<hbm>>
        %dma_wait3A_74 = arith.constant 0 : i32
        %dma_wait3A_75 = tpu.memref_slice %arg4[%arg1, %mul3A_25, %dma_wait3A_74] : memref<16x228x88xi32, #tpu.memory_space<hbm>> -> memref<1x12x88xi32, #tpu.memory_space<hbm>>
        %dma_wait3A_76 = tpu.memref_squeeze %dma_wait3A_75 : memref<1x12x88xi32, #tpu.memory_space<hbm>> -> memref<12x88xi32, #tpu.memory_space<hbm>>
        tpu.wait_dma2 semaphore(%run_scoped3A : memref<!tpu.dma_semaphore, #tpu.memory_space<semaphore_mem>>) src(%dma_wait3A_76 : memref<12x88xi32, #tpu.memory_space<hbm>>) dst(%arg8 : memref<12x88xi32, #tpu.memory_space<vmem>>)
        tpu.yield
      }) : () -> ()
      %dma_start3A = arith.constant 0 : i32
      %dma_start3A_26 = arith.constant 0 : i32
      %dma_start3A_27 = tpu.memref_slice %arg7[%dma_start3A, %dma_start3A_26] : memref<12x88xi32, #tpu.memory_space<vmem>> -> memref<1x88xi32, #tpu.memory_space<vmem>>
      %dma_start3A_28 = tpu.memref_squeeze %dma_start3A_27 : memref<1x88xi32, #tpu.memory_space<vmem>> -> memref<88xi32, #tpu.memory_space<vmem>>
      %dma_start3A_29 = arith.constant 0 : i32
      %dma_start3A_30 = arith.constant 0 : i32
      %dma_start3A_31 = tpu.memref_slice %arg2[%dma_start3A_29, %dma_start3A_30] : memref<20000x144xf32, #tpu.memory_space<hbm>> -> memref<20000x144xf32, #tpu.memory_space<hbm>>
      tpu.enqueue_indirect_dma source(%dma_start3A_31 : memref<20000x144xf32, #tpu.memory_space<hbm>>) target(%arg9 : memref<88x144xf32, #tpu.memory_space<vmem>>) offsets(%dma_start3A_28 : memref<88xi32, #tpu.memory_space<vmem>>) semaphore(%arg13 : memref<!tpu.dma_semaphore, #tpu.memory_space<semaphore_mem>>)
      %dma_start3A_32 = arith.constant 1 : i32
      %dma_start3A_33 = arith.constant 0 : i32
      %dma_start3A_34 = tpu.memref_slice %arg7[%dma_start3A_32, %dma_start3A_33] : memref<12x88xi32, #tpu.memory_space<vmem>> -> memref<1x88xi32, #tpu.memory_space<vmem>>
      %dma_start3A_35 = tpu.memref_squeeze %dma_start3A_34 : memref<1x88xi32, #tpu.memory_space<vmem>> -> memref<88xi32, #tpu.memory_space<vmem>>
      %dma_start3A_36 = arith.constant 0 : i32
      %dma_start3A_37 = arith.constant 0 : i32
      %dma_start3A_38 = tpu.memref_slice %arg2[%dma_start3A_36, %dma_start3A_37] : memref<20000x144xf32, #tpu.memory_space<hbm>> -> memref<20000x144xf32, #tpu.memory_space<hbm>>
      tpu.enqueue_indirect_dma source(%dma_start3A_38 : memref<20000x144xf32, #tpu.memory_space<hbm>>) target(%arg10 : memref<88x144xf32, #tpu.memory_space<vmem>>) offsets(%dma_start3A_35 : memref<88xi32, #tpu.memory_space<vmem>>) semaphore(%arg14 : memref<!tpu.dma_semaphore, #tpu.memory_space<semaphore_mem>>)
      %scan3A_39 = arith.constant 0 : i32
      %scan3A_40 = arith.constant 0 : i32
      %scan3A_41 = arith.constant 4 : i32
      %scan3A_42 = arith.addi %scan3A_40, %scan3A_41 : i32
      %scan3A_43 = arith.constant 1 : i32
      scf.for %scan3A_65 = %scan3A_40 to %scan3A_42 step %scan3A_43  : i32 {
        %mul3A_66 = arith.constant 3 : i32
        %mul3A_67 = arith.muli %scan3A_65, %mul3A_66 : i32
        %dma_wait3A_68 = arith.constant 0 : i32
        %dma_wait3A_69 = tpu.memref_slice %arg7[%mul3A_67, %dma_wait3A_68] : memref<12x88xi32, #tpu.memory_space<vmem>> -> memref<1x88xi32, #tpu.memory_space<vmem>>
        %dma_wait3A_70 = tpu.memref_squeeze %dma_wait3A_69 : memref<1x88xi32, #tpu.memory_space<vmem>> -> memref<88xi32, #tpu.memory_space<vmem>>
        %dma_wait3A_71 = arith.constant 0 : i32
        %dma_wait3A_72 = arith.constant 0 : i32
        %dma_wait3A_73 = tpu.memref_slice %arg2[%dma_wait3A_71, %dma_wait3A_72] : memref<20000x144xf32, #tpu.memory_space<hbm>> -> memref<20000x144xf32, #tpu.memory_space<hbm>>
        tpu.wait_indirect_dma semaphore(%arg13 : memref<!tpu.dma_semaphore, #tpu.memory_space<semaphore_mem>>) src(%dma_wait3A_73 : memref<20000x144xf32, #tpu.memory_space<hbm>>) dst(%arg9 : memref<88x144xf32, #tpu.memory_space<vmem>>)
        %dma_start3A_74 = arith.constant 0 : i32
        %dma_start3A_75 = tpu.memref_slice %arg8[%mul3A_67, %dma_start3A_74] : memref<12x88xi32, #tpu.memory_space<vmem>> -> memref<1x88xi32, #tpu.memory_space<vmem>>
        %dma_start3A_76 = tpu.memref_squeeze %dma_start3A_75 : memref<1x88xi32, #tpu.memory_space<vmem>> -> memref<88xi32, #tpu.memory_space<vmem>>
        %dma_start3A_77 = arith.constant 0 : i32
        %dma_start3A_78 = arith.constant 0 : i32
        %dma_start3A_79 = tpu.memref_slice %arg12[%dma_start3A_77, %dma_start3A_78] : memref<10008x144xf32, #tpu.memory_space<vmem_shared>> -> memref<10008x144xf32, #tpu.memory_space<vmem_shared>>
        tpu.enqueue_indirect_dma source(%arg9 : memref<88x144xf32, #tpu.memory_space<vmem>>) target(%dma_start3A_79 : memref<10008x144xf32, #tpu.memory_space<vmem_shared>>) offsets(%dma_start3A_76 : memref<88xi32, #tpu.memory_space<vmem>>) semaphore(%arg16 : memref<!tpu.dma_semaphore, #tpu.memory_space<semaphore_mem>>) {add = true}
        %add3A = arith.constant 2 : i32
        %add3A_80 = arith.addi %mul3A_67, %add3A : i32
        %lt3A_81 = arith.constant 12 : i32
        %lt3A_82 = arith.cmpi slt, %add3A_80, %lt3A_81 : i32
        %convert_element_type3A_83 = arith.extui %lt3A_82 : i1 to i32
        %cond3A_84 = arith.constant 0 : i32
        %cond3A_85 = arith.cmpi ne, %convert_element_type3A_83, %cond3A_84 : i32
        scf.if %cond3A_85 {
          %ge3A = arith.constant 1 : i32
          %ge3A_128 = arith.cmpi sge, %mul3A_67, %ge3A : i32
          %convert_element_type3A_129 = arith.extui %ge3A_128 : i1 to i32
          %cond3A_130 = arith.constant 0 : i32
          %cond3A_131 = arith.cmpi ne, %convert_element_type3A_129, %cond3A_130 : i32
          scf.if %cond3A_131 {
            %sub3A = arith.constant 1 : i32
            %sub3A_140 = arith.subi %mul3A_67, %sub3A : i32
            %dma_wait3A_141 = arith.constant 0 : i32
            %dma_wait3A_142 = tpu.memref_slice %arg8[%sub3A_140, %dma_wait3A_141] : memref<12x88xi32, #tpu.memory_space<vmem>> -> memref<1x88xi32, #tpu.memory_space<vmem>>
            %dma_wait3A_143 = tpu.memref_squeeze %dma_wait3A_142 : memref<1x88xi32, #tpu.memory_space<vmem>> -> memref<88xi32, #tpu.memory_space<vmem>>
            %dma_wait3A_144 = arith.constant 0 : i32
            %dma_wait3A_145 = arith.constant 0 : i32
            %dma_wait3A_146 = tpu.memref_slice %arg12[%dma_wait3A_144, %dma_wait3A_145] : memref<10008x144xf32, #tpu.memory_space<vmem_shared>> -> memref<10008x144xf32, #tpu.memory_space<vmem_shared>>
            tpu.wait_indirect_dma semaphore(%arg18 : memref<!tpu.dma_semaphore, #tpu.memory_space<semaphore_mem>>) src(%arg11 : memref<88x144xf32, #tpu.memory_space<vmem>>) dst(%dma_wait3A_146 : memref<10008x144xf32, #tpu.memory_space<vmem_shared>>)
          } else {
          }
          %add3A_132 = arith.constant 2 : i32
          %add3A_133 = arith.addi %mul3A_67, %add3A_132 : i32
          %dma_start3A_134 = arith.constant 0 : i32
          %dma_start3A_135 = tpu.memref_slice %arg7[%add3A_133, %dma_start3A_134] : memref<12x88xi32, #tpu.memory_space<vmem>> -> memref<1x88xi32, #tpu.memory_space<vmem>>
          %dma_start3A_136 = tpu.memref_squeeze %dma_start3A_135 : memref<1x88xi32, #tpu.memory_space<vmem>> -> memref<88xi32, #tpu.memory_space<vmem>>
          %dma_start3A_137 = arith.constant 0 : i32
          %dma_start3A_138 = arith.constant 0 : i32
          %dma_start3A_139 = tpu.memref_slice %arg2[%dma_start3A_137, %dma_start3A_138] : memref<20000x144xf32, #tpu.memory_space<hbm>> -> memref<20000x144xf32, #tpu.memory_space<hbm>>
          tpu.enqueue_indirect_dma source(%dma_start3A_139 : memref<20000x144xf32, #tpu.memory_space<hbm>>) target(%arg11 : memref<88x144xf32, #tpu.memory_space<vmem>>) offsets(%dma_start3A_136 : memref<88xi32, #tpu.memory_space<vmem>>) semaphore(%arg15 : memref<!tpu.dma_semaphore, #tpu.memory_space<semaphore_mem>>)
        } else {
        }
        %add3A_86 = arith.constant 1 : i32
        %add3A_87 = arith.addi %mul3A_67, %add3A_86 : i32
        %dma_wait3A_88 = arith.constant 0 : i32
        %dma_wait3A_89 = tpu.memref_slice %arg7[%add3A_87, %dma_wait3A_88] : memref<12x88xi32, #tpu.memory_space<vmem>> -> memref<1x88xi32, #tpu.memory_space<vmem>>
        %dma_wait3A_90 = tpu.memref_squeeze %dma_wait3A_89 : memref<1x88xi32, #tpu.memory_space<vmem>> -> memref<88xi32, #tpu.memory_space<vmem>>
        %dma_wait3A_91 = arith.constant 0 : i32
        %dma_wait3A_92 = arith.constant 0 : i32
        %dma_wait3A_93 = tpu.memref_slice %arg2[%dma_wait3A_91, %dma_wait3A_92] : memref<20000x144xf32, #tpu.memory_space<hbm>> -> memref<20000x144xf32, #tpu.memory_space<hbm>>
        tpu.wait_indirect_dma semaphore(%arg14 : memref<!tpu.dma_semaphore, #tpu.memory_space<semaphore_mem>>) src(%dma_wait3A_93 : memref<20000x144xf32, #tpu.memory_space<hbm>>) dst(%arg10 : memref<88x144xf32, #tpu.memory_space<vmem>>)
        %dma_start3A_94 = arith.constant 0 : i32
        %dma_start3A_95 = tpu.memref_slice %arg8[%add3A_87, %dma_start3A_94] : memref<12x88xi32, #tpu.memory_space<vmem>> -> memref<1x88xi32, #tpu.memory_space<vmem>>
        %dma_start3A_96 = tpu.memref_squeeze %dma_start3A_95 : memref<1x88xi32, #tpu.memory_space<vmem>> -> memref<88xi32, #tpu.memory_space<vmem>>
        %dma_start3A_97 = arith.constant 0 : i32
        %dma_start3A_98 = arith.constant 0 : i32
        %dma_start3A_99 = tpu.memref_slice %arg12[%dma_start3A_97, %dma_start3A_98] : memref<10008x144xf32, #tpu.memory_space<vmem_shared>> -> memref<10008x144xf32, #tpu.memory_space<vmem_shared>>
        tpu.enqueue_indirect_dma source(%arg10 : memref<88x144xf32, #tpu.memory_space<vmem>>) target(%dma_start3A_99 : memref<10008x144xf32, #tpu.memory_space<vmem_shared>>) offsets(%dma_start3A_96 : memref<88xi32, #tpu.memory_space<vmem>>) semaphore(%arg17 : memref<!tpu.dma_semaphore, #tpu.memory_space<semaphore_mem>>) {add = true}
        %add3A_100 = arith.constant 2 : i32
        %add3A_101 = arith.addi %add3A_87, %add3A_100 : i32
        %lt3A_102 = arith.constant 12 : i32
        %lt3A_103 = arith.cmpi slt, %add3A_101, %lt3A_102 : i32
        %convert_element_type3A_104 = arith.extui %lt3A_103 : i1 to i32
        %cond3A_105 = arith.constant 0 : i32
        %cond3A_106 = arith.cmpi ne, %convert_element_type3A_104, %cond3A_105 : i32
        scf.if %cond3A_106 {
          %ge3A = arith.constant 1 : i32
          %ge3A_128 = arith.cmpi sge, %add3A_87, %ge3A : i32
          %convert_element_type3A_129 = arith.extui %ge3A_128 : i1 to i32
          %cond3A_130 = arith.constant 0 : i32
          %cond3A_131 = arith.cmpi ne, %convert_element_type3A_129, %cond3A_130 : i32
          scf.if %cond3A_131 {
            %sub3A = arith.constant 1 : i32
            %sub3A_140 = arith.subi %add3A_87, %sub3A : i32
            %dma_wait3A_141 = arith.constant 0 : i32
            %dma_wait3A_142 = tpu.memref_slice %arg8[%sub3A_140, %dma_wait3A_141] : memref<12x88xi32, #tpu.memory_space<vmem>> -> memref<1x88xi32, #tpu.memory_space<vmem>>
            %dma_wait3A_143 = tpu.memref_squeeze %dma_wait3A_142 : memref<1x88xi32, #tpu.memory_space<vmem>> -> memref<88xi32, #tpu.memory_space<vmem>>
            %dma_wait3A_144 = arith.constant 0 : i32
            %dma_wait3A_145 = arith.constant 0 : i32
            %dma_wait3A_146 = tpu.memref_slice %arg12[%dma_wait3A_144, %dma_wait3A_145] : memref<10008x144xf32, #tpu.memory_space<vmem_shared>> -> memref<10008x144xf32, #tpu.memory_space<vmem_shared>>
            tpu.wait_indirect_dma semaphore(%arg16 : memref<!tpu.dma_semaphore, #tpu.memory_space<semaphore_mem>>) src(%arg9 : memref<88x144xf32, #tpu.memory_space<vmem>>) dst(%dma_wait3A_146 : memref<10008x144xf32, #tpu.memory_space<vmem_shared>>)
          } else {
          }
          %add3A_132 = arith.constant 2 : i32
          %add3A_133 = arith.addi %add3A_87, %add3A_132 : i32
          %dma_start3A_134 = arith.constant 0 : i32
          %dma_start3A_135 = tpu.memref_slice %arg7[%add3A_133, %dma_start3A_134] : memref<12x88xi32, #tpu.memory_space<vmem>> -> memref<1x88xi32, #tpu.memory_space<vmem>>
          %dma_start3A_136 = tpu.memref_squeeze %dma_start3A_135 : memref<1x88xi32, #tpu.memory_space<vmem>> -> memref<88xi32, #tpu.memory_space<vmem>>
          %dma_start3A_137 = arith.constant 0 : i32
          %dma_start3A_138 = arith.constant 0 : i32
          %dma_start3A_139 = tpu.memref_slice %arg2[%dma_start3A_137, %dma_start3A_138] : memref<20000x144xf32, #tpu.memory_space<hbm>> -> memref<20000x144xf32, #tpu.memory_space<hbm>>
          tpu.enqueue_indirect_dma source(%dma_start3A_139 : memref<20000x144xf32, #tpu.memory_space<hbm>>) target(%arg9 : memref<88x144xf32, #tpu.memory_space<vmem>>) offsets(%dma_start3A_136 : memref<88xi32, #tpu.memory_space<vmem>>) semaphore(%arg13 : memref<!tpu.dma_semaphore, #tpu.memory_space<semaphore_mem>>)
        } else {
        }
        %add3A_107 = arith.constant 2 : i32
        %add3A_108 = arith.addi %mul3A_67, %add3A_107 : i32
        %dma_wait3A_109 = arith.constant 0 : i32
        %dma_wait3A_110 = tpu.memref_slice %arg7[%add3A_108, %dma_wait3A_109] : memref<12x88xi32, #tpu.memory_space<vmem>> -> memref<1x88xi32, #tpu.memory_space<vmem>>
        %dma_wait3A_111 = tpu.memref_squeeze %dma_wait3A_110 : memref<1x88xi32, #tpu.memory_space<vmem>> -> memref<88xi32, #tpu.memory_space<vmem>>
        %dma_wait3A_112 = arith.constant 0 : i32
        %dma_wait3A_113 = arith.constant 0 : i32
        %dma_wait3A_114 = tpu.memref_slice %arg2[%dma_wait3A_112, %dma_wait3A_113] : memref<20000x144xf32, #tpu.memory_space<hbm>> -> memref<20000x144xf32, #tpu.memory_space<hbm>>
        tpu.wait_indirect_dma semaphore(%arg15 : memref<!tpu.dma_semaphore, #tpu.memory_space<semaphore_mem>>) src(%dma_wait3A_114 : memref<20000x144xf32, #tpu.memory_space<hbm>>) dst(%arg11 : memref<88x144xf32, #tpu.memory_space<vmem>>)
        %dma_start3A_115 = arith.constant 0 : i32
        %dma_start3A_116 = tpu.memref_slice %arg8[%add3A_108, %dma_start3A_115] : memref<12x88xi32, #tpu.memory_space<vmem>> -> memref<1x88xi32, #tpu.memory_space<vmem>>
        %dma_start3A_117 = tpu.memref_squeeze %dma_start3A_116 : memref<1x88xi32, #tpu.memory_space<vmem>> -> memref<88xi32, #tpu.memory_space<vmem>>
        %dma_start3A_118 = arith.constant 0 : i32
        %dma_start3A_119 = arith.constant 0 : i32
        %dma_start3A_120 = tpu.memref_slice %arg12[%dma_start3A_118, %dma_start3A_119] : memref<10008x144xf32, #tpu.memory_space<vmem_shared>> -> memref<10008x144xf32, #tpu.memory_space<vmem_shared>>
        tpu.enqueue_indirect_dma source(%arg11 : memref<88x144xf32, #tpu.memory_space<vmem>>) target(%dma_start3A_120 : memref<10008x144xf32, #tpu.memory_space<vmem_shared>>) offsets(%dma_start3A_117 : memref<88xi32, #tpu.memory_space<vmem>>) semaphore(%arg18 : memref<!tpu.dma_semaphore, #tpu.memory_space<semaphore_mem>>) {add = true}
        %add3A_121 = arith.constant 2 : i32
        %add3A_122 = arith.addi %add3A_108, %add3A_121 : i32
        %lt3A_123 = arith.constant 12 : i32
        %lt3A_124 = arith.cmpi slt, %add3A_122, %lt3A_123 : i32
        %convert_element_type3A_125 = arith.extui %lt3A_124 : i1 to i32
        %cond3A_126 = arith.constant 0 : i32
        %cond3A_127 = arith.cmpi ne, %convert_element_type3A_125, %cond3A_126 : i32
        scf.if %cond3A_127 {
          %ge3A = arith.constant 1 : i32
          %ge3A_128 = arith.cmpi sge, %add3A_108, %ge3A : i32
          %convert_element_type3A_129 = arith.extui %ge3A_128 : i1 to i32
          %cond3A_130 = arith.constant 0 : i32
          %cond3A_131 = arith.cmpi ne, %convert_element_type3A_129, %cond3A_130 : i32
          scf.if %cond3A_131 {
            %sub3A = arith.constant 1 : i32
            %sub3A_140 = arith.subi %add3A_108, %sub3A : i32
            %dma_wait3A_141 = arith.constant 0 : i32
            %dma_wait3A_142 = tpu.memref_slice %arg8[%sub3A_140, %dma_wait3A_141] : memref<12x88xi32, #tpu.memory_space<vmem>> -> memref<1x88xi32, #tpu.memory_space<vmem>>
            %dma_wait3A_143 = tpu.memref_squeeze %dma_wait3A_142 : memref<1x88xi32, #tpu.memory_space<vmem>> -> memref<88xi32, #tpu.memory_space<vmem>>
            %dma_wait3A_144 = arith.constant 0 : i32
            %dma_wait3A_145 = arith.constant 0 : i32
            %dma_wait3A_146 = tpu.memref_slice %arg12[%dma_wait3A_144, %dma_wait3A_145] : memref<10008x144xf32, #tpu.memory_space<vmem_shared>> -> memref<10008x144xf32, #tpu.memory_space<vmem_shared>>
            tpu.wait_indirect_dma semaphore(%arg17 : memref<!tpu.dma_semaphore, #tpu.memory_space<semaphore_mem>>) src(%arg10 : memref<88x144xf32, #tpu.memory_space<vmem>>) dst(%dma_wait3A_146 : memref<10008x144xf32, #tpu.memory_space<vmem_shared>>)
          } else {
          }
          %add3A_132 = arith.constant 2 : i32
          %add3A_133 = arith.addi %add3A_108, %add3A_132 : i32
          %dma_start3A_134 = arith.constant 0 : i32
          %dma_start3A_135 = tpu.memref_slice %arg7[%add3A_133, %dma_start3A_134] : memref<12x88xi32, #tpu.memory_space<vmem>> -> memref<1x88xi32, #tpu.memory_space<vmem>>
          %dma_start3A_136 = tpu.memref_squeeze %dma_start3A_135 : memref<1x88xi32, #tpu.memory_space<vmem>> -> memref<88xi32, #tpu.memory_space<vmem>>
          %dma_start3A_137 = arith.constant 0 : i32
          %dma_start3A_138 = arith.constant 0 : i32
          %dma_start3A_139 = tpu.memref_slice %arg2[%dma_start3A_137, %dma_start3A_138] : memref<20000x144xf32, #tpu.memory_space<hbm>> -> memref<20000x144xf32, #tpu.memory_space<hbm>>
          tpu.enqueue_indirect_dma source(%dma_start3A_139 : memref<20000x144xf32, #tpu.memory_space<hbm>>) target(%arg10 : memref<88x144xf32, #tpu.memory_space<vmem>>) offsets(%dma_start3A_136 : memref<88xi32, #tpu.memory_space<vmem>>) semaphore(%arg14 : memref<!tpu.dma_semaphore, #tpu.memory_space<semaphore_mem>>)
        } else {
        }
      }
      %scan3A_44 = arith.constant 4 : i32
      %dma_wait3A = arith.constant 9 : i32
      %dma_wait3A_45 = arith.constant 0 : i32
      %dma_wait3A_46 = tpu.memref_slice %arg8[%dma_wait3A, %dma_wait3A_45] : memref<12x88xi32, #tpu.memory_space<vmem>> -> memref<1x88xi32, #tpu.memory_space<vmem>>
      %dma_wait3A_47 = tpu.memref_squeeze %dma_wait3A_46 : memref<1x88xi32, #tpu.memory_space<vmem>> -> memref<88xi32, #tpu.memory_space<vmem>>
      %dma_wait3A_48 = arith.constant 0 : i32
      %dma_wait3A_49 = arith.constant 0 : i32
      %dma_wait3A_50 = tpu.memref_slice %arg12[%dma_wait3A_48, %dma_wait3A_49] : memref<10008x144xf32, #tpu.memory_space<vmem_shared>> -> memref<10008x144xf32, #tpu.memory_space<vmem_shared>>
      tpu.wait_indirect_dma semaphore(%arg16 : memref<!tpu.dma_semaphore, #tpu.memory_space<semaphore_mem>>) src(%arg9 : memref<88x144xf32, #tpu.memory_space<vmem>>) dst(%dma_wait3A_50 : memref<10008x144xf32, #tpu.memory_space<vmem_shared>>)
      %dma_wait3A_51 = arith.constant 10 : i32
      %dma_wait3A_52 = arith.constant 0 : i32
      %dma_wait3A_53 = tpu.memref_slice %arg8[%dma_wait3A_51, %dma_wait3A_52] : memref<12x88xi32, #tpu.memory_space<vmem>> -> memref<1x88xi32, #tpu.memory_space<vmem>>
      %dma_wait3A_54 = tpu.memref_squeeze %dma_wait3A_53 : memref<1x88xi32, #tpu.memory_space<vmem>> -> memref<88xi32, #tpu.memory_space<vmem>>
      %dma_wait3A_55 = arith.constant 0 : i32
      %dma_wait3A_56 = arith.constant 0 : i32
      %dma_wait3A_57 = tpu.memref_slice %arg12[%dma_wait3A_55, %dma_wait3A_56] : memref<10008x144xf32, #tpu.memory_space<vmem_shared>> -> memref<10008x144xf32, #tpu.memory_space<vmem_shared>>
      tpu.wait_indirect_dma semaphore(%arg17 : memref<!tpu.dma_semaphore, #tpu.memory_space<semaphore_mem>>) src(%arg10 : memref<88x144xf32, #tpu.memory_space<vmem>>) dst(%dma_wait3A_57 : memref<10008x144xf32, #tpu.memory_space<vmem_shared>>)
      %dma_wait3A_58 = arith.constant 11 : i32
      %dma_wait3A_59 = arith.constant 0 : i32
      %dma_wait3A_60 = tpu.memref_slice %arg8[%dma_wait3A_58, %dma_wait3A_59] : memref<12x88xi32, #tpu.memory_space<vmem>> -> memref<1x88xi32, #tpu.memory_space<vmem>>
      %dma_wait3A_61 = tpu.memref_squeeze %dma_wait3A_60 : memref<1x88xi32, #tpu.memory_space<vmem>> -> memref<88xi32, #tpu.memory_space<vmem>>
      %dma_wait3A_62 = arith.constant 0 : i32
      %dma_wait3A_63 = arith.constant 0 : i32
      %dma_wait3A_64 = tpu.memref_slice %arg12[%dma_wait3A_62, %dma_wait3A_63] : memref<10008x144xf32, #tpu.memory_space<vmem_shared>> -> memref<10008x144xf32, #tpu.memory_space<vmem_shared>>
      tpu.wait_indirect_dma semaphore(%arg18 : memref<!tpu.dma_semaphore, #tpu.memory_space<semaphore_mem>>) src(%arg11 : memref<88x144xf32, #tpu.memory_space<vmem>>) dst(%dma_wait3A_64 : memref<10008x144xf32, #tpu.memory_space<vmem_shared>>)
    }
    %scan3A_10 = arith.constant 19 : i32
    %barrier3A_11 = arith.constant 0 : index
    tpu.barrier barrier_id(%barrier3A_11)
    %lt3A_12 = arith.constant 15 : i32
    %lt3A_13 = arith.cmpi slt, %arg1, %lt3A_12 : i32
    %convert_element_type3A_14 = arith.extui %lt3A_13 : i1 to i32
    %cond3A_15 = arith.constant 0 : i32
    %cond3A_16 = arith.cmpi ne, %convert_element_type3A_14, %cond3A_15 : i32
    scf.if %cond3A_16 {
      %mul3A = arith.constant 632 : i32
      %mul3A_22 = arith.muli %arg1, %mul3A : i32
      %mul3A_23 = arith.constant 10000 : i32
      %mul3A_24 = arith.muli %arg0, %mul3A_23 : i32
      %mul3A_25 = arith.constant 632 : i32
      %mul3A_26 = arith.muli %arg1, %mul3A_25 : i32
      %add3A = arith.addi %mul3A_24, %mul3A_26 : i32
      "tpu.region"() ({
        %run_scoped3A = tpu.sem_alloc : memref<!tpu.dma_semaphore, #tpu.memory_space<semaphore_mem>>
        %dma_start3A = arith.constant 0 : i32
        %dma_start3A_27 = tpu.memref_slice %arg6[%add3A, %dma_start3A] : memref<20000x144xf32, #tpu.memory_space<hbm>> -> memref<632x144xf32, #tpu.memory_space<hbm>>
        %dma_start3A_28 = arith.constant 0 : i32
        %dma_start3A_29 = tpu.memref_slice %arg12[%mul3A_22, %dma_start3A_28] : memref<10008x144xf32, #tpu.memory_space<vmem_shared>> -> memref<632x144xf32, #tpu.memory_space<vmem_shared>>
        tpu.enqueue_dma source(%dma_start3A_29 : memref<632x144xf32, #tpu.memory_space<vmem_shared>>) target(%dma_start3A_27 : memref<632x144xf32, #tpu.memory_space<hbm>>) target_semaphore(%run_scoped3A : memref<!tpu.dma_semaphore, #tpu.memory_space<semaphore_mem>>)
        %dma_wait3A = arith.constant 0 : i32
        %dma_wait3A_30 = tpu.memref_slice %arg6[%add3A, %dma_wait3A] : memref<20000x144xf32, #tpu.memory_space<hbm>> -> memref<632x144xf32, #tpu.memory_space<hbm>>
        %dma_wait3A_31 = arith.constant 0 : i32
        %dma_wait3A_32 = tpu.memref_slice %arg12[%mul3A_22, %dma_wait3A_31] : memref<10008x144xf32, #tpu.memory_space<vmem_shared>> -> memref<632x144xf32, #tpu.memory_space<vmem_shared>>
        tpu.wait_dma2 semaphore(%run_scoped3A : memref<!tpu.dma_semaphore, #tpu.memory_space<semaphore_mem>>) src(%dma_wait3A_32 : memref<632x144xf32, #tpu.memory_space<vmem_shared>>) dst(%dma_wait3A_30 : memref<632x144xf32, #tpu.memory_space<hbm>>)
        tpu.yield
      }) : () -> ()
    } else {
    }
    %eq3A_17 = arith.constant 15 : i32
    %eq3A_18 = arith.cmpi eq, %arg1, %eq3A_17 : i32
    %convert_element_type3A_19 = arith.extui %eq3A_18 : i1 to i32
    %cond3A_20 = arith.constant 0 : i32
    %cond3A_21 = arith.cmpi ne, %convert_element_type3A_19, %cond3A_20 : i32
    scf.if %cond3A_21 {
      %mul3A = arith.constant 10000 : i32
      %mul3A_22 = arith.muli %arg0, %mul3A : i32
      %add3A = arith.constant 9480 : i32
      %add3A_23 = arith.addi %mul3A_22, %add3A : i32
      "tpu.region"() ({
        %run_scoped3A = tpu.sem_alloc : memref<!tpu.dma_semaphore, #tpu.memory_space<semaphore_mem>>
        %dma_start3A = arith.constant 0 : i32
        %dma_start3A_24 = tpu.memref_slice %arg6[%add3A_23, %dma_start3A] : memref<20000x144xf32, #tpu.memory_space<hbm>> -> memref<520x144xf32, #tpu.memory_space<hbm>>
        %dma_start3A_25 = arith.constant 9480 : i32
        %dma_start3A_26 = arith.constant 0 : i32
        %dma_start3A_27 = tpu.memref_slice %arg12[%dma_start3A_25, %dma_start3A_26] : memref<10008x144xf32, #tpu.memory_space<vmem_shared>> -> memref<520x144xf32, #tpu.memory_space<vmem_shared>>
        tpu.enqueue_dma source(%dma_start3A_27 : memref<520x144xf32, #tpu.memory_space<vmem_shared>>) target(%dma_start3A_24 : memref<520x144xf32, #tpu.memory_space<hbm>>) target_semaphore(%run_scoped3A : memref<!tpu.dma_semaphore, #tpu.memory_space<semaphore_mem>>)
        %dma_wait3A = arith.constant 0 : i32
        %dma_wait3A_28 = tpu.memref_slice %arg6[%add3A_23, %dma_wait3A] : memref<20000x144xf32, #tpu.memory_space<hbm>> -> memref<520x144xf32, #tpu.memory_space<hbm>>
        %dma_wait3A_29 = arith.constant 9480 : i32
        %dma_wait3A_30 = arith.constant 0 : i32
        %dma_wait3A_31 = tpu.memref_slice %arg12[%dma_wait3A_29, %dma_wait3A_30] : memref<10008x144xf32, #tpu.memory_space<vmem_shared>> -> memref<520x144xf32, #tpu.memory_space<vmem_shared>>
        tpu.wait_dma2 semaphore(%run_scoped3A : memref<!tpu.dma_semaphore, #tpu.memory_space<semaphore_mem>>) src(%dma_wait3A_31 : memref<520x144xf32, #tpu.memory_space<vmem_shared>>) dst(%dma_wait3A_28 : memref<520x144xf32, #tpu.memory_space<hbm>>)
        tpu.yield
      }) : () -> ()
    } else {
    }
    return
  }
}

module attributes {stable_mosaic.version = 14 : i64} {
  func.func @_asm_body(%arg0: i32, %arg1: memref<2000x128xf32, #tpu.memory_space<vmem>>, %arg2: memref<2000x1xf32, #tpu.memory_space<vmem>>, %arg3: memref<2000x144xf32, #tpu.memory_space<vmem>>) attributes {dimension_semantics = [#tpu.dimension_semantics<arbitrary>], iteration_bounds = array<i64: 10>, scalar_prefetch = 0 : i64, scratch_operands = 0 : i64, tpu.core_type = #tpu.core_type<tc>, window_params = [{transform_indices = @transform_0, window_bounds = array<i64: 2000, 128>}, {transform_indices = @transform_1, window_bounds = array<i64: 2000, 1>}, {transform_indices = @transform_2, window_bounds = array<i64: 2000, 144>}]} {
    %get3A = arith.constant 0 : index
    %get3A_0 = arith.constant 0 : index
    %get3A_1 = vector.load %arg1[%get3A, %get3A_0] : memref<2000x128xf32, #tpu.memory_space<vmem>>, vector<2000x128xf32>
    %get3A_2 = arith.constant 0 : index
    %get3A_3 = arith.constant 0 : index
    %get3A_4 = vector.load %arg2[%get3A_2, %get3A_3] : memref<2000x1xf32, #tpu.memory_space<vmem>>, vector<2000x1xf32>
    %broadcast_in_dim3A = arith.constant 0.000000e+00 : f32
    %broadcast_in_dim3A_5 = vector.broadcast %broadcast_in_dim3A : f32 to vector<2000x15xf32>
    %concatenate3A = tpu.concatenate %get3A_1, %get3A_4, %broadcast_in_dim3A_5 in 1 : vector<2000x128xf32>, vector<2000x1xf32>, vector<2000x15xf32> -> vector<2000x144xf32>
    %swap3A = arith.constant 0 : index
    %swap3A_6 = arith.constant 0 : index
    %swap3A_7 = vector.load %arg3[%swap3A, %swap3A_6] : memref<2000x144xf32, #tpu.memory_space<vmem>>, vector<2000x144xf32>
    tpu.vector_store %arg3[%swap3A, %swap3A_6], %concatenate3A {strides = array<i32>} : memref<2000x144xf32, #tpu.memory_space<vmem>>, vector<2000x144xf32>,
    return
  }
  func.func @transform_0(%arg0: i32) -> (i32, i32) {
    %jit3A = arith.constant 5 : i32
    %eq3A = arith.constant 0 : i32
    %eq3A_0 = arith.cmpi eq, %jit3A, %eq3A : i32
    %jit3A_1 = arith.constant 1 : i32
    %select_n3A = arith.select %eq3A_0, %jit3A_1, %jit3A : i32
    %rem3A = arith.remsi %arg0, %select_n3A : i32
    %ne3A = arith.constant 0 : i32
    %ne3A_2 = arith.cmpi ne, %rem3A, %ne3A : i32
    %lt3A = arith.constant 0 : i32
    %lt3A_3 = arith.cmpi slt, %rem3A, %lt3A : i32
    %lt3A_4 = arith.constant 0 : i32
    %lt3A_5 = arith.cmpi slt, %select_n3A, %lt3A_4 : i32
    %ne3A_6 = arith.xori %lt3A_3, %lt3A_5 : i1
    %and3A = arith.andi %ne3A_6, %ne3A_2 : i1
    %add3A = arith.addi %rem3A, %select_n3A : i32
    %select_n3A_7 = arith.select %and3A, %add3A, %rem3A : i32
    %c0_i32 = arith.constant 0 : i32
    %c0_i32_8 = arith.constant 0 : i32
    return %select_n3A_7, %c0_i32 : i32, i32
  }
  func.func @transform_1(%arg0: i32) -> (i32, i32) {
    %c0_i32 = arith.constant 0 : i32
    %c0_i32_0 = arith.constant 0 : i32
    return %arg0, %c0_i32 : i32, i32
  }
  func.func @transform_2(%arg0: i32) -> (i32, i32) {
    %c0_i32 = arith.constant 0 : i32
    %c0_i32_0 = arith.constant 0 : i32
    return %arg0, %c0_i32 : i32, i32
  }
}

module attributes {stable_mosaic.version = 14 : i64} {
  func.func @_gru_body(%arg0: i32, %arg1: memref<2000x144xf32, #tpu.memory_space<vmem>>, %arg2: memref<2000x144xf32, #tpu.memory_space<vmem>>, %arg3: memref<144x144xf32, #tpu.memory_space<vmem>>, %arg4: memref<144x144xf32, #tpu.memory_space<vmem>>, %arg5: memref<144x144xf32, #tpu.memory_space<vmem>>, %arg6: memref<144x144xf32, #tpu.memory_space<vmem>>, %arg7: memref<144x144xf32, #tpu.memory_space<vmem>>, %arg8: memref<144x144xf32, #tpu.memory_space<vmem>>, %arg9: memref<4x144xf32, #tpu.memory_space<vmem>>, %arg10: memref<2000x144xf32, #tpu.memory_space<vmem>>) attributes {dimension_semantics = [#tpu.dimension_semantics<arbitrary>], iteration_bounds = array<i64: 10>, scalar_prefetch = 0 : i64, scratch_operands = 0 : i64, tpu.core_type = #tpu.core_type<tc>, window_params = [{transform_indices = @transform_0, window_bounds = array<i64: 2000, 144>}, {transform_indices = @transform_1, window_bounds = array<i64: 2000, 144>}, {pipeline_mode = #tpu.pipeline_mode<synchronous>, transform_indices = @transform_2, window_bounds = array<i64: 144, 144>}, {pipeline_mode = #tpu.pipeline_mode<synchronous>, transform_indices = @transform_3, window_bounds = array<i64: 144, 144>}, {pipeline_mode = #tpu.pipeline_mode<synchronous>, transform_indices = @transform_4, window_bounds = array<i64: 144, 144>}, {pipeline_mode = #tpu.pipeline_mode<synchronous>, transform_indices = @transform_5, window_bounds = array<i64: 144, 144>}, {pipeline_mode = #tpu.pipeline_mode<synchronous>, transform_indices = @transform_6, window_bounds = array<i64: 144, 144>}, {pipeline_mode = #tpu.pipeline_mode<synchronous>, transform_indices = @transform_7, window_bounds = array<i64: 144, 144>}, {pipeline_mode = #tpu.pipeline_mode<synchronous>, transform_indices = @transform_8, window_bounds = array<i64: 4, 144>}, {transform_indices = @transform_9, window_bounds = array<i64: 2000, 144>}]} {
    %get3A = arith.constant 0 : index
    %get3A_0 = arith.constant 0 : index
    %get3A_1 = vector.load %arg1[%get3A, %get3A_0] : memref<2000x144xf32, #tpu.memory_space<vmem>>, vector<2000x144xf32>
    %get3A_2 = arith.constant 0 : index
    %get3A_3 = arith.constant 0 : index
    %get3A_4 = vector.load %arg2[%get3A_2, %get3A_3] : memref<2000x144xf32, #tpu.memory_space<vmem>>, vector<2000x144xf32>
    %get3A_5 = arith.constant 0 : index
    %get3A_6 = arith.constant 0 : index
    %get3A_7 = vector.load %arg9[%get3A_5, %get3A_6] : memref<4x144xf32, #tpu.memory_space<vmem>>, vector<4x144xf32>
    %get3A_8 = arith.constant 0 : index
    %get3A_9 = arith.constant 0 : index
    %get3A_10 = vector.load %arg3[%get3A_8, %get3A_9] : memref<144x144xf32, #tpu.memory_space<vmem>>, vector<144x144xf32>
    %dot_general3A = arith.constant dense<0.000000e+00> : vector<2000x144xf32>
    %dot_general3A_11 = tpu.matmul %get3A_1, %get3A_10, %dot_general3A {dimension_numbers = #tpu.dot_dimension_numbers<[1], [0], [0], [1], [0, 0, 1, 1], [], []>, precision = #tpu.contract_precision<fp32>, transpose_lhs_hint = false} : vector<2000x144xf32>, vector<144x144xf32>, vector<2000x144xf32> -> vector<2000x144xf32>
    %get3A_12 = arith.constant 0 : index
    %get3A_13 = arith.constant 0 : index
    %get3A_14 = vector.load %arg6[%get3A_12, %get3A_13] : memref<144x144xf32, #tpu.memory_space<vmem>>, vector<144x144xf32>
    %dot_general3A_15 = arith.constant dense<0.000000e+00> : vector<2000x144xf32>
    %dot_general3A_16 = tpu.matmul %get3A_4, %get3A_14, %dot_general3A_15 {dimension_numbers = #tpu.dot_dimension_numbers<[1], [0], [0], [1], [0, 0, 1, 1], [], []>, precision = #tpu.contract_precision<fp32>, transpose_lhs_hint = false} : vector<2000x144xf32>, vector<144x144xf32>, vector<2000x144xf32> -> vector<2000x144xf32>
    %add3A = arith.addf %dot_general3A_11, %dot_general3A_16 : vector<2000x144xf32>
    %slice3A = vector.extract_strided_slice %get3A_7 {offsets = [0, 0], sizes = [1, 144], strides = [1, 1]} : vector<4x144xf32> to vector<1x144xf32>
    %add3A_17 = vector.broadcast %slice3A : vector<1x144xf32> to vector<2000x144xf32>
    %add3A_18 = arith.addf %add3A, %add3A_17 : vector<2000x144xf32>
    %logistic3A = arith.negf %add3A_18 : vector<2000x144xf32>
    %logistic3A_19 = math.exp %logistic3A : vector<2000x144xf32>
    %logistic3A_20 = arith.constant 1.000000e+00 : f32
    %logistic3A_21 = vector.broadcast %logistic3A_20 : f32 to vector<2000x144xf32>
    %logistic3A_22 = arith.addf %logistic3A_21, %logistic3A_19 : vector<2000x144xf32>
    %logistic3A_23 = arith.divf %logistic3A_21, %logistic3A_22 : vector<2000x144xf32>
    %get3A_24 = arith.constant 0 : index
    %get3A_25 = arith.constant 0 : index
    %get3A_26 = vector.load %arg4[%get3A_24, %get3A_25] : memref<144x144xf32, #tpu.memory_space<vmem>>, vector<144x144xf32>
    %dot_general3A_27 = arith.constant dense<0.000000e+00> : vector<2000x144xf32>
    %dot_general3A_28 = tpu.matmul %get3A_1, %get3A_26, %dot_general3A_27 {dimension_numbers = #tpu.dot_dimension_numbers<[1], [0], [0], [1], [0, 0, 1, 1], [], []>, precision = #tpu.contract_precision<fp32>, transpose_lhs_hint = false} : vector<2000x144xf32>, vector<144x144xf32>, vector<2000x144xf32> -> vector<2000x144xf32>
    %get3A_29 = arith.constant 0 : index
    %get3A_30 = arith.constant 0 : index
    %get3A_31 = vector.load %arg7[%get3A_29, %get3A_30] : memref<144x144xf32, #tpu.memory_space<vmem>>, vector<144x144xf32>
    %dot_general3A_32 = arith.constant dense<0.000000e+00> : vector<2000x144xf32>
    %dot_general3A_33 = tpu.matmul %get3A_4, %get3A_31, %dot_general3A_32 {dimension_numbers = #tpu.dot_dimension_numbers<[1], [0], [0], [1], [0, 0, 1, 1], [], []>, precision = #tpu.contract_precision<fp32>, transpose_lhs_hint = false} : vector<2000x144xf32>, vector<144x144xf32>, vector<2000x144xf32> -> vector<2000x144xf32>
    %add3A_34 = arith.addf %dot_general3A_28, %dot_general3A_33 : vector<2000x144xf32>
    %slice3A_35 = vector.extract_strided_slice %get3A_7 {offsets = [1, 0], sizes = [1, 144], strides = [1, 1]} : vector<4x144xf32> to vector<1x144xf32>
    %add3A_36 = vector.broadcast %slice3A_35 : vector<1x144xf32> to vector<2000x144xf32>
    %add3A_37 = arith.addf %add3A_34, %add3A_36 : vector<2000x144xf32>
    %logistic3A_38 = arith.negf %add3A_37 : vector<2000x144xf32>
    %logistic3A_39 = math.exp %logistic3A_38 : vector<2000x144xf32>
    %logistic3A_40 = arith.constant 1.000000e+00 : f32
    %logistic3A_41 = vector.broadcast %logistic3A_40 : f32 to vector<2000x144xf32>
    %logistic3A_42 = arith.addf %logistic3A_41, %logistic3A_39 : vector<2000x144xf32>
    %logistic3A_43 = arith.divf %logistic3A_41, %logistic3A_42 : vector<2000x144xf32>
    %get3A_44 = arith.constant 0 : index
    %get3A_45 = arith.constant 0 : index
    %get3A_46 = vector.load %arg5[%get3A_44, %get3A_45] : memref<144x144xf32, #tpu.memory_space<vmem>>, vector<144x144xf32>
    %dot_general3A_47 = arith.constant dense<0.000000e+00> : vector<2000x144xf32>
    %dot_general3A_48 = tpu.matmul %get3A_1, %get3A_46, %dot_general3A_47 {dimension_numbers = #tpu.dot_dimension_numbers<[1], [0], [0], [1], [0, 0, 1, 1], [], []>, precision = #tpu.contract_precision<fp32>, transpose_lhs_hint = false} : vector<2000x144xf32>, vector<144x144xf32>, vector<2000x144xf32> -> vector<2000x144xf32>
    %slice3A_49 = vector.extract_strided_slice %get3A_7 {offsets = [2, 0], sizes = [1, 144], strides = [1, 1]} : vector<4x144xf32> to vector<1x144xf32>
    %add3A_50 = vector.broadcast %slice3A_49 : vector<1x144xf32> to vector<2000x144xf32>
    %add3A_51 = arith.addf %dot_general3A_48, %add3A_50 : vector<2000x144xf32>
    %get3A_52 = arith.constant 0 : index
    %get3A_53 = arith.constant 0 : index
    %get3A_54 = vector.load %arg8[%get3A_52, %get3A_53] : memref<144x144xf32, #tpu.memory_space<vmem>>, vector<144x144xf32>
    %dot_general3A_55 = arith.constant dense<0.000000e+00> : vector<2000x144xf32>
    %dot_general3A_56 = tpu.matmul %get3A_4, %get3A_54, %dot_general3A_55 {dimension_numbers = #tpu.dot_dimension_numbers<[1], [0], [0], [1], [0, 0, 1, 1], [], []>, precision = #tpu.contract_precision<fp32>, transpose_lhs_hint = false} : vector<2000x144xf32>, vector<144x144xf32>, vector<2000x144xf32> -> vector<2000x144xf32>
    %slice3A_57 = vector.extract_strided_slice %get3A_7 {offsets = [3, 0], sizes = [1, 144], strides = [1, 1]} : vector<4x144xf32> to vector<1x144xf32>
    %add3A_58 = vector.broadcast %slice3A_57 : vector<1x144xf32> to vector<2000x144xf32>
    %add3A_59 = arith.addf %dot_general3A_56, %add3A_58 : vector<2000x144xf32>
    %mul3A = arith.mulf %logistic3A_23, %add3A_59 : vector<2000x144xf32>
    %add3A_60 = arith.addf %add3A_51, %mul3A : vector<2000x144xf32>
    %tanh3A = math.tanh %add3A_60 : vector<2000x144xf32>
    %sub3A = arith.constant 1.000000e+00 : f32
    %sub3A_61 = vector.broadcast %sub3A : f32 to vector<2000x144xf32>
    %sub3A_62 = arith.subf %sub3A_61, %logistic3A_43 : vector<2000x144xf32>
    %mul3A_63 = arith.mulf %sub3A_62, %tanh3A : vector<2000x144xf32>
    %mul3A_64 = arith.mulf %logistic3A_43, %get3A_4 : vector<2000x144xf32>
    %add3A_65 = arith.addf %mul3A_63, %mul3A_64 : vector<2000x144xf32>
    %swap3A = arith.constant 0 : index
    %swap3A_66 = arith.constant 0 : index
    %swap3A_67 = vector.load %arg10[%swap3A, %swap3A_66] : memref<2000x144xf32, #tpu.memory_space<vmem>>, vector<2000x144xf32>
    tpu.vector_store %arg10[%swap3A, %swap3A_66], %add3A_65 {strides = array<i32>} : memref<2000x144xf32, #tpu.memory_space<vmem>>, vector<2000x144xf32>,
    return
  }
  func.func @transform_0(%arg0: i32) -> (i32, i32) {
    %c0_i32 = arith.constant 0 : i32
    %c0_i32_0 = arith.constant 0 : i32
    return %arg0, %c0_i32 : i32, i32
  }
  func.func @transform_1(%arg0: i32) -> (i32, i32) {
    %c0_i32 = arith.constant 0 : i32
    %c0_i32_0 = arith.constant 0 : i32
    return %arg0, %c0_i32 : i32, i32
  }
  func.func @transform_2(%arg0: i32) -> (i32, i32) {
    %c0_i32 = arith.constant 0 : i32
    %c0_i32_0 = arith.constant 0 : i32
    %c0_i32_1 = arith.constant 0 : i32
    return %c0_i32, %c0_i32_0 : i32, i32
  }
  func.func @transform_3(%arg0: i32) -> (i32, i32) {
    %c0_i32 = arith.constant 0 : i32
    %c0_i32_0 = arith.constant 0 : i32
    %c0_i32_1 = arith.constant 0 : i32
    return %c0_i32, %c0_i32_0 : i32, i32
  }
  func.func @transform_4(%arg0: i32) -> (i32, i32) {
    %c0_i32 = arith.constant 0 : i32
    %c0_i32_0 = arith.constant 0 : i32
    %c0_i32_1 = arith.constant 0 : i32
    return %c0_i32, %c0_i32_0 : i32, i32
  }
  func.func @transform_5(%arg0: i32) -> (i32, i32) {
    %c0_i32 = arith.constant 0 : i32
    %c0_i32_0 = arith.constant 0 : i32
    %c0_i32_1 = arith.constant 0 : i32
    return %c0_i32, %c0_i32_0 : i32, i32
  }
  func.func @transform_6(%arg0: i32) -> (i32, i32) {
    %c0_i32 = arith.constant 0 : i32
    %c0_i32_0 = arith.constant 0 : i32
    %c0_i32_1 = arith.constant 0 : i32
    return %c0_i32, %c0_i32_0 : i32, i32
  }
  func.func @transform_7(%arg0: i32) -> (i32, i32) {
    %c0_i32 = arith.constant 0 : i32
    %c0_i32_0 = arith.constant 0 : i32
    %c0_i32_1 = arith.constant 0 : i32
    return %c0_i32, %c0_i32_0 : i32, i32
  }
  func.func @transform_8(%arg0: i32) -> (i32, i32) {
    %c0_i32 = arith.constant 0 : i32
    %c0_i32_0 = arith.constant 0 : i32
    %c0_i32_1 = arith.constant 0 : i32
    return %c0_i32, %c0_i32_0 : i32, i32
  }
  func.func @transform_9(%arg0: i32) -> (i32, i32) {
    %c0_i32 = arith.constant 0 : i32
    %c0_i32_0 = arith.constant 0 : i32
    return %arg0, %c0_i32 : i32, i32
  }
}

module attributes {stable_mosaic.version = 14 : i64} {
  func.func @_att_body(%arg0: i32, %arg1: memref<2000x144xf32, #tpu.memory_space<vmem>>, %arg2: memref<2000x144xf32, #tpu.memory_space<vmem>>, %arg3: memref<144x288xf32, #tpu.memory_space<vmem>>, %arg4: memref<144x288xf32, #tpu.memory_space<vmem>>, %arg5: memref<144x288xf32, #tpu.memory_space<vmem>>, %arg6: memref<144x288xf32, #tpu.memory_space<vmem>>, %arg7: memref<2x288xf32, #tpu.memory_space<vmem>>, %arg8: memref<2x288xf32, #tpu.memory_space<vmem>>) attributes {dimension_semantics = [#tpu.dimension_semantics<arbitrary>], iteration_bounds = array<i64: 10>, scalar_prefetch = 0 : i64, scratch_operands = 0 : i64, tpu.core_type = #tpu.core_type<tc>, window_params = [{transform_indices = @transform_0, window_bounds = array<i64: 2000, 144>}, {transform_indices = @transform_1, window_bounds = array<i64: 2000, 144>}, {pipeline_mode = #tpu.pipeline_mode<synchronous>, transform_indices = @transform_2, window_bounds = array<i64: 144, 288>}, {pipeline_mode = #tpu.pipeline_mode<synchronous>, transform_indices = @transform_3, window_bounds = array<i64: 144, 288>}, {pipeline_mode = #tpu.pipeline_mode<synchronous>, transform_indices = @transform_4, window_bounds = array<i64: 144, 288>}, {pipeline_mode = #tpu.pipeline_mode<synchronous>, transform_indices = @transform_5, window_bounds = array<i64: 144, 288>}, {pipeline_mode = #tpu.pipeline_mode<synchronous>, transform_indices = @transform_6, window_bounds = array<i64: 2, 288>}, {pipeline_mode = #tpu.pipeline_mode<synchronous>, transform_indices = @transform_7, window_bounds = array<i64: 2, 288>}]} {
    %eq3A = arith.constant 0 : i32
    %eq3A_0 = arith.cmpi eq, %arg0, %eq3A : i32
    %convert_element_type3A = arith.extui %eq3A_0 : i1 to i32
    %cond3A = arith.constant 0 : i32
    %cond3A_1 = arith.cmpi ne, %convert_element_type3A, %cond3A : i32
    scf.if %cond3A_1 {
      %broadcast_in_dim3A_72 = arith.constant 0.000000e+00 : f32
      %broadcast_in_dim3A_73 = vector.broadcast %broadcast_in_dim3A_72 : f32 to vector<2x288xf32>
      %swap3A_74 = arith.constant 0 : index
      %swap3A_75 = arith.constant 0 : index
      %swap3A_76 = vector.load %arg8[%swap3A_74, %swap3A_75] : memref<2x288xf32, #tpu.memory_space<vmem>>, vector<2x288xf32>
      tpu.vector_store %arg8[%swap3A_74, %swap3A_75], %broadcast_in_dim3A_73 {strides = array<i32>} : memref<2x288xf32, #tpu.memory_space<vmem>>, vector<2x288xf32>,
    } else {
    }
    %get3A = arith.constant 0 : index
    %get3A_2 = arith.constant 0 : index
    %get3A_3 = vector.load %arg1[%get3A, %get3A_2] : memref<2000x144xf32, #tpu.memory_space<vmem>>, vector<2000x144xf32>
    %get3A_4 = arith.constant 0 : index
    %get3A_5 = arith.constant 0 : index
    %get3A_6 = vector.load %arg2[%get3A_4, %get3A_5] : memref<2000x144xf32, #tpu.memory_space<vmem>>, vector<2000x144xf32>
    %get3A_7 = arith.constant 0 : index
    %get3A_8 = arith.constant 0 : index
    %get3A_9 = vector.load %arg7[%get3A_7, %get3A_8] : memref<2x288xf32, #tpu.memory_space<vmem>>, vector<2x288xf32>
    %get3A_10 = arith.constant 0 : index
    %get3A_11 = arith.constant 0 : index
    %get3A_12 = vector.load %arg3[%get3A_10, %get3A_11] : memref<144x288xf32, #tpu.memory_space<vmem>>, vector<144x288xf32>
    %dot_general3A = arith.constant dense<0.000000e+00> : vector<2000x288xf32>
    %dot_general3A_13 = tpu.matmul %get3A_3, %get3A_12, %dot_general3A {dimension_numbers = #tpu.dot_dimension_numbers<[1], [0], [0], [1], [0, 0, 1, 1], [], []>, precision = #tpu.contract_precision<fp32>, transpose_lhs_hint = false} : vector<2000x144xf32>, vector<144x288xf32>, vector<2000x288xf32> -> vector<2000x288xf32>
    %get3A_14 = arith.constant 0 : index
    %get3A_15 = arith.constant 0 : index
    %get3A_16 = vector.load %arg4[%get3A_14, %get3A_15] : memref<144x288xf32, #tpu.memory_space<vmem>>, vector<144x288xf32>
    %dot_general3A_17 = arith.constant dense<0.000000e+00> : vector<2000x288xf32>
    %dot_general3A_18 = tpu.matmul %get3A_6, %get3A_16, %dot_general3A_17 {dimension_numbers = #tpu.dot_dimension_numbers<[1], [0], [0], [1], [0, 0, 1, 1], [], []>, precision = #tpu.contract_precision<fp32>, transpose_lhs_hint = false} : vector<2000x144xf32>, vector<144x288xf32>, vector<2000x288xf32> -> vector<2000x288xf32>
    %add3A = arith.addf %dot_general3A_13, %dot_general3A_18 : vector<2000x288xf32>
    %slice3A = vector.extract_strided_slice %get3A_9 {offsets = [0, 0], sizes = [1, 288], strides = [1, 1]} : vector<2x288xf32> to vector<1x288xf32>
    %add3A_19 = vector.broadcast %slice3A : vector<1x288xf32> to vector<2000x288xf32>
    %add3A_20 = arith.addf %add3A, %add3A_19 : vector<2000x288xf32>
    %logistic3A = arith.negf %add3A_20 : vector<2000x288xf32>
    %logistic3A_21 = math.exp %logistic3A : vector<2000x288xf32>
    %logistic3A_22 = arith.constant 1.000000e+00 : f32
    %logistic3A_23 = vector.broadcast %logistic3A_22 : f32 to vector<2000x288xf32>
    %logistic3A_24 = arith.addf %logistic3A_23, %logistic3A_21 : vector<2000x288xf32>
    %logistic3A_25 = arith.divf %logistic3A_23, %logistic3A_24 : vector<2000x288xf32>
    %get3A_26 = arith.constant 0 : index
    %get3A_27 = arith.constant 0 : index
    %get3A_28 = vector.load %arg5[%get3A_26, %get3A_27] : memref<144x288xf32, #tpu.memory_space<vmem>>, vector<144x288xf32>
    %dot_general3A_29 = arith.constant dense<0.000000e+00> : vector<2000x288xf32>
    %dot_general3A_30 = tpu.matmul %get3A_3, %get3A_28, %dot_general3A_29 {dimension_numbers = #tpu.dot_dimension_numbers<[1], [0], [0], [1], [0, 0, 1, 1], [], []>, precision = #tpu.contract_precision<fp32>, transpose_lhs_hint = false} : vector<2000x144xf32>, vector<144x288xf32>, vector<2000x288xf32> -> vector<2000x288xf32>
    %get3A_31 = arith.constant 0 : index
    %get3A_32 = arith.constant 0 : index
    %get3A_33 = vector.load %arg6[%get3A_31, %get3A_32] : memref<144x288xf32, #tpu.memory_space<vmem>>, vector<144x288xf32>
    %dot_general3A_34 = arith.constant dense<0.000000e+00> : vector<2000x288xf32>
    %dot_general3A_35 = tpu.matmul %get3A_6, %get3A_33, %dot_general3A_34 {dimension_numbers = #tpu.dot_dimension_numbers<[1], [0], [0], [1], [0, 0, 1, 1], [], []>, precision = #tpu.contract_precision<fp32>, transpose_lhs_hint = false} : vector<2000x144xf32>, vector<144x288xf32>, vector<2000x288xf32> -> vector<2000x288xf32>
    %add3A_36 = arith.addf %dot_general3A_30, %dot_general3A_35 : vector<2000x288xf32>
    %slice3A_37 = vector.extract_strided_slice %get3A_9 {offsets = [1, 0], sizes = [1, 288], strides = [1, 1]} : vector<2x288xf32> to vector<1x288xf32>
    %add3A_38 = vector.broadcast %slice3A_37 : vector<1x288xf32> to vector<2000x288xf32>
    %add3A_39 = arith.addf %add3A_36, %add3A_38 : vector<2000x288xf32>
    %max3A = arith.constant 0.000000e+00 : f32
    %max3A_40 = vector.broadcast %max3A : f32 to vector<2000x288xf32>
    %max3A_41 = arith.maximumf %add3A_39, %max3A_40 : vector<2000x288xf32>
    %mul3A = arith.mulf %logistic3A_25, %max3A_41 : vector<2000x288xf32>
    %reduce_sum3A = arith.constant dense<0.000000e+00> : vector<288xf32>
    %reduce_sum3A_42 = vector.multi_reduction <add>, %mul3A, %reduce_sum3A [0] : vector<2000x288xf32> to vector<288xf32>
    %broadcast_in_dim3A = vector.shape_cast %reduce_sum3A_42 : vector<288xf32> to vector<1x288xf32>
    %jit3A = arith.constant 5 : i32
    %div3A = arith.divsi %arg0, %jit3A : i32
    %sign3A = arith.constant 0 : i32
    %sign3A_43 = arith.cmpi sgt, %arg0, %sign3A : i32
    %sign3A_44 = arith.extui %sign3A_43 : i1 to i32
    %sign3A_45 = arith.constant 0 : i32
    %sign3A_46 = arith.cmpi slt, %arg0, %sign3A_45 : i32
    %sign3A_47 = arith.extui %sign3A_46 : i1 to i32
    %sign3A_48 = arith.subi %sign3A_44, %sign3A_47 : i32
    %sign3A_49 = arith.constant 0 : i32
    %sign3A_50 = arith.cmpi sgt, %jit3A, %sign3A_49 : i32
    %sign3A_51 = arith.extui %sign3A_50 : i1 to i32
    %sign3A_52 = arith.constant 0 : i32
    %sign3A_53 = arith.cmpi slt, %jit3A, %sign3A_52 : i32
    %sign3A_54 = arith.extui %sign3A_53 : i1 to i32
    %sign3A_55 = arith.subi %sign3A_51, %sign3A_54 : i32
    %ne3A = arith.cmpi ne, %sign3A_48, %sign3A_55 : i32
    %rem3A = arith.remsi %arg0, %jit3A : i32
    %ne3A_56 = arith.constant 0 : i32
    %ne3A_57 = arith.cmpi ne, %rem3A, %ne3A_56 : i32
    %and3A = arith.andi %ne3A, %ne3A_57 : i1
    %sub3A = arith.constant 1 : i32
    %sub3A_58 = arith.subi %div3A, %sub3A : i32
    %select_n3A = arith.select %and3A, %sub3A_58, %div3A : i32
    %iota3A = tpu.iota {dimensions = array<i32: 0>} : vector<2x1xi32>
    %eq3A_59 = vector.broadcast %select_n3A : i32 to vector<2x1xi32>
    %eq3A_60 = arith.cmpi eq, %iota3A, %eq3A_59 : vector<2x1xi32>
    %convert_element_type3A_61 = arith.extui %eq3A_60 : vector<2x1xi1> to vector<2x1xi32>
    %convert_element_type3A_62 = arith.sitofp %convert_element_type3A_61 : vector<2x1xi32> to vector<2x1xf32>
    %get3A_63 = arith.constant 0 : index
    %get3A_64 = arith.constant 0 : index
    %get3A_65 = vector.load %arg8[%get3A_63, %get3A_64] : memref<2x288xf32, #tpu.memory_space<vmem>>, vector<2x288xf32>
    %mul3A_66 = vector.broadcast %convert_element_type3A_62 : vector<2x1xf32> to vector<2x288xf32>
    %mul3A_67 = vector.broadcast %broadcast_in_dim3A : vector<1x288xf32> to vector<2x288xf32>
    %mul3A_68 = arith.mulf %mul3A_66, %mul3A_67 : vector<2x288xf32>
    %add3A_69 = arith.addf %get3A_65, %mul3A_68 : vector<2x288xf32>
    %swap3A = arith.constant 0 : index
    %swap3A_70 = arith.constant 0 : index
    %swap3A_71 = vector.load %arg8[%swap3A, %swap3A_70] : memref<2x288xf32, #tpu.memory_space<vmem>>, vector<2x288xf32>
    tpu.vector_store %arg8[%swap3A, %swap3A_70], %add3A_69 {strides = array<i32>} : memref<2x288xf32, #tpu.memory_space<vmem>>, vector<2x288xf32>,
    return
  }
  func.func @transform_0(%arg0: i32) -> (i32, i32) {
    %c0_i32 = arith.constant 0 : i32
    %c0_i32_0 = arith.constant 0 : i32
    return %arg0, %c0_i32 : i32, i32
  }
  func.func @transform_1(%arg0: i32) -> (i32, i32) {
    %c0_i32 = arith.constant 0 : i32
    %c0_i32_0 = arith.constant 0 : i32
    return %arg0, %c0_i32 : i32, i32
  }
  func.func @transform_2(%arg0: i32) -> (i32, i32) {
    %c0_i32 = arith.constant 0 : i32
    %c0_i32_0 = arith.constant 0 : i32
    %c0_i32_1 = arith.constant 0 : i32
    return %c0_i32, %c0_i32_0 : i32, i32
  }
  func.func @transform_3(%arg0: i32) -> (i32, i32) {
    %c0_i32 = arith.constant 0 : i32
    %c0_i32_0 = arith.constant 0 : i32
    %c0_i32_1 = arith.constant 0 : i32
    return %c0_i32, %c0_i32_0 : i32, i32
  }
  func.func @transform_4(%arg0: i32) -> (i32, i32) {
    %c0_i32 = arith.constant 0 : i32
    %c0_i32_0 = arith.constant 0 : i32
    %c0_i32_1 = arith.constant 0 : i32
    return %c0_i32, %c0_i32_0 : i32, i32
  }
  func.func @transform_5(%arg0: i32) -> (i32, i32) {
    %c0_i32 = arith.constant 0 : i32
    %c0_i32_0 = arith.constant 0 : i32
    %c0_i32_1 = arith.constant 0 : i32
    return %c0_i32, %c0_i32_0 : i32, i32
  }
  func.func @transform_6(%arg0: i32) -> (i32, i32) {
    %c0_i32 = arith.constant 0 : i32
    %c0_i32_0 = arith.constant 0 : i32
    %c0_i32_1 = arith.constant 0 : i32
    return %c0_i32, %c0_i32_0 : i32, i32
  }
  func.func @transform_7(%arg0: i32) -> (i32, i32) {
    %c0_i32 = arith.constant 0 : i32
    %c0_i32_0 = arith.constant 0 : i32
    %c0_i32_1 = arith.constant 0 : i32
    return %c0_i32, %c0_i32_0 : i32, i32
  }
}

module attributes {stable_mosaic.version = 14 : i64} {
  func.func @_mlp_body(%arg0: memref<2x288xf32, #tpu.memory_space<vmem>>, %arg1: memref<288x256xf32, #tpu.memory_space<vmem>>, %arg2: memref<1x256xf32, #tpu.memory_space<vmem>>, %arg3: memref<256x128xf32, #tpu.memory_space<vmem>>, %arg4: memref<1x128xf32, #tpu.memory_space<vmem>>, %arg5: memref<2x128xf32, #tpu.memory_space<vmem>>) attributes {dimension_semantics = [], scalar_prefetch = 0 : i64, scratch_operands = 0 : i64, tpu.core_type = #tpu.core_type<tc>} {
    %get3A = arith.constant 0 : index
    %get3A_0 = arith.constant 0 : index
    %get3A_1 = vector.load %arg0[%get3A, %get3A_0] : memref<2x288xf32, #tpu.memory_space<vmem>>, vector<2x288xf32>
    %max3A = arith.constant 0.000000e+00 : f32
    %max3A_2 = vector.broadcast %max3A : f32 to vector<2x288xf32>
    %max3A_3 = arith.maximumf %get3A_1, %max3A_2 : vector<2x288xf32>
    %get3A_4 = arith.constant 0 : index
    %get3A_5 = arith.constant 0 : index
    %get3A_6 = vector.load %arg1[%get3A_4, %get3A_5] : memref<288x256xf32, #tpu.memory_space<vmem>>, vector<288x256xf32>
    %dot_general3A = arith.constant dense<0.000000e+00> : vector<2x256xf32>
    %dot_general3A_7 = tpu.matmul %max3A_3, %get3A_6, %dot_general3A {dimension_numbers = #tpu.dot_dimension_numbers<[1], [0], [0], [1], [0, 0, 1, 1], [], []>, precision = #tpu.contract_precision<fp32>, transpose_lhs_hint = false} : vector<2x288xf32>, vector<288x256xf32>, vector<2x256xf32> -> vector<2x256xf32>
    %get3A_8 = arith.constant 0 : index
    %get3A_9 = arith.constant 0 : index
    %get3A_10 = vector.load %arg2[%get3A_8, %get3A_9] : memref<1x256xf32, #tpu.memory_space<vmem>>, vector<1x256xf32>
    %add3A = vector.broadcast %get3A_10 : vector<1x256xf32> to vector<2x256xf32>
    %add3A_11 = arith.addf %dot_general3A_7, %add3A : vector<2x256xf32>
    %max3A_12 = arith.constant 0.000000e+00 : f32
    %max3A_13 = vector.broadcast %max3A_12 : f32 to vector<2x256xf32>
    %max3A_14 = arith.maximumf %add3A_11, %max3A_13 : vector<2x256xf32>
    %get3A_15 = arith.constant 0 : index
    %get3A_16 = arith.constant 0 : index
    %get3A_17 = vector.load %arg3[%get3A_15, %get3A_16] : memref<256x128xf32, #tpu.memory_space<vmem>>, vector<256x128xf32>
    %dot_general3A_18 = arith.constant dense<0.000000e+00> : vector<2x128xf32>
    %dot_general3A_19 = tpu.matmul %max3A_14, %get3A_17, %dot_general3A_18 {dimension_numbers = #tpu.dot_dimension_numbers<[1], [0], [0], [1], [0, 0, 1, 1], [], []>, precision = #tpu.contract_precision<fp32>, transpose_lhs_hint = false} : vector<2x256xf32>, vector<256x128xf32>, vector<2x128xf32> -> vector<2x128xf32>
    %get3A_20 = arith.constant 0 : index
    %get3A_21 = arith.constant 0 : index
    %get3A_22 = vector.load %arg4[%get3A_20, %get3A_21] : memref<1x128xf32, #tpu.memory_space<vmem>>, vector<1x128xf32>
    %add3A_23 = vector.broadcast %get3A_22 : vector<1x128xf32> to vector<2x128xf32>
    %add3A_24 = arith.addf %dot_general3A_19, %add3A_23 : vector<2x128xf32>
    %swap3A = arith.constant 0 : index
    %swap3A_25 = arith.constant 0 : index
    %swap3A_26 = vector.load %arg5[%swap3A, %swap3A_25] : memref<2x128xf32, #tpu.memory_space<vmem>>, vector<2x128xf32>
    tpu.vector_store %arg5[%swap3A, %swap3A_25], %add3A_24 {strides = array<i32>} : memref<2x128xf32, #tpu.memory_space<vmem>>, vector<2x128xf32>,
    return
  }
}

</mosaic_0001>

<sc_bundles>
// kernel: kernel.11.cloned.1.call-start
scs
__scs_entry_jumppad:
0x0: {  	(pc) =	sbr.rel $0x88, $3  }
0x1: {  	(tag) =	ssettag $0x0;
	lr =	simm.s32 $0x1  }
0x2: {  	[smem:$0x3F90] =	sst lr;
	_ =	strace $0xD0000000  }
0x3: {  	_ = 	snop  }
0x4: {  	_ = 	snop  }
0x5: {  	_ = 	snop  }
0x6: {  	_ = 	snop  }
0x7: {  	_ = 	snop  }
__scs_overlays_trampoline_lowered:
0x8: {  	[smem:$0x3F9F] =	sst s0  }
0x9: {  	[smem:$0x3FA0] =	sst s1  }
0xa: {  	[smem:$0x3FA1] =	sst s2  }
0xb: {  	[smem:$0x3FA2] =	sst s3  }
0xc: {  	[smem:$0x3FA3] =	sst s4  }
0xd: {  	[smem:$0x3FA4] =	sst s5  }
0xe: {  	[smem:$0x3FA5] =	sst s6  }
0xf: {  	[smem:$0x3FA6] =	sst s7  }
0x10: {  	[smem:$0x3FA7] =	sst s8  }
0x11: {  	[smem:$0x3FA8] =	sst s9;
	s0 =	simm.s32 @!p0 $0x0  }
0x12: {  	s1 =	sld [smem:$0x3F8E];
	s0 =	simm.s32 @p0 $0x1  }
0x13: {  	[smem:$0x3FA9] =	sst s0;
	s0 =	simm.s32 @!p1 $0x0  }
0x14: {  	s2 =	sld [smem:$0x3F8D];
	s0 =	simm.s32 @p1 $0x1  }
0x15: {  	[smem:$0x3FAA] =	sst s0;
	s0 =	simm.s32 @!p2 $0x0  }
0x16: {  	s3 =	sld [smem:$0x3FDB];
	s0 =	simm.s32 @p2 $0x1  }
0x17: {  	s4 =	simm.s32 $0x1BF5;
	[smem:$0x3FAC] =	sst s0  }
0x18: {  	s0 =	sld [smem:$0x3F8F];
	_ =	swait.ge [sflag:s4], $0x0  }
0x19: {  	s7 =	sld [smem:$0x3F90]  }
0x1a: {  	s8 =	sadd.s32 $0xFFFFE003, lr  }
0x1b: {  	s9 =	sadd.s32 $0xFFFFFEF7, lr;
	s5 =	simm.s32 $0xFFFFFFFF;
	p2 =	slt.u32 s8, $0xFFFFF086  }
0x1c: {  	p1 =	slt.u32 s9, $0xF7A;
	s5 =	simm.s32 @!p2 $0x0  }
0x1d: {  	s5 =	simm.s32 @p1 $0x1;
	p0 =	seq.s32 s7, s2  }
0x1e: {  	s7 =	smul.u32 @!p0 $0xF7A, s2;
	p2 =	seq.s32 @!p0 s5, $0x0  }
0x1f: {  	s9 =	smul.u32 $0xF7A, s1;
	s8 =	simm.s32 @!p0 $0x1BF5;
	p2 =	por !p2, p0  }
0x20: {  	[sflag:s8] =	ssyncset.s32 @!p0 $0xFFFFF086;
	s6 =	sadd.s32 @!p0 s3, s7;
	s7 =	simm.s32 @!p0 $0x108  }
0x21: {  	s3 =	sadd.s32 s3, s9;
	s6 =	sadd.s32 @!p0 $0x88, s6;
	s7 =	simm.s32 @p2 $0x1082  }
0x22: {  	[simem:s7], [sflag:s8] =	dma.local @!p0 [hbm:s6], $0xF7A  }
0x23: {  	s9 =	sor.u32 $0xD0000000, s2;
	s6 =	simm.s32 $0x108;
	_ =	swait.ge @!p0 [sflag:s8], $0x0  }
0x24: {  	s3 =	sadd.s32 $0x88, s3;
	s6 =	simm.s32 @!p1 $0x1082;
	[sflag:s4] =	ssyncset.s32 $0xFFFFF086  }
0x25: {  	[simem:s6], [sflag:s4] =	dma.local [hbm:s3], $0xF7A  }
0x26: {  	[smem:$0x3F90] =	sst s1;
	(tag) =	ssettag s2;
	_ =	strace s9  }
0x27: {  	s1 =	sld [smem:$0x3FA0]  }
0x28: {  	s2 =	sld [smem:$0x3FA1]  }
0x29: {  	s4 =	sld [smem:$0x3FA3]  }
0x2a: {  	p0 =	seq.s32 s5, $0x0;
	s5 =	sld [smem:$0x3FA4]  }
0x2b: {  	s6 =	sld [smem:$0x3FA5]  }
0x2c: {  	s7 =	sld [smem:$0x3FA6]  }
0x2d: {  	s3 =	simm.s32 $0x108;
	s8 =	sld [smem:$0x3FA7]  }
0x2e: {  	s3 =	simm.s32 @!p0 $0x1082;
	s9 =	sld [smem:$0x3FA8]  }
0x2f: {  	lr =	sadd.s32 s0, s3;
	s0 =	sld [smem:$0x3F9F]  }
0x30: {  	s3 =	sld [smem:$0x3FA2]  }
0x31: {  	[smem:$0x3FAB] =	sst s10  }
0x32: {  	s10 =	sld [smem:$0x3FA9];
	_ =	sdelay $0x3  }
0x33: {  	p0 =	seq.s32 s10, $0x1;
	s10 =	sld [smem:$0x3FAB];
	_ =	sdelay $0x3  }
0x34: {  	[smem:$0x3FAB] =	sst s10  }
0x35: {  	s10 =	sld [smem:$0x3FAA];
	_ =	sdelay $0x3  }
0x36: {  	p1 =	seq.s32 s10, $0x1;
	s10 =	sld [smem:$0x3FAB];
	_ =	sdelay $0x3  }
0x37: {  	[smem:$0x3FAB] =	sst s10  }
0x38: {  	s10 =	sld [smem:$0x3FAC]  }
0x39: {  	_ = 	snop;
	(pc) =	sbr.ind lr, $3  }
0x3a: {  	_ = 	snop  }
0x3b: {  	_ = 	snop  }
0x3c: {  	p2 =	seq.s32 s10, $0x1;
	s10 =	sld [smem:$0x3FAB]  }
0x3d: {  	_ =	shalt  }
0x3e: {  	_ =	shalt  }
0x3f: {  	_ =	shalt  }
0x40: {  	_ =	shalt  }
0x41: {  	_ =	shalt  }
0x42: {  	_ =	shalt  }
0x43: {  	_ =	shalt  }
0x44: {  	_ =	shalt  }
0x45: {  	_ =	shalt  }
0x46: {  	_ =	shalt  }
0x47: {  	_ =	shalt  }
0x48: {  	_ =	shalt  }
0x49: {  	_ =	shalt  }
0x4a: {  	_ =	shalt  }
0x4b: {  	_ =	shalt  }
0x4c: {  	_ =	shalt  }
0x4d: {  	_ =	shalt  }
0x4e: {  	_ =	shalt  }
0x4f: {  	_ =	shalt  }
0x50: {  	_ =	shalt  }
0x51: {  	_ =	shalt  }
0x52: {  	_ =	shalt  }
0x53: {  	_ =	shalt  }
0x54: {  	_ =	shalt  }
0x55: {  	_ =	shalt  }
0x56: {  	_ =	shalt  }
0x57: {  	_ =	shalt  }
0x58: {  	_ =	shalt  }
0x59: {  	_ =	shalt  }
0x5a: {  	_ =	shalt  }
0x5b: {  	_ =	shalt  }
0x5c: {  	_ =	shalt  }
0x5d: {  	_ =	shalt  }
0x5e: {  	_ =	shalt  }
0x5f: {  	_ =	shalt  }
0x60: {  	_ =	shalt  }
0x61: {  	_ =	shalt  }
0x62: {  	_ =	shalt  }
0x63: {  	_ =	shalt  }
0x64: {  	_ =	shalt  }
0x65: {  	_ =	shalt  }
0x66: {  	_ =	shalt  }
0x67: {  	_ =	shalt  }
0x68: {  	_ =	shalt  }
0x69: {  	_ =	shalt  }
0x6a: {  	_ =	shalt  }
0x6b: {  	_ =	shalt  }
0x6c: {  	_ =	shalt  }
0x6d: {  	_ =	shalt  }
0x6e: {  	_ =	shalt  }
0x6f: {  	_ =	shalt  }
0x70: {  	_ =	shalt  }
0x71: {  	_ =	shalt  }
0x72: {  	_ =	shalt  }
0x73: {  	_ =	shalt  }
0x74: {  	_ =	shalt  }
0x75: {  	_ =	shalt  }
0x76: {  	_ =	shalt  }
0x77: {  	_ =	shalt  }
0x78: {  	_ =	shalt  }
0x79: {  	_ =	shalt  }
0x7a: {  	_ =	shalt  }
0x7b: {  	_ =	shalt  }
0x7c: {  	_ =	shalt  }
0x7d: {  	_ =	shalt  }
0x7e: {  	_ =	shalt  }
0x7f: {  	_ =	shalt  }
0x80: {  	_ =	shalt  }
0x81: {  	_ =	shalt  }
0x82: {  	_ =	shalt  }
0x83: {  	_ =	shalt  }
0x84: {  	_ =	shalt  }
0x85: {  	_ =	shalt  }
0x86: {  	_ =	shalt  }
0x87: {  	_ =	shalt  }
.Lfunc_end0:
.L_simem_size_0:
called_computation_lowered:
.L_overlay_start_0:
0x88: {  	s2 =	sld [smem:$0x3FD9]  }
0x89: {  	s3 =	sld [smem:$0x3FFE];
	_ =	sdelay $0x1  }
0x8a: {  	s1 =	srdreg.scid  }
0x8b: {  	s0 =	sand.u32 $0x1, s1  }
0x8c: {  	s16 =	sshll.u32 s0, $0xA;
	s2 =	sadd.s32 s3, s2  }
0x8d: {  	s2 =	sadd.s32 s2, s16  }
0x8e: {  	[smem:$0x3FB7] =	sst s2  }
0x8f: {  	_ = 	snop  }
0x90: {  	(tm) =	ssettm $0x1  }
0x91: {  	s17 =	sld [smem:$0x3FFB];
	_ =	sdelay $0x3  }
0x92: {  	_ =	strace s17  }
0x93: {  	s2 =	sld [smem:$0x3FFC];
	_ =	sdelay $0x3  }
0x94: {  	_ =	strace s2  }
0x95: {  	s2 =	sld [smem:$0x3FFD];
	_ =	sdelay $0x3  }
0x96: {  	_ =	strace s2  }
0x97: {  	_ =	strace $0x8FFFFFFF  }
0x98: {  	s18 =	sld [smem:$0x3FDB];
	_ =	sdelay $0x1  }
0x99: {  	s19 =	simm.s32 $_scs_section_size  }
0x9a: {  	s4 =	simm.s32 $_size__tile_overlayer_lowered;
	s5 =	simm.s32 $_tile_overlayer_lowered  }
0x9b: {  	s22 =	simm.s32 $0x1BFF;
	s21 =	sshll.u32 s5, $0x1;
	s2 =	sadd.s32 s19, s18  }
0x9c: {  	s6 =	simm.s32 $0x0;
	s20 =	sshll.u32 s4, $0x1;
	s4 =	sadd.s32 s21, s2  }
0x9d: {  	[timem:s6], [sflag:s22] =	dma.local [hbm:s4], s20  }
0x9e: {  	_ =	swait.ge [sflag:s22], s20  }
0x9f: {  	s3 =	ssub.s32 $0x0, s20;
	[sflag:s22] =	ssyncset.done $0x0  }
0xa0: {  	[sflag:s22] =	ssyncadd.s32 s3;
	_ =	sdelay $0x1  }
0xa1: {  	s23 =	simm.s32 $0x1B8B  }
0xa2: {  	_ =	swait.ge [sflag:s23], $0x1  }
0xa3: {  	[sflag:s23] =	ssyncset.done $0x0  }
0xa4: {  	s25 =	simm.s32 $0x1B8E;
	s24 =	sld [smem:$0x3FFE];
	[sflag:s23] =	ssyncadd.s32 $0xFFFFFFFF  }
0xa5: {  	s26 =	simm.s32 $execute0_lowered;
	[smem:$0x3FD2] =	sst s25  }
0xa6: {  	s4 =	sshll.u32 s26, $0x1;
	_ =	strace $0x80000046;
	[dreg:$0x1] =	wrdreg $0xFFFFFFFF  }
0xa7: {  	s28 =	simm.s32 $_size_execute0_lowered;
	s2 =	sadd.s32 s2, s4;
	[dreg:$0x0] =	wrdreg $0x0  }
0xa8: {  	s4 =	sshll.u32 s28, $0x1;
	[dreg:$0x2] =	wrdreg s2  }
0xa9: {  	[dreg:$0x3] =	wrdreg s4  }
0xaa: {  	[dreg:$0x4] =	wrdreg $0xC0  }
0xab: {  	_ =	task [dreg:s6], $0x5FFFF  }
0xac: {  	[dreg:$0x1] =	wrdreg $0xFFFFFFFF  }
0xad: {  	[dreg:$0x0] =	wrdreg $0x60  }
0xae: {  	[dreg:$0x2] =	wrdreg s24  }
0xaf: {  	[dreg:$0x3] =	wrdreg $0x9CC00  }
0xb0: {  	[dreg:$0x4] =	wrdreg $0x9  }
0xb1: {  	_ =	task.clear_ibuf [dreg:s6], $0x5FFFF;
	_ =	strace $0x90000046  }
0xb2: {  	s29 =	simm.s32 $0x9;
	_ =	strace $0x80000048  }
0xb3: {  	_ =	swait.ge [sflag:s29], $0x1  }
0xb4: {  	[sflag:s29] =	ssyncadd.s32 $0xFFFFFFFF  }
0xb5: {  	_ =	strace $0x90000048  }
0xb6: {  	_ =	sfence  }
0xb7: {  	s30 =	sld [smem:$0x0];
	_ =	sdelay $0x2  }
0xb8: {  	s31 =	sshll.u32 s1, $0xD;
	s1 =	sshrl.u32 s1, $0x2  }
0xb9: {  	s3 =	sand.u32 $0x4000, s31;
	s1 =	sadd.s32 s1, s30  }
0xba: {  	s0 =	sor.u32 s3, s0;
	s1 =	sshll.u32 s1, $0x11  }
0xbb: {  	s0 =	sor.u32 s1, s0  }
0xbc: {  	s0 =	sadd.s32 $0x8F2B, s0  }
0xbd: {  	[sflag:s0] =	ssyncadd.remote.s32 $0x1  }
0xbe: {  	_ =	sfence.sel $0xFFFF  }
0xbf: {  	[dreg:$0x0] =	wrdreg $0xFFFFFFFF;
	(pc) =	sbr.abs _section_cstart, $3  }
0xc0: {  	[dreg:$0x1] =	wrdreg $0xFFFFFFFF  }
0xc1: {  	_ =	task.clear_ibuf [dreg:s6], $0x2FFFF;
	_ =	strace $0x9FFFFFFF  }
0xc2: {  	(tm) =	ssettm $0x7FFFFFFF  }
0xc3: {  	_ =	shalt  }
tec
execute0_lowered:
.L_overlay_start_1:
0x0: {  	(tag) =	ssettag $0x1  }
0x1: {  	s0 =	srdreg.scid  }
0x2: {  	s1 =	rddreg [dreg:$0x0];
	s14 =	stileid.u32  }
0x3: {  	s2 =	rddreg [dreg:$0x1];
	s3 =	simm.s32 $0x0;
	s23 =	simm.s32 $0xB0  }
0x4: {  	s24 =	simm.s32 $0x478;
	s15 =	simm.s32 $0x58;
	s5 =	smul.u32 $0x4E60, s14  }
0x5: {  	s26 =	simm.s32 $0x108;
	s16 =	simm.s32 $0x840;
	s17 =	smul.u32 $0x9CC, s14  }
0x6: {  	s28 =	simm.s32 $0x268;
	s29 =	simm.s32 $0x630;
	s7 =	smul.u32 $0x16380, s14  }
0x7: {  	s30 =	simm.s32 $0x2C0;
	s31 =	simm.s32 $0x688;
	s12 =	smul.u32 $0x2C70, s14  }
0x8: {  	s0 =	sand.u32 $0x1, s0;
	[smem:$0x7FF] =	sst s3;
	s18 =	smul.u32 $0x58E00, s14  }
0x9: {  	s13 =	sadd.s32 $0x141600, s1;
	p0 =	seq.s32 s14, $0xF;
	s4 =	smul.u32 $0x4E600, s0  }
0xa: {  	_ =	strace $0x80000047;
	s10 =	smul.u32 $0x2BF20, s0;
	[dreg:$0x5] =	wrdreg s23  }
0xb: {  	s9 =	ssub.s32 $0x2, s0;
	s0 =	smul.u32 $0x15F900, s0;
	[dreg:$0x6] =	wrdreg s24  }
0xc: {  	[dreg:$0x7] =	wrdreg s26;
	s23 =	simm.s32 $0x5;
	s24 =	simm.s32 $0x6  }
0xd: {  	s26 =	simm.s32 $0x5D8;
	s8 =	sshrl.u32 s7, $0x3;
	s11 =	sshrl.u32 s9, $0x1  }
0xe: {  	s7 =	sadd.s32 s7, s2;
	s4 =	sadd.s32 s4, s5;
	s5 =	sadd.s32 s17, s1  }
0xf: {  	s8 =	sadd.s32 s8, s1;
	s9 =	ssub.s32 s9, s11;
	s11 =	sadd.s32 $0x14D480, s2  }
0x10: {  	s0 =	sshrl.u32 s0, $0x3;
	s19 =	sadd.s32 s12, s10;
	s10 =	simm.s32 $0x210  }
0x11: {  	s17 =	simm.s32 $0x39C0;
	s8 =	sadd.s32 $0x115600, s8;
	[dreg:$0xd] =	wrdreg s10  }
0x12: {  	s6 =	sshrl.u32 s4, $0x3;
	s20 =	smax.u32 s9, $0x1;
	[dreg:$0xe] =	wrdreg s8  }
0x13: {  	s4 =	sadd.s32 $0xBD600, s1;
	s22 =	sadd.s32 $0x17400, s5;
	[dreg:$0x12] =	wrdreg s20  }
0x14: {  	s0 =	sadd.s32 s13, s0;
	s9 =	simm.s32 $0x580;
	[dreg:$0x4] =	wrdreg s22  }
0x15: {  	s12 =	sshrl.u32 @p0 s11, $0x3;
	s11 =	simm.s32 $0x0;
	[dreg:$0xc] =	wrdreg s9  }
0x16: {  	s5 =	sshll.u32 @!p0 s14, $0x6;
	s14 =	simm.s32 $0x420;
	[dreg:$0x17] =	wrdreg s11  }
0x17: {  	s6 =	sadd.s32 s6, s1;
	s1 =	sadd.s32 $0x13F090, s1;
	[dreg:$0x13] =	wrdreg s12  }
0x18: {  	s8 =	sshrl.u32 s18, $0x2;
	s0 =	sadd.s32 $0x29A90, s0;
	[dreg:$0xf] =	wrdreg s1  }
0x19: {  	s25 =	sor.u32 @!p0 $0x1C07, s5;
	s5 =	simm.s32 $0x4D0;
	[dreg:$0x11] =	wrdreg s0  }
0x1a: {  	s18 =	simm.s32 $0x1;
	s20 =	simm.s32 $0x2;
	[dreg:$0x8] =	wrdreg s5  }
0x1b: {  	s22 =	simm.s32 $0x3;
	s1 =	sadd.s32 s13, s19;
	[dreg:$0x14] =	wrdreg s25  }
0x1c: {  	s9 =	simm.s32 $0x7E8;
	s21 =	sadd.s32 $0x3A00, s6;
	[dreg:$0x10] =	wrdreg s1  }
0x1d: {  	s0 =	sshrl.u32 @!p0 s7, $0x3;
	s13 =	simm.s32 $0x7;
	[dreg:$0x3] =	wrdreg s21  }
0x1e: {  	s6 =	simm.s32 $0x160;
	s7 =	simm.s32 $0x528;
	[dreg:$0x15] =	wrdreg s0  }
0x1f: {  	s19 =	simm.s32 $0x6B40;
	s5 =	simm.s32 $0x370;
	[dreg:$0x9] =	wrdreg s6  }
0x20: {  	s1 =	sadd.s32 s8, s2;
	[dreg:$0xa] =	wrdreg s7;
	s8 =	simm.s32 $0x1B8  }
0x21: {  	s21 =	simm.s32 $0x4;
	s6 =	simm.s32 $0x738;
	s7 =	simm.s32 $0x3C8  }
0x22: {  	[dreg:$0xb] =	wrdreg s8;
	s0 =	sshrl.u32 @!p0 s1, $0x3;
	s1 =	simm.s32 $0x318  }
0x23: {  	s8 =	simm.s32 $0x790;
	[dreg:$0x16] =	wrdreg s0;
	s0 =	simm.s32 $0x6E0  }
.LBB2_1:
0x24: {  	s10 =	simm.s32 @p0 $0x1FC7;
	s11 =	rddreg [dreg:$0xf]  }
0x25: {  	[spmem:s12], [sflag:s10] =	dma.local @p0 [hbm:s11], $0x2490  }
0x26: {  	s10 =	simm.s32 @p0 $0x7  }
0x27: {  	_ =	swait.ge @p0 [sflag:s10], $0x2490  }
0x28: {  	[sflag:s10] =	ssyncset.done @p0 $0x0;
	s11 =	rddreg [dreg:$0x15]  }
0x29: {  	[sflag:s10] =	ssyncadd.s32 @p0 $0xFFFFDB70;
	s10 =	rddreg [dreg:$0xe]  }
0x2a: {  	[spmem:s11], [sflag:s25] =	dma.local @!p0 [hbm:s10], $0x2C70  }
0x2b: {  	s10 =	simm.s32 @!p0 $0x7  }
0x2c: {  	_ =	swait.ge @!p0 [sflag:s10], $0x2C70  }
0x2d: {  	[sflag:s10] =	ssyncset.done @!p0 $0x0  }
0x2e: {  	[sflag:s10] =	ssyncadd.s32 @!p0 $0xFFFFD390  }
0x2f: {  	[bflag:$0x0] =	sbarrier.arrive $0xFFFF  }
0x30: {  	s12 =	rddreg [dreg:$0x3]  }
0x31: {  	s10 =	sadd.s32 $0x0, s12  }
0x32: {  	[tilespmem:s3], [sflag:$0x7] =	stream.linear.gather [hbm4b:s10+s3], $0x420, $0x38;
	[tilespmem:$0x1FC98] =	vst v63  }
0x33: {  	_ =	swait.ge [sflag:s13], $0x420  }
0x34: {  	s25 =	rddreg [dreg:$0x4];
	[sflag:s13] =	ssyncset.done $0x0  }
0x35: {  	[sflag:s13] =	ssyncadd.s32 $0xFFFFFBE0;
	s10 =	sadd.s32 $0x0, s25  }
0x36: {  	[tilespmem:s14], [sflag:$0x7] =	stream.linear.gather [hbm4b:s10+s3], $0x420, $0x38;
	[tilespmem:$0x1FC98] =	vst v63  }
0x37: {  	_ =	swait.ge [sflag:s13], $0x420  }
0x38: {  	[sflag:s13] =	ssyncset.done $0x0  }
0x39: {  	[sflag:s13] =	ssyncadd.s32 $0xFFFFFBE0  }
0x3a: {  	[tilespmem:s16], [sflag:$0x1] =	stream.indirect.gather [hbm4b:s4+s15], $0x90, s3, s15, $0xb8;
	[tilespmem:$0x1FC98] =	vst v63  }
0x3b: {  	_ = 	snop  }
0x3c: {  	[tilespmem:s17], [sflag:$0x2] =	stream.indirect.gather [hbm4b:s4+s15], $0x90, s15, s15, $0xb8;
	[tilespmem:$0x1FC98] =	vst v63  }
0x3d: {  	_ =	swait.ge [sflag:s18], $0x3180  }
0x3e: {  	[sflag:s18] =	ssyncset.done $0x0  }
0x3f: {  	[sflag:s18] =	ssyncadd.s32 $0xFFFFCE80  }
0x40: {  	[spmem:s2] =	stream.indirect.scatter.add.f32 [tilespmem:s16], [sflag:$0x4], $0x90, s14, s15, $0xb8;
	[tilespmem:$0x1FC98] =	vst v63  }
0x41: {  	s11 =	rddreg [dreg:$0x5]  }
0x42: {  	[tilespmem:s19], [sflag:$0x3] =	stream.indirect.gather [hbm4b:s4+s15], $0x90, s11, s15, $0xb8;
	[tilespmem:$0x1FC98] =	vst v63  }
0x43: {  	_ =	swait.ge [sflag:s20], $0x3180  }
0x44: {  	[sflag:s20] =	ssyncset.done $0x0  }
0x45: {  	s12 =	rddreg [dreg:$0x6];
	[sflag:s20] =	ssyncadd.s32 $0xFFFFCE80  }
0x46: {  	[spmem:s2] =	stream.indirect.scatter.add.f32 [tilespmem:s17], [sflag:$0x5], $0x90, s12, s15, $0xb8;
	[tilespmem:$0x1FC98] =	vst v63  }
0x47: {  	_ =	swait.ge [sflag:s21], $0x3180  }
0x48: {  	[sflag:s21] =	ssyncset.done $0x0  }
0x49: {  	s25 =	rddreg [dreg:$0x7];
	[sflag:s21] =	ssyncadd.s32 $0xFFFFCE80  }
0x4a: {  	[tilespmem:s16], [sflag:$0x1] =	stream.indirect.gather [hbm4b:s4+s15], $0x90, s25, s15, $0xb8;
	[tilespmem:$0x1FC98] =	vst v63  }
0x4b: {  	_ =	swait.ge [sflag:s22], $0x3180  }
0x4c: {  	[sflag:s22] =	ssyncset.done $0x0  }
0x4d: {  	s11 =	rddreg [dreg:$0x8];
	[sflag:s22] =	ssyncadd.s32 $0xFFFFCE80  }
0x4e: {  	[spmem:s2] =	stream.indirect.scatter.add.f32 [tilespmem:s19], [sflag:$0x6], $0x90, s11, s15, $0xb8;
	[tilespmem:$0x1FC98] =	vst v63  }
0x4f: {  	_ =	swait.ge [sflag:s23], $0x3180  }
0x50: {  	[sflag:s23] =	ssyncset.done $0x0  }
0x51: {  	s12 =	rddreg [dreg:$0x9];
	[sflag:s23] =	ssyncadd.s32 $0xFFFFCE80  }
0x52: {  	[tilespmem:s17], [sflag:$0x2] =	stream.indirect.gather [hbm4b:s4+s15], $0x90, s12, s15, $0xb8;
	[tilespmem:$0x1FC98] =	vst v63  }
0x53: {  	_ =	swait.ge [sflag:s18], $0x3180  }
0x54: {  	[sflag:s18] =	ssyncset.done $0x0  }
0x55: {  	s25 =	rddreg [dreg:$0xa];
	[sflag:s18] =	ssyncadd.s32 $0xFFFFCE80  }
0x56: {  	[spmem:s2] =	stream.indirect.scatter.add.f32 [tilespmem:s16], [sflag:$0x4], $0x90, s25, s15, $0xb8;
	[tilespmem:$0x1FC98] =	vst v63  }
0x57: {  	_ =	swait.ge [sflag:s24], $0x3180  }
0x58: {  	[sflag:s24] =	ssyncset.done $0x0  }
0x59: {  	s11 =	rddreg [dreg:$0xb];
	[sflag:s24] =	ssyncadd.s32 $0xFFFFCE80  }
0x5a: {  	[tilespmem:s19], [sflag:$0x3] =	stream.indirect.gather [hbm4b:s4+s15], $0x90, s11, s15, $0xb8;
	[tilespmem:$0x1FC98] =	vst v63  }
0x5b: {  	_ =	swait.ge [sflag:s20], $0x3180  }
0x5c: {  	[sflag:s20] =	ssyncset.done $0x0  }
0x5d: {  	s12 =	rddreg [dreg:$0xc];
	[sflag:s20] =	ssyncadd.s32 $0xFFFFCE80  }
0x5e: {  	[spmem:s2] =	stream.indirect.scatter.add.f32 [tilespmem:s17], [sflag:$0x5], $0x90, s12, s15, $0xb8;
	[tilespmem:$0x1FC98] =	vst v63  }
0x5f: {  	_ =	swait.ge [sflag:s21], $0x3180  }
0x60: {  	[sflag:s21] =	ssyncset.done $0x0  }
0x61: {  	s25 =	rddreg [dreg:$0xd];
	[sflag:s21] =	ssyncadd.s32 $0xFFFFCE80  }
0x62: {  	[tilespmem:s16], [sflag:$0x1] =	stream.indirect.gather [hbm4b:s4+s15], $0x90, s25, s15, $0xb8;
	[tilespmem:$0x1FC98] =	vst v63  }
0x63: {  	_ =	swait.ge [sflag:s22], $0x3180  }
0x64: {  	[sflag:s22] =	ssyncset.done $0x0  }
0x65: {  	[sflag:s22] =	ssyncadd.s32 $0xFFFFCE80  }
0x66: {  	[spmem:s2] =	stream.indirect.scatter.add.f32 [tilespmem:s19], [sflag:$0x6], $0x90, s26, s15, $0xb8;
	[tilespmem:$0x1FC98] =	vst v63  }
0x67: {  	_ =	swait.ge [sflag:s23], $0x3180  }
0x68: {  	[sflag:s23] =	ssyncset.done $0x0  }
0x69: {  	[sflag:s23] =	ssyncadd.s32 $0xFFFFCE80  }
0x6a: {  	[tilespmem:s17], [sflag:$0x2] =	stream.indirect.gather [hbm4b:s4+s15], $0x90, s28, s15, $0xb8;
	[tilespmem:$0x1FC98] =	vst v63  }
0x6b: {  	_ =	swait.ge [sflag:s18], $0x3180  }
0x6c: {  	[sflag:s18] =	ssyncset.done $0x0  }
0x6d: {  	[sflag:s18] =	ssyncadd.s32 $0xFFFFCE80  }
0x6e: {  	[spmem:s2] =	stream.indirect.scatter.add.f32 [tilespmem:s16], [sflag:$0x4], $0x90, s29, s15, $0xb8;
	[tilespmem:$0x1FC98] =	vst v63  }
0x6f: {  	_ =	swait.ge [sflag:s24], $0x3180  }
0x70: {  	[sflag:s24] =	ssyncset.done $0x0  }
0x71: {  	[sflag:s24] =	ssyncadd.s32 $0xFFFFCE80  }
0x72: {  	[tilespmem:s19], [sflag:$0x3] =	stream.indirect.gather [hbm4b:s4+s15], $0x90, s30, s15, $0xb8;
	[tilespmem:$0x1FC98] =	vst v63  }
0x73: {  	_ =	swait.ge [sflag:s20], $0x3180  }
0x74: {  	[sflag:s20] =	ssyncset.done $0x0  }
0x75: {  	[sflag:s20] =	ssyncadd.s32 $0xFFFFCE80  }
0x76: {  	[spmem:s2] =	stream.indirect.scatter.add.f32 [tilespmem:s17], [sflag:$0x5], $0x90, s31, s15, $0xb8;
	[tilespmem:$0x1FC98] =	vst v63  }
0x77: {  	_ =	swait.ge [sflag:s21], $0x3180  }
0x78: {  	[sflag:s21] =	ssyncset.done $0x0  }
0x79: {  	[sflag:s21] =	ssyncadd.s32 $0xFFFFCE80  }
0x7a: {  	[tilespmem:s16], [sflag:$0x1] =	stream.indirect.gather [hbm4b:s4+s15], $0x90, s1, s15, $0xb8;
	[tilespmem:$0x1FC98] =	vst v63  }
0x7b: {  	_ =	swait.ge [sflag:s22], $0x3180  }
0x7c: {  	[sflag:s22] =	ssyncset.done $0x0  }
0x7d: {  	[sflag:s22] =	ssyncadd.s32 $0xFFFFCE80  }
0x7e: {  	[spmem:s2] =	stream.indirect.scatter.add.f32 [tilespmem:s19], [sflag:$0x6], $0x90, s0, s15, $0xb8;
	[tilespmem:$0x1FC98] =	vst v63  }
0x7f: {  	_ =	swait.ge [sflag:s23], $0x3180  }
0x80: {  	[sflag:s23] =	ssyncset.done $0x0  }
0x81: {  	[sflag:s23] =	ssyncadd.s32 $0xFFFFCE80  }
0x82: {  	[tilespmem:s17], [sflag:$0x2] =	stream.indirect.gather [hbm4b:s4+s15], $0x90, s5, s15, $0xb8;
	[tilespmem:$0x1FC98] =	vst v63  }
0x83: {  	_ =	swait.ge [sflag:s18], $0x3180  }
0x84: {  	[sflag:s18] =	ssyncset.done $0x0  }
0x85: {  	[sflag:s18] =	ssyncadd.s32 $0xFFFFCE80  }
0x86: {  	[spmem:s2] =	stream.indirect.scatter.add.f32 [tilespmem:s16], [sflag:$0x4], $0x90, s6, s15, $0xb8;
	[tilespmem:$0x1FC98] =	vst v63  }
0x87: {  	_ =	swait.ge [sflag:s24], $0x3180  }
0x88: {  	[sflag:s24] =	ssyncset.done $0x0  }
0x89: {  	[sflag:s24] =	ssyncadd.s32 $0xFFFFCE80  }
0x8a: {  	[tilespmem:s19], [sflag:$0x3] =	stream.indirect.gather [hbm4b:s4+s15], $0x90, s7, s15, $0xb8;
	[tilespmem:$0x1FC98] =	vst v63  }
0x8b: {  	_ =	swait.ge [sflag:s20], $0x3180  }
0x8c: {  	[sflag:s20] =	ssyncset.done $0x0  }
0x8d: {  	[sflag:s20] =	ssyncadd.s32 $0xFFFFCE80  }
0x8e: {  	[spmem:s2] =	stream.indirect.scatter.add.f32 [tilespmem:s17], [sflag:$0x5], $0x90, s8, s15, $0xb8;
	[tilespmem:$0x1FC98] =	vst v63  }
0x8f: {  	_ =	swait.ge [sflag:s22], $0x3180  }
0x90: {  	[sflag:s22] =	ssyncset.done $0x0  }
0x91: {  	[sflag:s22] =	ssyncadd.s32 $0xFFFFCE80  }
0x92: {  	[spmem:s2] =	stream.indirect.scatter.add.f32 [tilespmem:s19], [sflag:$0x6], $0x90, s9, s15, $0xb8;
	[tilespmem:$0x1FC98] =	vst v63  }
0x93: {  	_ =	swait.ge [sflag:s21], $0x3180  }
0x94: {  	[sflag:s21] =	ssyncset.done $0x0  }
0x95: {  	[sflag:s21] =	ssyncadd.s32 $0xFFFFCE80  }
0x96: {  	_ =	swait.ge [sflag:s23], $0x3180  }
0x97: {  	[sflag:s23] =	ssyncset.done $0x0  }
0x98: {  	[sflag:s23] =	ssyncadd.s32 $0xFFFFCE80  }
0x99: {  	s10 =	simm.s32 $0x108;
	_ =	swait.ge [sflag:s24], $0x3180  }
0x9a: {  	s25 =	simm.s32 $0x84;
	s11 =	rddreg [dreg:$0x3];
	[sflag:s24] =	ssyncset.done $0x0  }
.LBB2_2:
0x9b: {  	[sflag:s24] =	ssyncadd.s32 $0xFFFFCE80;
	s11 =	sadd.s32 s25, s11  }
0x9c: {  	[tilespmem:s3], [sflag:$0x7] =	stream.linear.gather [hbm4b:s11+s3], $0x420, $0x38;
	[tilespmem:$0x1FC98] =	vst v63  }
0x9d: {  	_ =	swait.ge [sflag:s13], $0x420  }
0x9e: {  	s11 =	rddreg [dreg:$0x4];
	[sflag:s13] =	ssyncset.done $0x0  }
0x9f: {  	[sflag:s13] =	ssyncadd.s32 $0xFFFFFBE0;
	s11 =	sadd.s32 s25, s11  }
0xa0: {  	[tilespmem:s14], [sflag:$0x7] =	stream.linear.gather [hbm4b:s11+s3], $0x420, $0x38;
	[tilespmem:$0x1FC98] =	vst v63  }
0xa1: {  	_ =	swait.ge [sflag:s13], $0x420  }
0xa2: {  	[sflag:s13] =	ssyncset.done $0x0  }
0xa3: {  	[sflag:s13] =	ssyncadd.s32 $0xFFFFFBE0  }
0xa4: {  	[tilespmem:s16], [sflag:$0x1] =	stream.indirect.gather [hbm4b:s4+s15], $0x90, s3, s15, $0xb8;
	[tilespmem:$0x1FC98] =	vst v63  }
0xa5: {  	_ = 	snop  }
0xa6: {  	[tilespmem:s17], [sflag:$0x2] =	stream.indirect.gather [hbm4b:s4+s15], $0x90, s15, s15, $0xb8;
	[tilespmem:$0x1FC98] =	vst v63  }
0xa7: {  	_ =	swait.ge [sflag:s18], $0x3180  }
0xa8: {  	[sflag:s18] =	ssyncset.done $0x0  }
0xa9: {  	s12 =	smov.u32 s10;
	[sflag:s18] =	ssyncadd.s32 $0xFFFFCE80  }
0xaa: {  	[spmem:s2] =	stream.indirect.scatter.add.f32 [tilespmem:s16], [sflag:$0x4], $0x90, s14, s15, $0xb8;
	[tilespmem:$0x1FC98] =	vst v63  }
0xab: {  	s25 =	smov.u32 s12;
	s12 =	rddreg [dreg:$0x5]  }
0xac: {  	[tilespmem:s19], [sflag:$0x3] =	stream.indirect.gather [hbm4b:s4+s15], $0x90, s12, s15, $0xb8;
	[tilespmem:$0x1FC98] =	vst v63  }
0xad: {  	_ =	swait.ge [sflag:s20], $0x3180  }
0xae: {  	[sflag:s20] =	ssyncset.done $0x0  }
0xaf: {  	s12 =	rddreg [dreg:$0x6];
	[sflag:s20] =	ssyncadd.s32 $0xFFFFCE80  }
0xb0: {  	[spmem:s2] =	stream.indirect.scatter.add.f32 [tilespmem:s17], [sflag:$0x5], $0x90, s12, s15, $0xb8;
	[tilespmem:$0x1FC98] =	vst v63  }
0xb1: {  	_ =	swait.ge [sflag:s21], $0x3180  }
0xb2: {  	[sflag:s21] =	ssyncset.done $0x0  }
0xb3: {  	s12 =	rddreg [dreg:$0x7];
	[sflag:s21] =	ssyncadd.s32 $0xFFFFCE80  }
0xb4: {  	[tilespmem:s16], [sflag:$0x1] =	stream.indirect.gather [hbm4b:s4+s15], $0x90, s12, s15, $0xb8;
	[tilespmem:$0x1FC98] =	vst v63  }
0xb5: {  	_ =	swait.ge [sflag:s22], $0x3180  }
0xb6: {  	[sflag:s22] =	ssyncset.done $0x0  }
0xb7: {  	s12 =	rddreg [dreg:$0x8];
	[sflag:s22] =	ssyncadd.s32 $0xFFFFCE80  }
0xb8: {  	[spmem:s2] =	stream.indirect.scatter.add.f32 [tilespmem:s19], [sflag:$0x6], $0x90, s12, s15, $0xb8;
	[tilespmem:$0x1FC98] =	vst v63  }
0xb9: {  	_ =	swait.ge [sflag:s23], $0x3180  }
0xba: {  	[sflag:s23] =	ssyncset.done $0x0  }
0xbb: {  	s12 =	rddreg [dreg:$0x9];
	[sflag:s23] =	ssyncadd.s32 $0xFFFFCE80  }
0xbc: {  	[tilespmem:s17], [sflag:$0x2] =	stream.indirect.gather [hbm4b:s4+s15], $0x90, s12, s15, $0xb8;
	[tilespmem:$0x1FC98] =	vst v63  }
0xbd: {  	_ =	swait.ge [sflag:s18], $0x3180  }
0xbe: {  	[sflag:s18] =	ssyncset.done $0x0  }
0xbf: {  	s12 =	rddreg [dreg:$0xa];
	[sflag:s18] =	ssyncadd.s32 $0xFFFFCE80  }
0xc0: {  	[spmem:s2] =	stream.indirect.scatter.add.f32 [tilespmem:s16], [sflag:$0x4], $0x90, s12, s15, $0xb8;
	[tilespmem:$0x1FC98] =	vst v63  }
0xc1: {  	_ =	swait.ge [sflag:s24], $0x3180  }
0xc2: {  	[sflag:s24] =	ssyncset.done $0x0  }
0xc3: {  	s12 =	rddreg [dreg:$0xb];
	[sflag:s24] =	ssyncadd.s32 $0xFFFFCE80  }
0xc4: {  	[tilespmem:s19], [sflag:$0x3] =	stream.indirect.gather [hbm4b:s4+s15], $0x90, s12, s15, $0xb8;
	[tilespmem:$0x1FC98] =	vst v63  }
0xc5: {  	_ =	swait.ge [sflag:s20], $0x3180  }
0xc6: {  	[sflag:s20] =	ssyncset.done $0x0  }
0xc7: {  	s12 =	rddreg [dreg:$0xc];
	[sflag:s20] =	ssyncadd.s32 $0xFFFFCE80  }
0xc8: {  	[spmem:s2] =	stream.indirect.scatter.add.f32 [tilespmem:s17], [sflag:$0x5], $0x90, s12, s15, $0xb8;
	[tilespmem:$0x1FC98] =	vst v63  }
0xc9: {  	_ =	swait.ge [sflag:s21], $0x3180  }
0xca: {  	[sflag:s21] =	ssyncset.done $0x0  }
0xcb: {  	s12 =	rddreg [dreg:$0xd];
	[sflag:s21] =	ssyncadd.s32 $0xFFFFCE80  }
0xcc: {  	[tilespmem:s16], [sflag:$0x1] =	stream.indirect.gather [hbm4b:s4+s15], $0x90, s12, s15, $0xb8;
	[tilespmem:$0x1FC98] =	vst v63  }
0xcd: {  	_ =	swait.ge [sflag:s22], $0x3180  }
0xce: {  	[sflag:s22] =	ssyncset.done $0x0  }
0xcf: {  	[sflag:s22] =	ssyncadd.s32 $0xFFFFCE80  }
0xd0: {  	[spmem:s2] =	stream.indirect.scatter.add.f32 [tilespmem:s19], [sflag:$0x6], $0x90, s26, s15, $0xb8;
	[tilespmem:$0x1FC98] =	vst v63  }
0xd1: {  	_ =	swait.ge [sflag:s23], $0x3180  }
0xd2: {  	[sflag:s23] =	ssyncset.done $0x0  }
0xd3: {  	[sflag:s23] =	ssyncadd.s32 $0xFFFFCE80  }
0xd4: {  	[tilespmem:s17], [sflag:$0x2] =	stream.indirect.gather [hbm4b:s4+s15], $0x90, s28, s15, $0xb8;
	[tilespmem:$0x1FC98] =	vst v63  }
0xd5: {  	_ =	swait.ge [sflag:s18], $0x3180  }
0xd6: {  	[sflag:s18] =	ssyncset.done $0x0  }
0xd7: {  	[sflag:s18] =	ssyncadd.s32 $0xFFFFCE80  }
0xd8: {  	[spmem:s2] =	stream.indirect.scatter.add.f32 [tilespmem:s16], [sflag:$0x4], $0x90, s29, s15, $0xb8;
	[tilespmem:$0x1FC98] =	vst v63  }
0xd9: {  	_ =	swait.ge [sflag:s24], $0x3180  }
0xda: {  	[sflag:s24] =	ssyncset.done $0x0  }
0xdb: {  	[sflag:s24] =	ssyncadd.s32 $0xFFFFCE80  }
0xdc: {  	[tilespmem:s19], [sflag:$0x3] =	stream.indirect.gather [hbm4b:s4+s15], $0x90, s30, s15, $0xb8;
	[tilespmem:$0x1FC98] =	vst v63  }
0xdd: {  	_ =	swait.ge [sflag:s20], $0x3180  }
0xde: {  	[sflag:s20] =	ssyncset.done $0x0  }
0xdf: {  	[sflag:s20] =	ssyncadd.s32 $0xFFFFCE80  }
0xe0: {  	[spmem:s2] =	stream.indirect.scatter.add.f32 [tilespmem:s17], [sflag:$0x5], $0x90, s31, s15, $0xb8;
	[tilespmem:$0x1FC98] =	vst v63  }
0xe1: {  	_ =	swait.ge [sflag:s21], $0x3180  }
0xe2: {  	[sflag:s21] =	ssyncset.done $0x0  }
0xe3: {  	[sflag:s21] =	ssyncadd.s32 $0xFFFFCE80  }
0xe4: {  	[tilespmem:s16], [sflag:$0x1] =	stream.indirect.gather [hbm4b:s4+s15], $0x90, s1, s15, $0xb8;
	[tilespmem:$0x1FC98] =	vst v63  }
0xe5: {  	_ =	swait.ge [sflag:s22], $0x3180  }
0xe6: {  	[sflag:s22] =	ssyncset.done $0x0  }
0xe7: {  	[sflag:s22] =	ssyncadd.s32 $0xFFFFCE80  }
0xe8: {  	[spmem:s2] =	stream.indirect.scatter.add.f32 [tilespmem:s19], [sflag:$0x6], $0x90, s0, s15, $0xb8;
	[tilespmem:$0x1FC98] =	vst v63  }
0xe9: {  	_ =	swait.ge [sflag:s23], $0x3180  }
0xea: {  	[sflag:s23] =	ssyncset.done $0x0  }
0xeb: {  	[sflag:s23] =	ssyncadd.s32 $0xFFFFCE80  }
0xec: {  	[tilespmem:s17], [sflag:$0x2] =	stream.indirect.gather [hbm4b:s4+s15], $0x90, s5, s15, $0xb8;
	[tilespmem:$0x1FC98] =	vst v63  }
0xed: {  	_ =	swait.ge [sflag:s18], $0x3180  }
0xee: {  	[sflag:s18] =	ssyncset.done $0x0  }
0xef: {  	[sflag:s18] =	ssyncadd.s32 $0xFFFFCE80  }
0xf0: {  	[spmem:s2] =	stream.indirect.scatter.add.f32 [tilespmem:s16], [sflag:$0x4], $0x90, s6, s15, $0xb8;
	[tilespmem:$0x1FC98] =	vst v63  }
0xf1: {  	_ =	swait.ge [sflag:s24], $0x3180  }
0xf2: {  	[sflag:s24] =	ssyncset.done $0x0  }
0xf3: {  	[sflag:s24] =	ssyncadd.s32 $0xFFFFCE80  }
0xf4: {  	[tilespmem:s19], [sflag:$0x3] =	stream.indirect.gather [hbm4b:s4+s15], $0x90, s7, s15, $0xb8;
	[tilespmem:$0x1FC98] =	vst v63  }
0xf5: {  	_ =	swait.ge [sflag:s20], $0x3180  }
0xf6: {  	[sflag:s20] =	ssyncset.done $0x0  }
0xf7: {  	[sflag:s20] =	ssyncadd.s32 $0xFFFFCE80  }
0xf8: {  	[spmem:s2] =	stream.indirect.scatter.add.f32 [tilespmem:s17], [sflag:$0x5], $0x90, s8, s15, $0xb8;
	[tilespmem:$0x1FC98] =	vst v63  }
0xf9: {  	_ =	swait.ge [sflag:s22], $0x3180  }
0xfa: {  	[sflag:s22] =	ssyncset.done $0x0  }
0xfb: {  	[sflag:s22] =	ssyncadd.s32 $0xFFFFCE80  }
0xfc: {  	[spmem:s2] =	stream.indirect.scatter.add.f32 [tilespmem:s19], [sflag:$0x6], $0x90, s9, s15, $0xb8;
	[tilespmem:$0x1FC98] =	vst v63  }
0xfd: {  	_ =	swait.ge [sflag:s21], $0x3180  }
0xfe: {  	[sflag:s21] =	ssyncset.done $0x0  }
0xff: {  	p1 =	sne.s32 s10, $0x948;
	[sflag:s21] =	ssyncadd.s32 $0xFFFFCE80  }
.Ltmp0:
0x100: {  	_ =	swait.ge [sflag:s23], $0x3180;
	(pc) =	sbr.rel @p1 .LBB2_2-.Ltmp0, $4  }
0x101: {  	[sflag:s23] =	ssyncset.done $0x0  }
0x102: {  	[sflag:s23] =	ssyncadd.s32 $0xFFFFCE80  }
0x103: {  	_ =	swait.ge [sflag:s24], $0x3180  }
0x104: {  	s10 =	sadd.s32 $0x84, s10;
	s11 =	rddreg [dreg:$0x3];
	[sflag:s24] =	ssyncset.done $0x0  }
0x105: {  	[sflag:s24] =	ssyncadd.s32 $0xFFFFCE80;
	s10 =	sadd.s32 s25, s11  }
0x106: {  	[tilespmem:s3], [sflag:$0x7] =	stream.linear.gather [hbm4b:s10+s3], $0x420, $0x38;
	[tilespmem:$0x1FC98] =	vst v63  }
0x107: {  	_ =	swait.ge [sflag:s13], $0x420  }
0x108: {  	s12 =	rddreg [dreg:$0x4];
	[sflag:s13] =	ssyncset.done $0x0  }
0x109: {  	s10 =	sadd.s32 s25, s12;
	[sflag:s13] =	ssyncadd.s32 $0xFFFFFBE0  }
0x10a: {  	[tilespmem:s14], [sflag:$0x7] =	stream.linear.gather [hbm4b:s10+s3], $0x420, $0x38;
	[tilespmem:$0x1FC98] =	vst v63  }
0x10b: {  	_ =	swait.ge [sflag:s13], $0x420  }
0x10c: {  	[sflag:s13] =	ssyncset.done $0x0  }
0x10d: {  	[sflag:s13] =	ssyncadd.s32 $0xFFFFFBE0  }
0x10e: {  	[tilespmem:s16], [sflag:$0x1] =	stream.indirect.gather [hbm4b:s4+s15], $0x90, s3, s15, $0xb8;
	[tilespmem:$0x1FC98] =	vst v63  }
0x10f: {  	_ = 	snop  }
0x110: {  	[tilespmem:s17], [sflag:$0x2] =	stream.indirect.gather [hbm4b:s4+s15], $0x90, s15, s15, $0xb8;
	[tilespmem:$0x1FC98] =	vst v63  }
0x111: {  	_ =	swait.ge [sflag:s18], $0x3180  }
0x112: {  	[sflag:s18] =	ssyncset.done $0x0  }
0x113: {  	[sflag:s18] =	ssyncadd.s32 $0xFFFFCE80  }
0x114: {  	[spmem:s2] =	stream.indirect.scatter.add.f32 [tilespmem:s16], [sflag:$0x4], $0x90, s14, s15, $0xb8;
	[tilespmem:$0x1FC98] =	vst v63  }
0x115: {  	s11 =	rddreg [dreg:$0x5]  }
0x116: {  	[tilespmem:s19], [sflag:$0x3] =	stream.indirect.gather [hbm4b:s4+s15], $0x90, s11, s15, $0xb8;
	[tilespmem:$0x1FC98] =	vst v63  }
0x117: {  	_ =	swait.ge [sflag:s20], $0x3180  }
0x118: {  	[sflag:s20] =	ssyncset.done $0x0  }
0x119: {  	s12 =	rddreg [dreg:$0x6];
	[sflag:s20] =	ssyncadd.s32 $0xFFFFCE80  }
0x11a: {  	[spmem:s2] =	stream.indirect.scatter.add.f32 [tilespmem:s17], [sflag:$0x5], $0x90, s12, s15, $0xb8;
	[tilespmem:$0x1FC98] =	vst v63  }
0x11b: {  	_ =	swait.ge [sflag:s21], $0x3180  }
0x11c: {  	[sflag:s21] =	ssyncset.done $0x0  }
0x11d: {  	s25 =	rddreg [dreg:$0x7];
	[sflag:s21] =	ssyncadd.s32 $0xFFFFCE80  }
0x11e: {  	[tilespmem:s16], [sflag:$0x1] =	stream.indirect.gather [hbm4b:s4+s15], $0x90, s25, s15, $0xb8;
	[tilespmem:$0x1FC98] =	vst v63  }
0x11f: {  	_ =	swait.ge [sflag:s22], $0x3180  }
0x120: {  	[sflag:s22] =	ssyncset.done $0x0  }
0x121: {  	s11 =	rddreg [dreg:$0x8];
	[sflag:s22] =	ssyncadd.s32 $0xFFFFCE80  }
0x122: {  	[spmem:s2] =	stream.indirect.scatter.add.f32 [tilespmem:s19], [sflag:$0x6], $0x90, s11, s15, $0xb8;
	[tilespmem:$0x1FC98] =	vst v63  }
0x123: {  	_ =	swait.ge [sflag:s23], $0x3180  }
0x124: {  	[sflag:s23] =	ssyncset.done $0x0  }
0x125: {  	s12 =	rddreg [dreg:$0x9];
	[sflag:s23] =	ssyncadd.s32 $0xFFFFCE80  }
0x126: {  	[tilespmem:s17], [sflag:$0x2] =	stream.indirect.gather [hbm4b:s4+s15], $0x90, s12, s15, $0xb8;
	[tilespmem:$0x1FC98] =	vst v63  }
0x127: {  	_ =	swait.ge [sflag:s18], $0x3180  }
0x128: {  	[sflag:s18] =	ssyncset.done $0x0  }
0x129: {  	s25 =	rddreg [dreg:$0xa];
	[sflag:s18] =	ssyncadd.s32 $0xFFFFCE80  }
0x12a: {  	[spmem:s2] =	stream.indirect.scatter.add.f32 [tilespmem:s16], [sflag:$0x4], $0x90, s25, s15, $0xb8;
	[tilespmem:$0x1FC98] =	vst v63  }
0x12b: {  	_ =	swait.ge [sflag:s24], $0x3180  }
0x12c: {  	[sflag:s24] =	ssyncset.done $0x0  }
0x12d: {  	s11 =	rddreg [dreg:$0xb];
	[sflag:s24] =	ssyncadd.s32 $0xFFFFCE80  }
0x12e: {  	[tilespmem:s19], [sflag:$0x3] =	stream.indirect.gather [hbm4b:s4+s15], $0x90, s11, s15, $0xb8;
	[tilespmem:$0x1FC98] =	vst v63  }
0x12f: {  	_ =	swait.ge [sflag:s20], $0x3180  }
0x130: {  	[sflag:s20] =	ssyncset.done $0x0  }
0x131: {  	s12 =	rddreg [dreg:$0xc];
	[sflag:s20] =	ssyncadd.s32 $0xFFFFCE80  }
0x132: {  	[spmem:s2] =	stream.indirect.scatter.add.f32 [tilespmem:s17], [sflag:$0x5], $0x90, s12, s15, $0xb8;
	[tilespmem:$0x1FC98] =	vst v63  }
0x133: {  	_ =	swait.ge [sflag:s21], $0x3180  }
0x134: {  	[sflag:s21] =	ssyncset.done $0x0  }
0x135: {  	s25 =	rddreg [dreg:$0xd];
	[sflag:s21] =	ssyncadd.s32 $0xFFFFCE80  }
0x136: {  	[tilespmem:s16], [sflag:$0x1] =	stream.indirect.gather [hbm4b:s4+s15], $0x90, s25, s15, $0xb8;
	[tilespmem:$0x1FC98] =	vst v63  }
0x137: {  	_ =	swait.ge [sflag:s22], $0x3180  }
0x138: {  	[sflag:s22] =	ssyncset.done $0x0  }
0x139: {  	[sflag:s22] =	ssyncadd.s32 $0xFFFFCE80  }
0x13a: {  	[spmem:s2] =	stream.indirect.scatter.add.f32 [tilespmem:s19], [sflag:$0x6], $0x90, s26, s15, $0xb8;
	[tilespmem:$0x1FC98] =	vst v63  }
0x13b: {  	_ =	swait.ge [sflag:s23], $0x3180  }
0x13c: {  	[sflag:s23] =	ssyncset.done $0x0  }
0x13d: {  	[sflag:s23] =	ssyncadd.s32 $0xFFFFCE80  }
0x13e: {  	[tilespmem:s17], [sflag:$0x2] =	stream.indirect.gather [hbm4b:s4+s15], $0x90, s28, s15, $0xb8;
	[tilespmem:$0x1FC98] =	vst v63  }
0x13f: {  	_ =	swait.ge [sflag:s18], $0x3180  }
0x140: {  	[sflag:s18] =	ssyncset.done $0x0  }
0x141: {  	[sflag:s18] =	ssyncadd.s32 $0xFFFFCE80  }
0x142: {  	[spmem:s2] =	stream.indirect.scatter.add.f32 [tilespmem:s16], [sflag:$0x4], $0x90, s29, s15, $0xb8;
	[tilespmem:$0x1FC98] =	vst v63  }
0x143: {  	_ =	swait.ge [sflag:s24], $0x3180  }
0x144: {  	[sflag:s24] =	ssyncset.done $0x0  }
0x145: {  	[sflag:s24] =	ssyncadd.s32 $0xFFFFCE80  }
0x146: {  	[tilespmem:s19], [sflag:$0x3] =	stream.indirect.gather [hbm4b:s4+s15], $0x90, s30, s15, $0xb8;
	[tilespmem:$0x1FC98] =	vst v63  }
0x147: {  	_ =	swait.ge [sflag:s20], $0x3180  }
0x148: {  	[sflag:s20] =	ssyncset.done $0x0  }
0x149: {  	[sflag:s20] =	ssyncadd.s32 $0xFFFFCE80  }
0x14a: {  	[spmem:s2] =	stream.indirect.scatter.add.f32 [tilespmem:s17], [sflag:$0x5], $0x90, s31, s15, $0xb8;
	[tilespmem:$0x1FC98] =	vst v63  }
0x14b: {  	_ =	swait.ge [sflag:s21], $0x3180  }
0x14c: {  	[sflag:s21] =	ssyncset.done $0x0  }
0x14d: {  	[sflag:s21] =	ssyncadd.s32 $0xFFFFCE80  }
0x14e: {  	[tilespmem:s16], [sflag:$0x1] =	stream.indirect.gather [hbm4b:s4+s15], $0x90, s1, s15, $0xb8;
	[tilespmem:$0x1FC98] =	vst v63  }
0x14f: {  	_ =	swait.ge [sflag:s22], $0x3180  }
0x150: {  	[sflag:s22] =	ssyncset.done $0x0  }
0x151: {  	[sflag:s22] =	ssyncadd.s32 $0xFFFFCE80  }
0x152: {  	[spmem:s2] =	stream.indirect.scatter.add.f32 [tilespmem:s19], [sflag:$0x6], $0x90, s0, s15, $0xb8;
	[tilespmem:$0x1FC98] =	vst v63  }
0x153: {  	_ =	swait.ge [sflag:s23], $0x3180  }
0x154: {  	[sflag:s23] =	ssyncset.done $0x0  }
0x155: {  	[sflag:s23] =	ssyncadd.s32 $0xFFFFCE80  }
0x156: {  	[tilespmem:s17], [sflag:$0x2] =	stream.indirect.gather [hbm4b:s4+s15], $0x90, s5, s15, $0xb8;
	[tilespmem:$0x1FC98] =	vst v63  }
0x157: {  	_ =	swait.ge [sflag:s18], $0x3180  }
0x158: {  	[sflag:s18] =	ssyncset.done $0x0  }
0x159: {  	[sflag:s18] =	ssyncadd.s32 $0xFFFFCE80  }
0x15a: {  	[spmem:s2] =	stream.indirect.scatter.add.f32 [tilespmem:s16], [sflag:$0x4], $0x90, s6, s15, $0xb8;
	[tilespmem:$0x1FC98] =	vst v63  }
0x15b: {  	_ =	swait.ge [sflag:s24], $0x3180  }
0x15c: {  	[sflag:s24] =	ssyncset.done $0x0  }
0x15d: {  	[sflag:s24] =	ssyncadd.s32 $0xFFFFCE80  }
0x15e: {  	[tilespmem:s19], [sflag:$0x3] =	stream.indirect.gather [hbm4b:s4+s15], $0x90, s7, s15, $0xb8;
	[tilespmem:$0x1FC98] =	vst v63  }
0x15f: {  	_ =	swait.ge [sflag:s20], $0x3180  }
0x160: {  	[sflag:s20] =	ssyncset.done $0x0  }
0x161: {  	[sflag:s20] =	ssyncadd.s32 $0xFFFFCE80  }
0x162: {  	[spmem:s2] =	stream.indirect.scatter.add.f32 [tilespmem:s17], [sflag:$0x5], $0x90, s8, s15, $0xb8;
	[tilespmem:$0x1FC98] =	vst v63  }
0x163: {  	_ =	swait.ge [sflag:s22], $0x3180  }
0x164: {  	[sflag:s22] =	ssyncset.done $0x0  }
0x165: {  	[sflag:s22] =	ssyncadd.s32 $0xFFFFCE80  }
0x166: {  	[spmem:s2] =	stream.indirect.scatter.add.f32 [tilespmem:s19], [sflag:$0x6], $0x90, s9, s15, $0xb8;
	[tilespmem:$0x1FC98] =	vst v63  }
0x167: {  	_ =	swait.ge [sflag:s21], $0x3180  }
0x168: {  	[sflag:s21] =	ssyncset.done $0x0  }
0x169: {  	[sflag:s21] =	ssyncadd.s32 $0xFFFFCE80  }
0x16a: {  	_ =	swait.ge [sflag:s23], $0x3180  }
0x16b: {  	[sflag:s23] =	ssyncset.done $0x0  }
0x16c: {  	[sflag:s23] =	ssyncadd.s32 $0xFFFFCE80  }
0x16d: {  	_ =	swait.ge [sflag:s24], $0x3180  }
0x16e: {  	[sflag:s24] =	ssyncset.done $0x0  }
0x16f: {  	[sflag:s24] =	ssyncadd.s32 $0xFFFFCE80  }
0x170: {  	[bflag:$0x0] =	sbarrier.arrive $0xFFFF  }
0x171: {  	s11 =	rddreg [dreg:$0x11]  }
0x172: {  	s10 =	simm.s32 @p0 $0x1FC7;
	s12 =	rddreg [dreg:$0x13]  }
0x173: {  	[hbm:s11], [sflag:s10] =	dma.local @p0 [spmem:s12], $0x2490  }
0x174: {  	s10 =	simm.s32 @p0 $0x7  }
0x175: {  	_ =	swait.ge @p0 [sflag:s10], $0x2490  }
0x176: {  	s25 =	rddreg [dreg:$0x14]  }
0x177: {  	[sflag:s10] =	ssyncset.done @p0 $0x0;
	s11 =	rddreg [dreg:$0x16]  }
0x178: {  	[sflag:s10] =	ssyncadd.s32 @p0 $0xFFFFDB70;
	s10 =	rddreg [dreg:$0x10]  }
0x179: {  	[hbm:s10], [sflag:s25] =	dma.local @!p0 [spmem:s11], $0x2C70  }
0x17a: {  	s11 =	simm.s32 @!p0 $0x7  }
0x17b: {  	_ =	swait.ge @!p0 [sflag:s11], $0x2C70  }
0x17c: {  	s10 =	rddreg [dreg:$0x17]  }
0x17d: {  	[sflag:s11] =	ssyncset.done @!p0 $0x0;
	s11 =	rddreg [dreg:$0x12];
	s10 =	sadd.s32 $0x1, s10  }
0x17e: {  	p1 =	sne.s32 s10, s11  }
.Ltmp1:
0x17f: {  	_ = 	snop;
	(pc) =	sbr.rel @p1 .LBB2_1-.Ltmp1, $3  }
0x180: {  	_ =	sdelay $0x1  }
0x181: {  	[dreg:$0x17] =	wrdreg s10;
	s10 =	simm.s32 @!p0 $0x7  }
0x182: {  	[sflag:s10] =	ssyncadd.s32 @!p0 $0xFFFFD390  }
0x183: {  	_ =	sfence.sel $0x180000  }
0x184: {  	[bflag:$0x0] =	sbarrier.arrive $0xFFFF  }
0x185: {  	_ =	strace $0x90000047  }
0x186: {  	s0 =	stileid.u32;
	[bflag:$0x2] =	sbarrier.arrive $0xFFFF  }
0x187: {  	p0 =	sne.s32 s0, $0x0;
	s0 =	rddreg [dreg:$0x2]  }
0x188: {  	s0 =	sadd.s32 @!p0 $0x100000, s0  }
0x189: {  	[sflag:s0] =	ssyncadd.tile.s32 @!p0 $0x1;
	_ =	shalt  }
.Lfunc_end2:
_tile_overlayer_lowered:
.L_overlay_start_2:
0x18a: {  	(tag) =	ssettag $0x2  }
0x18b: {  	s0 =	rddreg [dreg:$0x0];
	s2 =	stileid.u32  }
0x18c: {  	s1 =	rddreg [dreg:$0x1];
	p0 =	sne.s32 s2, $0x0  }
0x18d: {  	s3 =	rddreg [dreg:$0x2];
	[bflag:$0x3] =	sbarrier.arrive $0xFFFF;
	s2 =	simm.s32 @!p0 $0x1C07  }
0x18e: {  	[timem:s3], [sflag:s2] =	dma.local @!p0 [hbm:s0], s1  }
0x18f: {  	s0 =	simm.s32 @!p0 $0x7  }
0x190: {  	_ =	swait.ge @!p0 [sflag:s0], s1  }
0x191: {  	s1 =	ssub.s32 @!p0 $0x0, s1;
	[sflag:s0] =	ssyncset.done @!p0 $0x0  }
0x192: {  	[sflag:s0] =	ssyncadd.s32 @!p0 s1  }
0x193: {  	[bflag:$0x3] =	sbarrier.arrive $0xFFFF  }
0x194: {  	_ =	shalt  }

// kernel: kernel.14.cloned.1.call-start
scs
__scs_entry_jumppad:
0x0: {  	(pc) =	sbr.rel $0x88, $3  }
0x1: {  	(tag) =	ssettag $0x0;
	lr =	simm.s32 $0x1  }
0x2: {  	[smem:$0x3F90] =	sst lr;
	_ =	strace $0xD0000000  }
0x3: {  	_ = 	snop  }
0x4: {  	_ = 	snop  }
0x5: {  	_ = 	snop  }
0x6: {  	_ = 	snop  }
0x7: {  	_ = 	snop  }
__scs_overlays_trampoline_lowered:
0x8: {  	[smem:$0x3F9F] =	sst s0  }
0x9: {  	[smem:$0x3FA0] =	sst s1  }
0xa: {  	[smem:$0x3FA1] =	sst s2  }
0xb: {  	[smem:$0x3FA2] =	sst s3  }
0xc: {  	[smem:$0x3FA3] =	sst s4  }
0xd: {  	[smem:$0x3FA4] =	sst s5  }
0xe: {  	[smem:$0x3FA5] =	sst s6  }
0xf: {  	[smem:$0x3FA6] =	sst s7  }
0x10: {  	[smem:$0x3FA7] =	sst s8  }
0x11: {  	[smem:$0x3FA8] =	sst s9;
	s0 =	simm.s32 @!p0 $0x0  }
0x12: {  	s1 =	sld [smem:$0x3F8E];
	s0 =	simm.s32 @p0 $0x1  }
0x13: {  	[smem:$0x3FA9] =	sst s0;
	s0 =	simm.s32 @!p1 $0x0  }
0x14: {  	s2 =	sld [smem:$0x3F8D];
	s0 =	simm.s32 @p1 $0x1  }
0x15: {  	[smem:$0x3FAA] =	sst s0;
	s0 =	simm.s32 @!p2 $0x0  }
0x16: {  	s3 =	sld [smem:$0x3FDB];
	s0 =	simm.s32 @p2 $0x1  }
0x17: {  	s4 =	simm.s32 $0x1BF5;
	[smem:$0x3FAC] =	sst s0  }
0x18: {  	s0 =	sld [smem:$0x3F8F];
	_ =	swait.ge [sflag:s4], $0x0  }
0x19: {  	s7 =	sld [smem:$0x3F90]  }
0x1a: {  	s8 =	sadd.s32 $0xFFFFE003, lr  }
0x1b: {  	s9 =	sadd.s32 $0xFFFFFEF7, lr;
	s5 =	simm.s32 $0xFFFFFFFF;
	p2 =	slt.u32 s8, $0xFFFFF086  }
0x1c: {  	p1 =	slt.u32 s9, $0xF7A;
	s5 =	simm.s32 @!p2 $0x0  }
0x1d: {  	s5 =	simm.s32 @p1 $0x1;
	p0 =	seq.s32 s7, s2  }
0x1e: {  	s7 =	smul.u32 @!p0 $0xF7A, s2;
	p2 =	seq.s32 @!p0 s5, $0x0  }
0x1f: {  	s9 =	smul.u32 $0xF7A, s1;
	s8 =	simm.s32 @!p0 $0x1BF5;
	p2 =	por !p2, p0  }
0x20: {  	[sflag:s8] =	ssyncset.s32 @!p0 $0xFFFFF086;
	s6 =	sadd.s32 @!p0 s3, s7;
	s7 =	simm.s32 @!p0 $0x108  }
0x21: {  	s3 =	sadd.s32 s3, s9;
	s6 =	sadd.s32 @!p0 $0x88, s6;
	s7 =	simm.s32 @p2 $0x1082  }
0x22: {  	[simem:s7], [sflag:s8] =	dma.local @!p0 [hbm:s6], $0xF7A  }
0x23: {  	s9 =	sor.u32 $0xD0000000, s2;
	s6 =	simm.s32 $0x108;
	_ =	swait.ge @!p0 [sflag:s8], $0x0  }
0x24: {  	s3 =	sadd.s32 $0x88, s3;
	s6 =	simm.s32 @!p1 $0x1082;
	[sflag:s4] =	ssyncset.s32 $0xFFFFF086  }
0x25: {  	[simem:s6], [sflag:s4] =	dma.local [hbm:s3], $0xF7A  }
0x26: {  	[smem:$0x3F90] =	sst s1;
	(tag) =	ssettag s2;
	_ =	strace s9  }
0x27: {  	s1 =	sld [smem:$0x3FA0]  }
0x28: {  	s2 =	sld [smem:$0x3FA1]  }
0x29: {  	s4 =	sld [smem:$0x3FA3]  }
0x2a: {  	p0 =	seq.s32 s5, $0x0;
	s5 =	sld [smem:$0x3FA4]  }
0x2b: {  	s6 =	sld [smem:$0x3FA5]  }
0x2c: {  	s7 =	sld [smem:$0x3FA6]  }
0x2d: {  	s3 =	simm.s32 $0x108;
	s8 =	sld [smem:$0x3FA7]  }
0x2e: {  	s3 =	simm.s32 @!p0 $0x1082;
	s9 =	sld [smem:$0x3FA8]  }
0x2f: {  	lr =	sadd.s32 s0, s3;
	s0 =	sld [smem:$0x3F9F]  }
0x30: {  	s3 =	sld [smem:$0x3FA2]  }
0x31: {  	[smem:$0x3FAB] =	sst s10  }
0x32: {  	s10 =	sld [smem:$0x3FA9];
	_ =	sdelay $0x3  }
0x33: {  	p0 =	seq.s32 s10, $0x1;
	s10 =	sld [smem:$0x3FAB];
	_ =	sdelay $0x3  }
0x34: {  	[smem:$0x3FAB] =	sst s10  }
0x35: {  	s10 =	sld [smem:$0x3FAA];
	_ =	sdelay $0x3  }
0x36: {  	p1 =	seq.s32 s10, $0x1;
	s10 =	sld [smem:$0x3FAB];
	_ =	sdelay $0x3  }
0x37: {  	[smem:$0x3FAB] =	sst s10  }
0x38: {  	s10 =	sld [smem:$0x3FAC]  }
0x39: {  	_ = 	snop;
	(pc) =	sbr.ind lr, $3  }
0x3a: {  	_ = 	snop  }
0x3b: {  	_ = 	snop  }
0x3c: {  	p2 =	seq.s32 s10, $0x1;
	s10 =	sld [smem:$0x3FAB]  }
0x3d: {  	_ =	shalt  }
0x3e: {  	_ =	shalt  }
0x3f: {  	_ =	shalt  }
0x40: {  	_ =	shalt  }
0x41: {  	_ =	shalt  }
0x42: {  	_ =	shalt  }
0x43: {  	_ =	shalt  }
0x44: {  	_ =	shalt  }
0x45: {  	_ =	shalt  }
0x46: {  	_ =	shalt  }
0x47: {  	_ =	shalt  }
0x48: {  	_ =	shalt  }
0x49: {  	_ =	shalt  }
0x4a: {  	_ =	shalt  }
0x4b: {  	_ =	shalt  }
0x4c: {  	_ =	shalt  }
0x4d: {  	_ =	shalt  }
0x4e: {  	_ =	shalt  }
0x4f: {  	_ =	shalt  }
0x50: {  	_ =	shalt  }
0x51: {  	_ =	shalt  }
0x52: {  	_ =	shalt  }
0x53: {  	_ =	shalt  }
0x54: {  	_ =	shalt  }
0x55: {  	_ =	shalt  }
0x56: {  	_ =	shalt  }
0x57: {  	_ =	shalt  }
0x58: {  	_ =	shalt  }
0x59: {  	_ =	shalt  }
0x5a: {  	_ =	shalt  }
0x5b: {  	_ =	shalt  }
0x5c: {  	_ =	shalt  }
0x5d: {  	_ =	shalt  }
0x5e: {  	_ =	shalt  }
0x5f: {  	_ =	shalt  }
0x60: {  	_ =	shalt  }
0x61: {  	_ =	shalt  }
0x62: {  	_ =	shalt  }
0x63: {  	_ =	shalt  }
0x64: {  	_ =	shalt  }
0x65: {  	_ =	shalt  }
0x66: {  	_ =	shalt  }
0x67: {  	_ =	shalt  }
0x68: {  	_ =	shalt  }
0x69: {  	_ =	shalt  }
0x6a: {  	_ =	shalt  }
0x6b: {  	_ =	shalt  }
0x6c: {  	_ =	shalt  }
0x6d: {  	_ =	shalt  }
0x6e: {  	_ =	shalt  }
0x6f: {  	_ =	shalt  }
0x70: {  	_ =	shalt  }
0x71: {  	_ =	shalt  }
0x72: {  	_ =	shalt  }
0x73: {  	_ =	shalt  }
0x74: {  	_ =	shalt  }
0x75: {  	_ =	shalt  }
0x76: {  	_ =	shalt  }
0x77: {  	_ =	shalt  }
0x78: {  	_ =	shalt  }
0x79: {  	_ =	shalt  }
0x7a: {  	_ =	shalt  }
0x7b: {  	_ =	shalt  }
0x7c: {  	_ =	shalt  }
0x7d: {  	_ =	shalt  }
0x7e: {  	_ =	shalt  }
0x7f: {  	_ =	shalt  }
0x80: {  	_ =	shalt  }
0x81: {  	_ =	shalt  }
0x82: {  	_ =	shalt  }
0x83: {  	_ =	shalt  }
0x84: {  	_ =	shalt  }
0x85: {  	_ =	shalt  }
0x86: {  	_ =	shalt  }
0x87: {  	_ =	shalt  }
.Lfunc_end0:
.L_simem_size_0:
called_computation.1_lowered:
.L_overlay_start_0:
0x88: {  	s2 =	sld [smem:$0x3FD9]  }
0x89: {  	s3 =	sld [smem:$0x3FFE];
	_ =	sdelay $0x1  }
0x8a: {  	s1 =	srdreg.scid  }
0x8b: {  	s0 =	sand.u32 $0x1, s1  }
0x8c: {  	s16 =	sshll.u32 s0, $0xA;
	s2 =	sadd.s32 s3, s2  }
0x8d: {  	s2 =	sadd.s32 s2, s16  }
0x8e: {  	[smem:$0x3FB7] =	sst s2  }
0x8f: {  	_ = 	snop  }
0x90: {  	(tm) =	ssettm $0x1  }
0x91: {  	s17 =	sld [smem:$0x3FFB];
	_ =	sdelay $0x3  }
0x92: {  	_ =	strace s17  }
0x93: {  	s2 =	sld [smem:$0x3FFC];
	_ =	sdelay $0x3  }
0x94: {  	_ =	strace s2  }
0x95: {  	s2 =	sld [smem:$0x3FFD];
	_ =	sdelay $0x3  }
0x96: {  	_ =	strace s2  }
0x97: {  	_ =	strace $0x8FFFFFFF  }
0x98: {  	s18 =	sld [smem:$0x3FDB];
	_ =	sdelay $0x1  }
0x99: {  	s19 =	simm.s32 $_scs_section_size  }
0x9a: {  	s4 =	simm.s32 $_size__tile_overlayer_lowered;
	s5 =	simm.s32 $_tile_overlayer_lowered  }
0x9b: {  	s22 =	simm.s32 $0x1BFF;
	s21 =	sshll.u32 s5, $0x1;
	s2 =	sadd.s32 s19, s18  }
0x9c: {  	s6 =	simm.s32 $0x0;
	s20 =	sshll.u32 s4, $0x1;
	s4 =	sadd.s32 s21, s2  }
0x9d: {  	[timem:s6], [sflag:s22] =	dma.local [hbm:s4], s20  }
0x9e: {  	_ =	swait.ge [sflag:s22], s20  }
0x9f: {  	s3 =	ssub.s32 $0x0, s20;
	[sflag:s22] =	ssyncset.done $0x0  }
0xa0: {  	[sflag:s22] =	ssyncadd.s32 s3;
	_ =	sdelay $0x1  }
0xa1: {  	s23 =	simm.s32 $0x1B8B  }
0xa2: {  	_ =	swait.ge [sflag:s23], $0x1  }
0xa3: {  	[sflag:s23] =	ssyncset.done $0x0  }
0xa4: {  	s25 =	simm.s32 $0x1B8E;
	s24 =	sld [smem:$0x3FFE];
	[sflag:s23] =	ssyncadd.s32 $0xFFFFFFFF  }
0xa5: {  	s26 =	simm.s32 $execute0_lowered;
	[smem:$0x3FD2] =	sst s25  }
0xa6: {  	s4 =	sshll.u32 s26, $0x1;
	_ =	strace $0x80000049;
	[dreg:$0x1] =	wrdreg $0xFFFFFFFF  }
0xa7: {  	s28 =	simm.s32 $_size_execute0_lowered;
	s2 =	sadd.s32 s2, s4;
	[dreg:$0x0] =	wrdreg $0x0  }
0xa8: {  	s4 =	sshll.u32 s28, $0x1;
	[dreg:$0x2] =	wrdreg s2  }
0xa9: {  	[dreg:$0x3] =	wrdreg s4  }
0xaa: {  	[dreg:$0x4] =	wrdreg $0xC0  }
0xab: {  	_ =	task [dreg:s6], $0x5FFFF  }
0xac: {  	[dreg:$0x1] =	wrdreg $0xFFFFFFFF  }
0xad: {  	[dreg:$0x0] =	wrdreg $0x60  }
0xae: {  	[dreg:$0x2] =	wrdreg s24  }
0xaf: {  	[dreg:$0x3] =	wrdreg $0x9CC00  }
0xb0: {  	[dreg:$0x4] =	wrdreg $0x9  }
0xb1: {  	_ =	task.clear_ibuf [dreg:s6], $0x5FFFF;
	_ =	strace $0x90000049  }
0xb2: {  	s29 =	simm.s32 $0x9;
	_ =	strace $0x8000004B  }
0xb3: {  	_ =	swait.ge [sflag:s29], $0x1  }
0xb4: {  	[sflag:s29] =	ssyncadd.s32 $0xFFFFFFFF  }
0xb5: {  	_ =	strace $0x9000004B  }
0xb6: {  	_ =	sfence  }
0xb7: {  	s30 =	sld [smem:$0x0];
	_ =	sdelay $0x2  }
0xb8: {  	s31 =	sshll.u32 s1, $0xD;
	s1 =	sshrl.u32 s1, $0x2  }
0xb9: {  	s3 =	sand.u32 $0x4000, s31;
	s1 =	sadd.s32 s1, s30  }
0xba: {  	s0 =	sor.u32 s3, s0;
	s1 =	sshll.u32 s1, $0x11  }
0xbb: {  	s0 =	sor.u32 s1, s0  }
0xbc: {  	s0 =	sadd.s32 $0x8F2B, s0  }
0xbd: {  	[sflag:s0] =	ssyncadd.remote.s32 $0x1  }
0xbe: {  	_ =	sfence.sel $0xFFFF  }
0xbf: {  	[dreg:$0x0] =	wrdreg $0xFFFFFFFF;
	(pc) =	sbr.abs _section_cstart, $3  }
0xc0: {  	[dreg:$0x1] =	wrdreg $0xFFFFFFFF  }
0xc1: {  	_ =	task.clear_ibuf [dreg:s6], $0x2FFFF;
	_ =	strace $0x9FFFFFFF  }
0xc2: {  	(tm) =	ssettm $0x7FFFFFFF  }
0xc3: {  	_ =	shalt  }
tec
execute0_lowered:
.L_overlay_start_1:
0x0: {  	(tag) =	ssettag $0x1  }
0x1: {  	s0 =	srdreg.scid  }
0x2: {  	s1 =	rddreg [dreg:$0x0];
	s14 =	stileid.u32  }
0x3: {  	s2 =	rddreg [dreg:$0x1];
	s3 =	simm.s32 $0x0;
	s23 =	simm.s32 $0xB0  }
0x4: {  	s24 =	simm.s32 $0x478;
	s15 =	simm.s32 $0x58;
	s5 =	smul.u32 $0x4E60, s14  }
0x5: {  	s26 =	simm.s32 $0x108;
	s16 =	simm.s32 $0x840;
	s17 =	smul.u32 $0x9CC, s14  }
0x6: {  	s28 =	simm.s32 $0x268;
	s29 =	simm.s32 $0x630;
	s7 =	smul.u32 $0x16380, s14  }
0x7: {  	s30 =	simm.s32 $0x2C0;
	s31 =	simm.s32 $0x688;
	s12 =	smul.u32 $0x2C70, s14  }
0x8: {  	s0 =	sand.u32 $0x1, s0;
	[smem:$0x7FF] =	sst s3;
	s18 =	smul.u32 $0x58E00, s14  }
0x9: {  	s13 =	sadd.s32 $0x1DDA00, s1;
	p0 =	seq.s32 s14, $0xF;
	s4 =	smul.u32 $0x4E600, s0  }
0xa: {  	_ =	strace $0x8000004A;
	s10 =	smul.u32 $0x2BF20, s0;
	[dreg:$0x5] =	wrdreg s23  }
0xb: {  	s9 =	ssub.s32 $0x2, s0;
	s0 =	smul.u32 $0x15F900, s0;
	[dreg:$0x6] =	wrdreg s24  }
0xc: {  	[dreg:$0x7] =	wrdreg s26;
	s23 =	simm.s32 $0x5;
	s24 =	simm.s32 $0x6  }
0xd: {  	s26 =	simm.s32 $0x5D8;
	s8 =	sshrl.u32 s7, $0x3;
	s11 =	sshrl.u32 s9, $0x1  }
0xe: {  	s7 =	sadd.s32 s7, s2;
	s4 =	sadd.s32 s4, s5;
	s5 =	sadd.s32 s17, s1  }
0xf: {  	s8 =	sadd.s32 s8, s1;
	s9 =	ssub.s32 s9, s11;
	s11 =	sadd.s32 $0x14D480, s2  }
0x10: {  	s0 =	sshrl.u32 s0, $0x3;
	s19 =	sadd.s32 s12, s10;
	s10 =	simm.s32 $0x210  }
0x11: {  	s17 =	simm.s32 $0x39C0;
	s8 =	sadd.s32 $0x115600, s8;
	[dreg:$0xd] =	wrdreg s10  }
0x12: {  	s6 =	sshrl.u32 s4, $0x3;
	s20 =	smax.u32 s9, $0x1;
	[dreg:$0xe] =	wrdreg s8  }
0x13: {  	s4 =	sadd.s32 $0xBD600, s1;
	s22 =	sadd.s32 $0x17400, s5;
	[dreg:$0x12] =	wrdreg s20  }
0x14: {  	s0 =	sadd.s32 s13, s0;
	s9 =	simm.s32 $0x580;
	[dreg:$0x4] =	wrdreg s22  }
0x15: {  	s12 =	sshrl.u32 @p0 s11, $0x3;
	s11 =	simm.s32 $0x0;
	[dreg:$0xc] =	wrdreg s9  }
0x16: {  	s5 =	sshll.u32 @!p0 s14, $0x6;
	s14 =	simm.s32 $0x420;
	[dreg:$0x17] =	wrdreg s11  }
0x17: {  	s6 =	sadd.s32 s6, s1;
	s1 =	sadd.s32 $0x13F090, s1;
	[dreg:$0x13] =	wrdreg s12  }
0x18: {  	s8 =	sshrl.u32 s18, $0x2;
	s0 =	sadd.s32 $0x29A90, s0;
	[dreg:$0xf] =	wrdreg s1  }
0x19: {  	s25 =	sor.u32 @!p0 $0x1C07, s5;
	s5 =	simm.s32 $0x4D0;
	[dreg:$0x11] =	wrdreg s0  }
0x1a: {  	s18 =	simm.s32 $0x1;
	s20 =	simm.s32 $0x2;
	[dreg:$0x8] =	wrdreg s5  }
0x1b: {  	s22 =	simm.s32 $0x3;
	s1 =	sadd.s32 s13, s19;
	[dreg:$0x14] =	wrdreg s25  }
0x1c: {  	s9 =	simm.s32 $0x7E8;
	s21 =	sadd.s32 $0x3A00, s6;
	[dreg:$0x10] =	wrdreg s1  }
0x1d: {  	s0 =	sshrl.u32 @!p0 s7, $0x3;
	s13 =	simm.s32 $0x7;
	[dreg:$0x3] =	wrdreg s21  }
0x1e: {  	s6 =	simm.s32 $0x160;
	s7 =	simm.s32 $0x528;
	[dreg:$0x15] =	wrdreg s0  }
0x1f: {  	s19 =	simm.s32 $0x6B40;
	s5 =	simm.s32 $0x370;
	[dreg:$0x9] =	wrdreg s6  }
0x20: {  	s1 =	sadd.s32 s8, s2;
	[dreg:$0xa] =	wrdreg s7;
	s8 =	simm.s32 $0x1B8  }
0x21: {  	s21 =	simm.s32 $0x4;
	s6 =	simm.s32 $0x738;
	s7 =	simm.s32 $0x3C8  }
0x22: {  	[dreg:$0xb] =	wrdreg s8;
	s0 =	sshrl.u32 @!p0 s1, $0x3;
	s1 =	simm.s32 $0x318  }
0x23: {  	s8 =	simm.s32 $0x790;
	[dreg:$0x16] =	wrdreg s0;
	s0 =	simm.s32 $0x6E0  }
.LBB2_1:
0x24: {  	s10 =	simm.s32 @p0 $0x1FC7;
	s11 =	rddreg [dreg:$0xf]  }
0x25: {  	[spmem:s12], [sflag:s10] =	dma.local @p0 [hbm:s11], $0x2490  }
0x26: {  	s10 =	simm.s32 @p0 $0x7  }
0x27: {  	_ =	swait.ge @p0 [sflag:s10], $0x2490  }
0x28: {  	[sflag:s10] =	ssyncset.done @p0 $0x0;
	s11 =	rddreg [dreg:$0x15]  }
0x29: {  	[sflag:s10] =	ssyncadd.s32 @p0 $0xFFFFDB70;
	s10 =	rddreg [dreg:$0xe]  }
0x2a: {  	[spmem:s11], [sflag:s25] =	dma.local @!p0 [hbm:s10], $0x2C70  }
0x2b: {  	s10 =	simm.s32 @!p0 $0x7  }
0x2c: {  	_ =	swait.ge @!p0 [sflag:s10], $0x2C70  }
0x2d: {  	[sflag:s10] =	ssyncset.done @!p0 $0x0  }
0x2e: {  	[sflag:s10] =	ssyncadd.s32 @!p0 $0xFFFFD390  }
0x2f: {  	[bflag:$0x0] =	sbarrier.arrive $0xFFFF  }
0x30: {  	s12 =	rddreg [dreg:$0x3]  }
0x31: {  	s10 =	sadd.s32 $0x0, s12  }
0x32: {  	[tilespmem:s3], [sflag:$0x7] =	stream.linear.gather [hbm4b:s10+s3], $0x420, $0x38;
	[tilespmem:$0x1FC98] =	vst v63  }
0x33: {  	_ =	swait.ge [sflag:s13], $0x420  }
0x34: {  	s25 =	rddreg [dreg:$0x4];
	[sflag:s13] =	ssyncset.done $0x0  }
0x35: {  	[sflag:s13] =	ssyncadd.s32 $0xFFFFFBE0;
	s10 =	sadd.s32 $0x0, s25  }
0x36: {  	[tilespmem:s14], [sflag:$0x7] =	stream.linear.gather [hbm4b:s10+s3], $0x420, $0x38;
	[tilespmem:$0x1FC98] =	vst v63  }
0x37: {  	_ =	swait.ge [sflag:s13], $0x420  }
0x38: {  	[sflag:s13] =	ssyncset.done $0x0  }
0x39: {  	[sflag:s13] =	ssyncadd.s32 $0xFFFFFBE0  }
0x3a: {  	[tilespmem:s16], [sflag:$0x1] =	stream.indirect.gather [hbm4b:s4+s15], $0x90, s3, s15, $0xb8;
	[tilespmem:$0x1FC98] =	vst v63  }
0x3b: {  	_ = 	snop  }
0x3c: {  	[tilespmem:s17], [sflag:$0x2] =	stream.indirect.gather [hbm4b:s4+s15], $0x90, s15, s15, $0xb8;
	[tilespmem:$0x1FC98] =	vst v63  }
0x3d: {  	_ =	swait.ge [sflag:s18], $0x3180  }
0x3e: {  	[sflag:s18] =	ssyncset.done $0x0  }
0x3f: {  	[sflag:s18] =	ssyncadd.s32 $0xFFFFCE80  }
0x40: {  	[spmem:s2] =	stream.indirect.scatter.add.f32 [tilespmem:s16], [sflag:$0x4], $0x90, s14, s15, $0xb8;
	[tilespmem:$0x1FC98] =	vst v63  }
0x41: {  	s11 =	rddreg [dreg:$0x5]  }
0x42: {  	[tilespmem:s19], [sflag:$0x3] =	stream.indirect.gather [hbm4b:s4+s15], $0x90, s11, s15, $0xb8;
	[tilespmem:$0x1FC98] =	vst v63  }
0x43: {  	_ =	swait.ge [sflag:s20], $0x3180  }
0x44: {  	[sflag:s20] =	ssyncset.done $0x0  }
0x45: {  	s12 =	rddreg [dreg:$0x6];
	[sflag:s20] =	ssyncadd.s32 $0xFFFFCE80  }
0x46: {  	[spmem:s2] =	stream.indirect.scatter.add.f32 [tilespmem:s17], [sflag:$0x5], $0x90, s12, s15, $0xb8;
	[tilespmem:$0x1FC98] =	vst v63  }
0x47: {  	_ =	swait.ge [sflag:s21], $0x3180  }
0x48: {  	[sflag:s21] =	ssyncset.done $0x0  }
0x49: {  	s25 =	rddreg [dreg:$0x7];
	[sflag:s21] =	ssyncadd.s32 $0xFFFFCE80  }
0x4a: {  	[tilespmem:s16], [sflag:$0x1] =	stream.indirect.gather [hbm4b:s4+s15], $0x90, s25, s15, $0xb8;
	[tilespmem:$0x1FC98] =	vst v63  }
0x4b: {  	_ =	swait.ge [sflag:s22], $0x3180  }
0x4c: {  	[sflag:s22] =	ssyncset.done $0x0  }
0x4d: {  	s11 =	rddreg [dreg:$0x8];
	[sflag:s22] =	ssyncadd.s32 $0xFFFFCE80  }
0x4e: {  	[spmem:s2] =	stream.indirect.scatter.add.f32 [tilespmem:s19], [sflag:$0x6], $0x90, s11, s15, $0xb8;
	[tilespmem:$0x1FC98] =	vst v63  }
0x4f: {  	_ =	swait.ge [sflag:s23], $0x3180  }
0x50: {  	[sflag:s23] =	ssyncset.done $0x0  }
0x51: {  	s12 =	rddreg [dreg:$0x9];
	[sflag:s23] =	ssyncadd.s32 $0xFFFFCE80  }
0x52: {  	[tilespmem:s17], [sflag:$0x2] =	stream.indirect.gather [hbm4b:s4+s15], $0x90, s12, s15, $0xb8;
	[tilespmem:$0x1FC98] =	vst v63  }
0x53: {  	_ =	swait.ge [sflag:s18], $0x3180  }
0x54: {  	[sflag:s18] =	ssyncset.done $0x0  }
0x55: {  	s25 =	rddreg [dreg:$0xa];
	[sflag:s18] =	ssyncadd.s32 $0xFFFFCE80  }
0x56: {  	[spmem:s2] =	stream.indirect.scatter.add.f32 [tilespmem:s16], [sflag:$0x4], $0x90, s25, s15, $0xb8;
	[tilespmem:$0x1FC98] =	vst v63  }
0x57: {  	_ =	swait.ge [sflag:s24], $0x3180  }
0x58: {  	[sflag:s24] =	ssyncset.done $0x0  }
0x59: {  	s11 =	rddreg [dreg:$0xb];
	[sflag:s24] =	ssyncadd.s32 $0xFFFFCE80  }
0x5a: {  	[tilespmem:s19], [sflag:$0x3] =	stream.indirect.gather [hbm4b:s4+s15], $0x90, s11, s15, $0xb8;
	[tilespmem:$0x1FC98] =	vst v63  }
0x5b: {  	_ =	swait.ge [sflag:s20], $0x3180  }
0x5c: {  	[sflag:s20] =	ssyncset.done $0x0  }
0x5d: {  	s12 =	rddreg [dreg:$0xc];
	[sflag:s20] =	ssyncadd.s32 $0xFFFFCE80  }
0x5e: {  	[spmem:s2] =	stream.indirect.scatter.add.f32 [tilespmem:s17], [sflag:$0x5], $0x90, s12, s15, $0xb8;
	[tilespmem:$0x1FC98] =	vst v63  }
0x5f: {  	_ =	swait.ge [sflag:s21], $0x3180  }
0x60: {  	[sflag:s21] =	ssyncset.done $0x0  }
0x61: {  	s25 =	rddreg [dreg:$0xd];
	[sflag:s21] =	ssyncadd.s32 $0xFFFFCE80  }
0x62: {  	[tilespmem:s16], [sflag:$0x1] =	stream.indirect.gather [hbm4b:s4+s15], $0x90, s25, s15, $0xb8;
	[tilespmem:$0x1FC98] =	vst v63  }
0x63: {  	_ =	swait.ge [sflag:s22], $0x3180  }
0x64: {  	[sflag:s22] =	ssyncset.done $0x0  }
0x65: {  	[sflag:s22] =	ssyncadd.s32 $0xFFFFCE80  }
0x66: {  	[spmem:s2] =	stream.indirect.scatter.add.f32 [tilespmem:s19], [sflag:$0x6], $0x90, s26, s15, $0xb8;
	[tilespmem:$0x1FC98] =	vst v63  }
0x67: {  	_ =	swait.ge [sflag:s23], $0x3180  }
0x68: {  	[sflag:s23] =	ssyncset.done $0x0  }
0x69: {  	[sflag:s23] =	ssyncadd.s32 $0xFFFFCE80  }
0x6a: {  	[tilespmem:s17], [sflag:$0x2] =	stream.indirect.gather [hbm4b:s4+s15], $0x90, s28, s15, $0xb8;
	[tilespmem:$0x1FC98] =	vst v63  }
0x6b: {  	_ =	swait.ge [sflag:s18], $0x3180  }
0x6c: {  	[sflag:s18] =	ssyncset.done $0x0  }
0x6d: {  	[sflag:s18] =	ssyncadd.s32 $0xFFFFCE80  }
0x6e: {  	[spmem:s2] =	stream.indirect.scatter.add.f32 [tilespmem:s16], [sflag:$0x4], $0x90, s29, s15, $0xb8;
	[tilespmem:$0x1FC98] =	vst v63  }
0x6f: {  	_ =	swait.ge [sflag:s24], $0x3180  }
0x70: {  	[sflag:s24] =	ssyncset.done $0x0  }
0x71: {  	[sflag:s24] =	ssyncadd.s32 $0xFFFFCE80  }
0x72: {  	[tilespmem:s19], [sflag:$0x3] =	stream.indirect.gather [hbm4b:s4+s15], $0x90, s30, s15, $0xb8;
	[tilespmem:$0x1FC98] =	vst v63  }
0x73: {  	_ =	swait.ge [sflag:s20], $0x3180  }
0x74: {  	[sflag:s20] =	ssyncset.done $0x0  }
0x75: {  	[sflag:s20] =	ssyncadd.s32 $0xFFFFCE80  }
0x76: {  	[spmem:s2] =	stream.indirect.scatter.add.f32 [tilespmem:s17], [sflag:$0x5], $0x90, s31, s15, $0xb8;
	[tilespmem:$0x1FC98] =	vst v63  }
0x77: {  	_ =	swait.ge [sflag:s21], $0x3180  }
0x78: {  	[sflag:s21] =	ssyncset.done $0x0  }
0x79: {  	[sflag:s21] =	ssyncadd.s32 $0xFFFFCE80  }
0x7a: {  	[tilespmem:s16], [sflag:$0x1] =	stream.indirect.gather [hbm4b:s4+s15], $0x90, s1, s15, $0xb8;
	[tilespmem:$0x1FC98] =	vst v63  }
0x7b: {  	_ =	swait.ge [sflag:s22], $0x3180  }
0x7c: {  	[sflag:s22] =	ssyncset.done $0x0  }
0x7d: {  	[sflag:s22] =	ssyncadd.s32 $0xFFFFCE80  }
0x7e: {  	[spmem:s2] =	stream.indirect.scatter.add.f32 [tilespmem:s19], [sflag:$0x6], $0x90, s0, s15, $0xb8;
	[tilespmem:$0x1FC98] =	vst v63  }
0x7f: {  	_ =	swait.ge [sflag:s23], $0x3180  }
0x80: {  	[sflag:s23] =	ssyncset.done $0x0  }
0x81: {  	[sflag:s23] =	ssyncadd.s32 $0xFFFFCE80  }
0x82: {  	[tilespmem:s17], [sflag:$0x2] =	stream.indirect.gather [hbm4b:s4+s15], $0x90, s5, s15, $0xb8;
	[tilespmem:$0x1FC98] =	vst v63  }
0x83: {  	_ =	swait.ge [sflag:s18], $0x3180  }
0x84: {  	[sflag:s18] =	ssyncset.done $0x0  }
0x85: {  	[sflag:s18] =	ssyncadd.s32 $0xFFFFCE80  }
0x86: {  	[spmem:s2] =	stream.indirect.scatter.add.f32 [tilespmem:s16], [sflag:$0x4], $0x90, s6, s15, $0xb8;
	[tilespmem:$0x1FC98] =	vst v63  }
0x87: {  	_ =	swait.ge [sflag:s24], $0x3180  }
0x88: {  	[sflag:s24] =	ssyncset.done $0x0  }
0x89: {  	[sflag:s24] =	ssyncadd.s32 $0xFFFFCE80  }
0x8a: {  	[tilespmem:s19], [sflag:$0x3] =	stream.indirect.gather [hbm4b:s4+s15], $0x90, s7, s15, $0xb8;
	[tilespmem:$0x1FC98] =	vst v63  }
0x8b: {  	_ =	swait.ge [sflag:s20], $0x3180  }
0x8c: {  	[sflag:s20] =	ssyncset.done $0x0  }
0x8d: {  	[sflag:s20] =	ssyncadd.s32 $0xFFFFCE80  }
0x8e: {  	[spmem:s2] =	stream.indirect.scatter.add.f32 [tilespmem:s17], [sflag:$0x5], $0x90, s8, s15, $0xb8;
	[tilespmem:$0x1FC98] =	vst v63  }
0x8f: {  	_ =	swait.ge [sflag:s22], $0x3180  }
0x90: {  	[sflag:s22] =	ssyncset.done $0x0  }
0x91: {  	[sflag:s22] =	ssyncadd.s32 $0xFFFFCE80  }
0x92: {  	[spmem:s2] =	stream.indirect.scatter.add.f32 [tilespmem:s19], [sflag:$0x6], $0x90, s9, s15, $0xb8;
	[tilespmem:$0x1FC98] =	vst v63  }
0x93: {  	_ =	swait.ge [sflag:s21], $0x3180  }
0x94: {  	[sflag:s21] =	ssyncset.done $0x0  }
0x95: {  	[sflag:s21] =	ssyncadd.s32 $0xFFFFCE80  }
0x96: {  	_ =	swait.ge [sflag:s23], $0x3180  }
0x97: {  	[sflag:s23] =	ssyncset.done $0x0  }
0x98: {  	[sflag:s23] =	ssyncadd.s32 $0xFFFFCE80  }
0x99: {  	s10 =	simm.s32 $0x108;
	_ =	swait.ge [sflag:s24], $0x3180  }
0x9a: {  	s25 =	simm.s32 $0x84;
	s11 =	rddreg [dreg:$0x3];
	[sflag:s24] =	ssyncset.done $0x0  }
.LBB2_2:
0x9b: {  	[sflag:s24] =	ssyncadd.s32 $0xFFFFCE80;
	s11 =	sadd.s32 s25, s11  }
0x9c: {  	[tilespmem:s3], [sflag:$0x7] =	stream.linear.gather [hbm4b:s11+s3], $0x420, $0x38;
	[tilespmem:$0x1FC98] =	vst v63  }
0x9d: {  	_ =	swait.ge [sflag:s13], $0x420  }
0x9e: {  	s11 =	rddreg [dreg:$0x4];
	[sflag:s13] =	ssyncset.done $0x0  }
0x9f: {  	[sflag:s13] =	ssyncadd.s32 $0xFFFFFBE0;
	s11 =	sadd.s32 s25, s11  }
0xa0: {  	[tilespmem:s14], [sflag:$0x7] =	stream.linear.gather [hbm4b:s11+s3], $0x420, $0x38;
	[tilespmem:$0x1FC98] =	vst v63  }
0xa1: {  	_ =	swait.ge [sflag:s13], $0x420  }
0xa2: {  	[sflag:s13] =	ssyncset.done $0x0  }
0xa3: {  	[sflag:s13] =	ssyncadd.s32 $0xFFFFFBE0  }
0xa4: {  	[tilespmem:s16], [sflag:$0x1] =	stream.indirect.gather [hbm4b:s4+s15], $0x90, s3, s15, $0xb8;
	[tilespmem:$0x1FC98] =	vst v63  }
0xa5: {  	_ = 	snop  }
0xa6: {  	[tilespmem:s17], [sflag:$0x2] =	stream.indirect.gather [hbm4b:s4+s15], $0x90, s15, s15, $0xb8;
	[tilespmem:$0x1FC98] =	vst v63  }
0xa7: {  	_ =	swait.ge [sflag:s18], $0x3180  }
0xa8: {  	[sflag:s18] =	ssyncset.done $0x0  }
0xa9: {  	s12 =	smov.u32 s10;
	[sflag:s18] =	ssyncadd.s32 $0xFFFFCE80  }
0xaa: {  	[spmem:s2] =	stream.indirect.scatter.add.f32 [tilespmem:s16], [sflag:$0x4], $0x90, s14, s15, $0xb8;
	[tilespmem:$0x1FC98] =	vst v63  }
0xab: {  	s25 =	smov.u32 s12;
	s12 =	rddreg [dreg:$0x5]  }
0xac: {  	[tilespmem:s19], [sflag:$0x3] =	stream.indirect.gather [hbm4b:s4+s15], $0x90, s12, s15, $0xb8;
	[tilespmem:$0x1FC98] =	vst v63  }
0xad: {  	_ =	swait.ge [sflag:s20], $0x3180  }
0xae: {  	[sflag:s20] =	ssyncset.done $0x0  }
0xaf: {  	s12 =	rddreg [dreg:$0x6];
	[sflag:s20] =	ssyncadd.s32 $0xFFFFCE80  }
0xb0: {  	[spmem:s2] =	stream.indirect.scatter.add.f32 [tilespmem:s17], [sflag:$0x5], $0x90, s12, s15, $0xb8;
	[tilespmem:$0x1FC98] =	vst v63  }
0xb1: {  	_ =	swait.ge [sflag:s21], $0x3180  }
0xb2: {  	[sflag:s21] =	ssyncset.done $0x0  }
0xb3: {  	s12 =	rddreg [dreg:$0x7];
	[sflag:s21] =	ssyncadd.s32 $0xFFFFCE80  }
0xb4: {  	[tilespmem:s16], [sflag:$0x1] =	stream.indirect.gather [hbm4b:s4+s15], $0x90, s12, s15, $0xb8;
	[tilespmem:$0x1FC98] =	vst v63  }
0xb5: {  	_ =	swait.ge [sflag:s22], $0x3180  }
0xb6: {  	[sflag:s22] =	ssyncset.done $0x0  }
0xb7: {  	s12 =	rddreg [dreg:$0x8];
	[sflag:s22] =	ssyncadd.s32 $0xFFFFCE80  }
0xb8: {  	[spmem:s2] =	stream.indirect.scatter.add.f32 [tilespmem:s19], [sflag:$0x6], $0x90, s12, s15, $0xb8;
	[tilespmem:$0x1FC98] =	vst v63  }
0xb9: {  	_ =	swait.ge [sflag:s23], $0x3180  }
0xba: {  	[sflag:s23] =	ssyncset.done $0x0  }
0xbb: {  	s12 =	rddreg [dreg:$0x9];
	[sflag:s23] =	ssyncadd.s32 $0xFFFFCE80  }
0xbc: {  	[tilespmem:s17], [sflag:$0x2] =	stream.indirect.gather [hbm4b:s4+s15], $0x90, s12, s15, $0xb8;
	[tilespmem:$0x1FC98] =	vst v63  }
0xbd: {  	_ =	swait.ge [sflag:s18], $0x3180  }
0xbe: {  	[sflag:s18] =	ssyncset.done $0x0  }
0xbf: {  	s12 =	rddreg [dreg:$0xa];
	[sflag:s18] =	ssyncadd.s32 $0xFFFFCE80  }
0xc0: {  	[spmem:s2] =	stream.indirect.scatter.add.f32 [tilespmem:s16], [sflag:$0x4], $0x90, s12, s15, $0xb8;
	[tilespmem:$0x1FC98] =	vst v63  }
0xc1: {  	_ =	swait.ge [sflag:s24], $0x3180  }
0xc2: {  	[sflag:s24] =	ssyncset.done $0x0  }
0xc3: {  	s12 =	rddreg [dreg:$0xb];
	[sflag:s24] =	ssyncadd.s32 $0xFFFFCE80  }
0xc4: {  	[tilespmem:s19], [sflag:$0x3] =	stream.indirect.gather [hbm4b:s4+s15], $0x90, s12, s15, $0xb8;
	[tilespmem:$0x1FC98] =	vst v63  }
0xc5: {  	_ =	swait.ge [sflag:s20], $0x3180  }
0xc6: {  	[sflag:s20] =	ssyncset.done $0x0  }
0xc7: {  	s12 =	rddreg [dreg:$0xc];
	[sflag:s20] =	ssyncadd.s32 $0xFFFFCE80  }
0xc8: {  	[spmem:s2] =	stream.indirect.scatter.add.f32 [tilespmem:s17], [sflag:$0x5], $0x90, s12, s15, $0xb8;
	[tilespmem:$0x1FC98] =	vst v63  }
0xc9: {  	_ =	swait.ge [sflag:s21], $0x3180  }
0xca: {  	[sflag:s21] =	ssyncset.done $0x0  }
0xcb: {  	s12 =	rddreg [dreg:$0xd];
	[sflag:s21] =	ssyncadd.s32 $0xFFFFCE80  }
0xcc: {  	[tilespmem:s16], [sflag:$0x1] =	stream.indirect.gather [hbm4b:s4+s15], $0x90, s12, s15, $0xb8;
	[tilespmem:$0x1FC98] =	vst v63  }
0xcd: {  	_ =	swait.ge [sflag:s22], $0x3180  }
0xce: {  	[sflag:s22] =	ssyncset.done $0x0  }
0xcf: {  	[sflag:s22] =	ssyncadd.s32 $0xFFFFCE80  }
0xd0: {  	[spmem:s2] =	stream.indirect.scatter.add.f32 [tilespmem:s19], [sflag:$0x6], $0x90, s26, s15, $0xb8;
	[tilespmem:$0x1FC98] =	vst v63  }
0xd1: {  	_ =	swait.ge [sflag:s23], $0x3180  }
0xd2: {  	[sflag:s23] =	ssyncset.done $0x0  }
0xd3: {  	[sflag:s23] =	ssyncadd.s32 $0xFFFFCE80  }
0xd4: {  	[tilespmem:s17], [sflag:$0x2] =	stream.indirect.gather [hbm4b:s4+s15], $0x90, s28, s15, $0xb8;
	[tilespmem:$0x1FC98] =	vst v63  }
0xd5: {  	_ =	swait.ge [sflag:s18], $0x3180  }
0xd6: {  	[sflag:s18] =	ssyncset.done $0x0  }
0xd7: {  	[sflag:s18] =	ssyncadd.s32 $0xFFFFCE80  }
0xd8: {  	[spmem:s2] =	stream.indirect.scatter.add.f32 [tilespmem:s16], [sflag:$0x4], $0x90, s29, s15, $0xb8;
	[tilespmem:$0x1FC98] =	vst v63  }
0xd9: {  	_ =	swait.ge [sflag:s24], $0x3180  }
0xda: {  	[sflag:s24] =	ssyncset.done $0x0  }
0xdb: {  	[sflag:s24] =	ssyncadd.s32 $0xFFFFCE80  }
0xdc: {  	[tilespmem:s19], [sflag:$0x3] =	stream.indirect.gather [hbm4b:s4+s15], $0x90, s30, s15, $0xb8;
	[tilespmem:$0x1FC98] =	vst v63  }
0xdd: {  	_ =	swait.ge [sflag:s20], $0x3180  }
0xde: {  	[sflag:s20] =	ssyncset.done $0x0  }
0xdf: {  	[sflag:s20] =	ssyncadd.s32 $0xFFFFCE80  }
0xe0: {  	[spmem:s2] =	stream.indirect.scatter.add.f32 [tilespmem:s17], [sflag:$0x5], $0x90, s31, s15, $0xb8;
	[tilespmem:$0x1FC98] =	vst v63  }
0xe1: {  	_ =	swait.ge [sflag:s21], $0x3180  }
0xe2: {  	[sflag:s21] =	ssyncset.done $0x0  }
0xe3: {  	[sflag:s21] =	ssyncadd.s32 $0xFFFFCE80  }
0xe4: {  	[tilespmem:s16], [sflag:$0x1] =	stream.indirect.gather [hbm4b:s4+s15], $0x90, s1, s15, $0xb8;
	[tilespmem:$0x1FC98] =	vst v63  }
0xe5: {  	_ =	swait.ge [sflag:s22], $0x3180  }
0xe6: {  	[sflag:s22] =	ssyncset.done $0x0  }
0xe7: {  	[sflag:s22] =	ssyncadd.s32 $0xFFFFCE80  }
0xe8: {  	[spmem:s2] =	stream.indirect.scatter.add.f32 [tilespmem:s19], [sflag:$0x6], $0x90, s0, s15, $0xb8;
	[tilespmem:$0x1FC98] =	vst v63  }
0xe9: {  	_ =	swait.ge [sflag:s23], $0x3180  }
0xea: {  	[sflag:s23] =	ssyncset.done $0x0  }
0xeb: {  	[sflag:s23] =	ssyncadd.s32 $0xFFFFCE80  }
0xec: {  	[tilespmem:s17], [sflag:$0x2] =	stream.indirect.gather [hbm4b:s4+s15], $0x90, s5, s15, $0xb8;
	[tilespmem:$0x1FC98] =	vst v63  }
0xed: {  	_ =	swait.ge [sflag:s18], $0x3180  }
0xee: {  	[sflag:s18] =	ssyncset.done $0x0  }
0xef: {  	[sflag:s18] =	ssyncadd.s32 $0xFFFFCE80  }
0xf0: {  	[spmem:s2] =	stream.indirect.scatter.add.f32 [tilespmem:s16], [sflag:$0x4], $0x90, s6, s15, $0xb8;
	[tilespmem:$0x1FC98] =	vst v63  }
0xf1: {  	_ =	swait.ge [sflag:s24], $0x3180  }
0xf2: {  	[sflag:s24] =	ssyncset.done $0x0  }
0xf3: {  	[sflag:s24] =	ssyncadd.s32 $0xFFFFCE80  }
0xf4: {  	[tilespmem:s19], [sflag:$0x3] =	stream.indirect.gather [hbm4b:s4+s15], $0x90, s7, s15, $0xb8;
	[tilespmem:$0x1FC98] =	vst v63  }
0xf5: {  	_ =	swait.ge [sflag:s20], $0x3180  }
0xf6: {  	[sflag:s20] =	ssyncset.done $0x0  }
0xf7: {  	[sflag:s20] =	ssyncadd.s32 $0xFFFFCE80  }
0xf8: {  	[spmem:s2] =	stream.indirect.scatter.add.f32 [tilespmem:s17], [sflag:$0x5], $0x90, s8, s15, $0xb8;
	[tilespmem:$0x1FC98] =	vst v63  }
0xf9: {  	_ =	swait.ge [sflag:s22], $0x3180  }
0xfa: {  	[sflag:s22] =	ssyncset.done $0x0  }
0xfb: {  	[sflag:s22] =	ssyncadd.s32 $0xFFFFCE80  }
0xfc: {  	[spmem:s2] =	stream.indirect.scatter.add.f32 [tilespmem:s19], [sflag:$0x6], $0x90, s9, s15, $0xb8;
	[tilespmem:$0x1FC98] =	vst v63  }
0xfd: {  	_ =	swait.ge [sflag:s21], $0x3180  }
0xfe: {  	[sflag:s21] =	ssyncset.done $0x0  }
0xff: {  	p1 =	sne.s32 s10, $0x948;
	[sflag:s21] =	ssyncadd.s32 $0xFFFFCE80  }
.Ltmp0:
0x100: {  	_ =	swait.ge [sflag:s23], $0x3180;
	(pc) =	sbr.rel @p1 .LBB2_2-.Ltmp0, $4  }
0x101: {  	[sflag:s23] =	ssyncset.done $0x0  }
0x102: {  	[sflag:s23] =	ssyncadd.s32 $0xFFFFCE80  }
0x103: {  	_ =	swait.ge [sflag:s24], $0x3180  }
0x104: {  	s10 =	sadd.s32 $0x84, s10;
	s11 =	rddreg [dreg:$0x3];
	[sflag:s24] =	ssyncset.done $0x0  }
0x105: {  	[sflag:s24] =	ssyncadd.s32 $0xFFFFCE80;
	s10 =	sadd.s32 s25, s11  }
0x106: {  	[tilespmem:s3], [sflag:$0x7] =	stream.linear.gather [hbm4b:s10+s3], $0x420, $0x38;
	[tilespmem:$0x1FC98] =	vst v63  }
0x107: {  	_ =	swait.ge [sflag:s13], $0x420  }
0x108: {  	s12 =	rddreg [dreg:$0x4];
	[sflag:s13] =	ssyncset.done $0x0  }
0x109: {  	s10 =	sadd.s32 s25, s12;
	[sflag:s13] =	ssyncadd.s32 $0xFFFFFBE0  }
0x10a: {  	[tilespmem:s14], [sflag:$0x7] =	stream.linear.gather [hbm4b:s10+s3], $0x420, $0x38;
	[tilespmem:$0x1FC98] =	vst v63  }
0x10b: {  	_ =	swait.ge [sflag:s13], $0x420  }
0x10c: {  	[sflag:s13] =	ssyncset.done $0x0  }
0x10d: {  	[sflag:s13] =	ssyncadd.s32 $0xFFFFFBE0  }
0x10e: {  	[tilespmem:s16], [sflag:$0x1] =	stream.indirect.gather [hbm4b:s4+s15], $0x90, s3, s15, $0xb8;
	[tilespmem:$0x1FC98] =	vst v63  }
0x10f: {  	_ = 	snop  }
0x110: {  	[tilespmem:s17], [sflag:$0x2] =	stream.indirect.gather [hbm4b:s4+s15], $0x90, s15, s15, $0xb8;
	[tilespmem:$0x1FC98] =	vst v63  }
0x111: {  	_ =	swait.ge [sflag:s18], $0x3180  }
0x112: {  	[sflag:s18] =	ssyncset.done $0x0  }
0x113: {  	[sflag:s18] =	ssyncadd.s32 $0xFFFFCE80  }
0x114: {  	[spmem:s2] =	stream.indirect.scatter.add.f32 [tilespmem:s16], [sflag:$0x4], $0x90, s14, s15, $0xb8;
	[tilespmem:$0x1FC98] =	vst v63  }
0x115: {  	s11 =	rddreg [dreg:$0x5]  }
0x116: {  	[tilespmem:s19], [sflag:$0x3] =	stream.indirect.gather [hbm4b:s4+s15], $0x90, s11, s15, $0xb8;
	[tilespmem:$0x1FC98] =	vst v63  }
0x117: {  	_ =	swait.ge [sflag:s20], $0x3180  }
0x118: {  	[sflag:s20] =	ssyncset.done $0x0  }
0x119: {  	s12 =	rddreg [dreg:$0x6];
	[sflag:s20] =	ssyncadd.s32 $0xFFFFCE80  }
0x11a: {  	[spmem:s2] =	stream.indirect.scatter.add.f32 [tilespmem:s17], [sflag:$0x5], $0x90, s12, s15, $0xb8;
	[tilespmem:$0x1FC98] =	vst v63  }
0x11b: {  	_ =	swait.ge [sflag:s21], $0x3180  }
0x11c: {  	[sflag:s21] =	ssyncset.done $0x0  }
0x11d: {  	s25 =	rddreg [dreg:$0x7];
	[sflag:s21] =	ssyncadd.s32 $0xFFFFCE80  }
0x11e: {  	[tilespmem:s16], [sflag:$0x1] =	stream.indirect.gather [hbm4b:s4+s15], $0x90, s25, s15, $0xb8;
	[tilespmem:$0x1FC98] =	vst v63  }
0x11f: {  	_ =	swait.ge [sflag:s22], $0x3180  }
0x120: {  	[sflag:s22] =	ssyncset.done $0x0  }
0x121: {  	s11 =	rddreg [dreg:$0x8];
	[sflag:s22] =	ssyncadd.s32 $0xFFFFCE80  }
0x122: {  	[spmem:s2] =	stream.indirect.scatter.add.f32 [tilespmem:s19], [sflag:$0x6], $0x90, s11, s15, $0xb8;
	[tilespmem:$0x1FC98] =	vst v63  }
0x123: {  	_ =	swait.ge [sflag:s23], $0x3180  }
0x124: {  	[sflag:s23] =	ssyncset.done $0x0  }
0x125: {  	s12 =	rddreg [dreg:$0x9];
	[sflag:s23] =	ssyncadd.s32 $0xFFFFCE80  }
0x126: {  	[tilespmem:s17], [sflag:$0x2] =	stream.indirect.gather [hbm4b:s4+s15], $0x90, s12, s15, $0xb8;
	[tilespmem:$0x1FC98] =	vst v63  }
0x127: {  	_ =	swait.ge [sflag:s18], $0x3180  }
0x128: {  	[sflag:s18] =	ssyncset.done $0x0  }
0x129: {  	s25 =	rddreg [dreg:$0xa];
	[sflag:s18] =	ssyncadd.s32 $0xFFFFCE80  }
0x12a: {  	[spmem:s2] =	stream.indirect.scatter.add.f32 [tilespmem:s16], [sflag:$0x4], $0x90, s25, s15, $0xb8;
	[tilespmem:$0x1FC98] =	vst v63  }
0x12b: {  	_ =	swait.ge [sflag:s24], $0x3180  }
0x12c: {  	[sflag:s24] =	ssyncset.done $0x0  }
0x12d: {  	s11 =	rddreg [dreg:$0xb];
	[sflag:s24] =	ssyncadd.s32 $0xFFFFCE80  }
0x12e: {  	[tilespmem:s19], [sflag:$0x3] =	stream.indirect.gather [hbm4b:s4+s15], $0x90, s11, s15, $0xb8;
	[tilespmem:$0x1FC98] =	vst v63  }
0x12f: {  	_ =	swait.ge [sflag:s20], $0x3180  }
0x130: {  	[sflag:s20] =	ssyncset.done $0x0  }
0x131: {  	s12 =	rddreg [dreg:$0xc];
	[sflag:s20] =	ssyncadd.s32 $0xFFFFCE80  }
0x132: {  	[spmem:s2] =	stream.indirect.scatter.add.f32 [tilespmem:s17], [sflag:$0x5], $0x90, s12, s15, $0xb8;
	[tilespmem:$0x1FC98] =	vst v63  }
0x133: {  	_ =	swait.ge [sflag:s21], $0x3180  }
0x134: {  	[sflag:s21] =	ssyncset.done $0x0  }
0x135: {  	s25 =	rddreg [dreg:$0xd];
	[sflag:s21] =	ssyncadd.s32 $0xFFFFCE80  }
0x136: {  	[tilespmem:s16], [sflag:$0x1] =	stream.indirect.gather [hbm4b:s4+s15], $0x90, s25, s15, $0xb8;
	[tilespmem:$0x1FC98] =	vst v63  }
0x137: {  	_ =	swait.ge [sflag:s22], $0x3180  }
0x138: {  	[sflag:s22] =	ssyncset.done $0x0  }
0x139: {  	[sflag:s22] =	ssyncadd.s32 $0xFFFFCE80  }
0x13a: {  	[spmem:s2] =	stream.indirect.scatter.add.f32 [tilespmem:s19], [sflag:$0x6], $0x90, s26, s15, $0xb8;
	[tilespmem:$0x1FC98] =	vst v63  }
0x13b: {  	_ =	swait.ge [sflag:s23], $0x3180  }
0x13c: {  	[sflag:s23] =	ssyncset.done $0x0  }
0x13d: {  	[sflag:s23] =	ssyncadd.s32 $0xFFFFCE80  }
0x13e: {  	[tilespmem:s17], [sflag:$0x2] =	stream.indirect.gather [hbm4b:s4+s15], $0x90, s28, s15, $0xb8;
	[tilespmem:$0x1FC98] =	vst v63  }
0x13f: {  	_ =	swait.ge [sflag:s18], $0x3180  }
0x140: {  	[sflag:s18] =	ssyncset.done $0x0  }
0x141: {  	[sflag:s18] =	ssyncadd.s32 $0xFFFFCE80  }
0x142: {  	[spmem:s2] =	stream.indirect.scatter.add.f32 [tilespmem:s16], [sflag:$0x4], $0x90, s29, s15, $0xb8;
	[tilespmem:$0x1FC98] =	vst v63  }
0x143: {  	_ =	swait.ge [sflag:s24], $0x3180  }
0x144: {  	[sflag:s24] =	ssyncset.done $0x0  }
0x145: {  	[sflag:s24] =	ssyncadd.s32 $0xFFFFCE80  }
0x146: {  	[tilespmem:s19], [sflag:$0x3] =	stream.indirect.gather [hbm4b:s4+s15], $0x90, s30, s15, $0xb8;
	[tilespmem:$0x1FC98] =	vst v63  }
0x147: {  	_ =	swait.ge [sflag:s20], $0x3180  }
0x148: {  	[sflag:s20] =	ssyncset.done $0x0  }
0x149: {  	[sflag:s20] =	ssyncadd.s32 $0xFFFFCE80  }
0x14a: {  	[spmem:s2] =	stream.indirect.scatter.add.f32 [tilespmem:s17], [sflag:$0x5], $0x90, s31, s15, $0xb8;
	[tilespmem:$0x1FC98] =	vst v63  }
0x14b: {  	_ =	swait.ge [sflag:s21], $0x3180  }
0x14c: {  	[sflag:s21] =	ssyncset.done $0x0  }
0x14d: {  	[sflag:s21] =	ssyncadd.s32 $0xFFFFCE80  }
0x14e: {  	[tilespmem:s16], [sflag:$0x1] =	stream.indirect.gather [hbm4b:s4+s15], $0x90, s1, s15, $0xb8;
	[tilespmem:$0x1FC98] =	vst v63  }
0x14f: {  	_ =	swait.ge [sflag:s22], $0x3180  }
0x150: {  	[sflag:s22] =	ssyncset.done $0x0  }
0x151: {  	[sflag:s22] =	ssyncadd.s32 $0xFFFFCE80  }
0x152: {  	[spmem:s2] =	stream.indirect.scatter.add.f32 [tilespmem:s19], [sflag:$0x6], $0x90, s0, s15, $0xb8;
	[tilespmem:$0x1FC98] =	vst v63  }
0x153: {  	_ =	swait.ge [sflag:s23], $0x3180  }
0x154: {  	[sflag:s23] =	ssyncset.done $0x0  }
0x155: {  	[sflag:s23] =	ssyncadd.s32 $0xFFFFCE80  }
0x156: {  	[tilespmem:s17], [sflag:$0x2] =	stream.indirect.gather [hbm4b:s4+s15], $0x90, s5, s15, $0xb8;
	[tilespmem:$0x1FC98] =	vst v63  }
0x157: {  	_ =	swait.ge [sflag:s18], $0x3180  }
0x158: {  	[sflag:s18] =	ssyncset.done $0x0  }
0x159: {  	[sflag:s18] =	ssyncadd.s32 $0xFFFFCE80  }
0x15a: {  	[spmem:s2] =	stream.indirect.scatter.add.f32 [tilespmem:s16], [sflag:$0x4], $0x90, s6, s15, $0xb8;
	[tilespmem:$0x1FC98] =	vst v63  }
0x15b: {  	_ =	swait.ge [sflag:s24], $0x3180  }
0x15c: {  	[sflag:s24] =	ssyncset.done $0x0  }
0x15d: {  	[sflag:s24] =	ssyncadd.s32 $0xFFFFCE80  }
0x15e: {  	[tilespmem:s19], [sflag:$0x3] =	stream.indirect.gather [hbm4b:s4+s15], $0x90, s7, s15, $0xb8;
	[tilespmem:$0x1FC98] =	vst v63  }
0x15f: {  	_ =	swait.ge [sflag:s20], $0x3180  }
0x160: {  	[sflag:s20] =	ssyncset.done $0x0  }
0x161: {  	[sflag:s20] =	ssyncadd.s32 $0xFFFFCE80  }
0x162: {  	[spmem:s2] =	stream.indirect.scatter.add.f32 [tilespmem:s17], [sflag:$0x5], $0x90, s8, s15, $0xb8;
	[tilespmem:$0x1FC98] =	vst v63  }
0x163: {  	_ =	swait.ge [sflag:s22], $0x3180  }
0x164: {  	[sflag:s22] =	ssyncset.done $0x0  }
0x165: {  	[sflag:s22] =	ssyncadd.s32 $0xFFFFCE80  }
0x166: {  	[spmem:s2] =	stream.indirect.scatter.add.f32 [tilespmem:s19], [sflag:$0x6], $0x90, s9, s15, $0xb8;
	[tilespmem:$0x1FC98] =	vst v63  }
0x167: {  	_ =	swait.ge [sflag:s21], $0x3180  }
0x168: {  	[sflag:s21] =	ssyncset.done $0x0  }
0x169: {  	[sflag:s21] =	ssyncadd.s32 $0xFFFFCE80  }
0x16a: {  	_ =	swait.ge [sflag:s23], $0x3180  }
0x16b: {  	[sflag:s23] =	ssyncset.done $0x0  }
0x16c: {  	[sflag:s23] =	ssyncadd.s32 $0xFFFFCE80  }
0x16d: {  	_ =	swait.ge [sflag:s24], $0x3180  }
0x16e: {  	[sflag:s24] =	ssyncset.done $0x0  }
0x16f: {  	[sflag:s24] =	ssyncadd.s32 $0xFFFFCE80  }
0x170: {  	[bflag:$0x0] =	sbarrier.arrive $0xFFFF  }
0x171: {  	s11 =	rddreg [dreg:$0x11]  }
0x172: {  	s10 =	simm.s32 @p0 $0x1FC7;
	s12 =	rddreg [dreg:$0x13]  }
0x173: {  	[hbm:s11], [sflag:s10] =	dma.local @p0 [spmem:s12], $0x2490  }
0x174: {  	s10 =	simm.s32 @p0 $0x7  }
0x175: {  	_ =	swait.ge @p0 [sflag:s10], $0x2490  }
0x176: {  	s25 =	rddreg [dreg:$0x14]  }
0x177: {  	[sflag:s10] =	ssyncset.done @p0 $0x0;
	s11 =	rddreg [dreg:$0x16]  }
0x178: {  	[sflag:s10] =	ssyncadd.s32 @p0 $0xFFFFDB70;
	s10 =	rddreg [dreg:$0x10]  }
0x179: {  	[hbm:s10], [sflag:s25] =	dma.local @!p0 [spmem:s11], $0x2C70  }
0x17a: {  	s11 =	simm.s32 @!p0 $0x7  }
0x17b: {  	_ =	swait.ge @!p0 [sflag:s11], $0x2C70  }
0x17c: {  	s10 =	rddreg [dreg:$0x17]  }
0x17d: {  	[sflag:s11] =	ssyncset.done @!p0 $0x0;
	s11 =	rddreg [dreg:$0x12];
	s10 =	sadd.s32 $0x1, s10  }
0x17e: {  	p1 =	sne.s32 s10, s11  }
.Ltmp1:
0x17f: {  	_ = 	snop;
	(pc) =	sbr.rel @p1 .LBB2_1-.Ltmp1, $3  }
0x180: {  	_ =	sdelay $0x1  }
0x181: {  	[dreg:$0x17] =	wrdreg s10;
	s10 =	simm.s32 @!p0 $0x7  }
0x182: {  	[sflag:s10] =	ssyncadd.s32 @!p0 $0xFFFFD390  }
0x183: {  	_ =	sfence.sel $0x180000  }
0x184: {  	[bflag:$0x0] =	sbarrier.arrive $0xFFFF  }
0x185: {  	_ =	strace $0x9000004A  }
0x186: {  	s0 =	stileid.u32;
	[bflag:$0x2] =	sbarrier.arrive $0xFFFF  }
0x187: {  	p0 =	sne.s32 s0, $0x0;
	s0 =	rddreg [dreg:$0x2]  }
0x188: {  	s0 =	sadd.s32 @!p0 $0x100000, s0  }
0x189: {  	[sflag:s0] =	ssyncadd.tile.s32 @!p0 $0x1;
	_ =	shalt  }
.Lfunc_end2:
_tile_overlayer_lowered:
.L_overlay_start_2:
0x18a: {  	(tag) =	ssettag $0x2  }
0x18b: {  	s0 =	rddreg [dreg:$0x0];
	s2 =	stileid.u32  }
0x18c: {  	s1 =	rddreg [dreg:$0x1];
	p0 =	sne.s32 s2, $0x0  }
0x18d: {  	s3 =	rddreg [dreg:$0x2];
	[bflag:$0x3] =	sbarrier.arrive $0xFFFF;
	s2 =	simm.s32 @!p0 $0x1C07  }
0x18e: {  	[timem:s3], [sflag:s2] =	dma.local @!p0 [hbm:s0], s1  }
0x18f: {  	s0 =	simm.s32 @!p0 $0x7  }
0x190: {  	_ =	swait.ge @!p0 [sflag:s0], s1  }
0x191: {  	s1 =	ssub.s32 @!p0 $0x0, s1;
	[sflag:s0] =	ssyncset.done @!p0 $0x0  }
0x192: {  	[sflag:s0] =	ssyncadd.s32 @!p0 s1  }
0x193: {  	[bflag:$0x3] =	sbarrier.arrive $0xFFFF  }
0x194: {  	_ =	shalt  }

// kernel: kernel.17.cloned.1.call-start
scs
__scs_entry_jumppad:
0x0: {  	(pc) =	sbr.rel $0x88, $3  }
0x1: {  	(tag) =	ssettag $0x0;
	lr =	simm.s32 $0x1  }
0x2: {  	[smem:$0x3F90] =	sst lr;
	_ =	strace $0xD0000000  }
0x3: {  	_ = 	snop  }
0x4: {  	_ = 	snop  }
0x5: {  	_ = 	snop  }
0x6: {  	_ = 	snop  }
0x7: {  	_ = 	snop  }
__scs_overlays_trampoline_lowered:
0x8: {  	[smem:$0x3F9F] =	sst s0  }
0x9: {  	[smem:$0x3FA0] =	sst s1  }
0xa: {  	[smem:$0x3FA1] =	sst s2  }
0xb: {  	[smem:$0x3FA2] =	sst s3  }
0xc: {  	[smem:$0x3FA3] =	sst s4  }
0xd: {  	[smem:$0x3FA4] =	sst s5  }
0xe: {  	[smem:$0x3FA5] =	sst s6  }
0xf: {  	[smem:$0x3FA6] =	sst s7  }
0x10: {  	[smem:$0x3FA7] =	sst s8  }
0x11: {  	[smem:$0x3FA8] =	sst s9;
	s0 =	simm.s32 @!p0 $0x0  }
0x12: {  	s1 =	sld [smem:$0x3F8E];
	s0 =	simm.s32 @p0 $0x1  }
0x13: {  	[smem:$0x3FA9] =	sst s0;
	s0 =	simm.s32 @!p1 $0x0  }
0x14: {  	s2 =	sld [smem:$0x3F8D];
	s0 =	simm.s32 @p1 $0x1  }
0x15: {  	[smem:$0x3FAA] =	sst s0;
	s0 =	simm.s32 @!p2 $0x0  }
0x16: {  	s3 =	sld [smem:$0x3FDB];
	s0 =	simm.s32 @p2 $0x1  }
0x17: {  	s4 =	simm.s32 $0x1BF5;
	[smem:$0x3FAC] =	sst s0  }
0x18: {  	s0 =	sld [smem:$0x3F8F];
	_ =	swait.ge [sflag:s4], $0x0  }
0x19: {  	s7 =	sld [smem:$0x3F90]  }
0x1a: {  	s8 =	sadd.s32 $0xFFFFE003, lr  }
0x1b: {  	s9 =	sadd.s32 $0xFFFFFEF7, lr;
	s5 =	simm.s32 $0xFFFFFFFF;
	p2 =	slt.u32 s8, $0xFFFFF086  }
0x1c: {  	p1 =	slt.u32 s9, $0xF7A;
	s5 =	simm.s32 @!p2 $0x0  }
0x1d: {  	s5 =	simm.s32 @p1 $0x1;
	p0 =	seq.s32 s7, s2  }
0x1e: {  	s7 =	smul.u32 @!p0 $0xF7A, s2;
	p2 =	seq.s32 @!p0 s5, $0x0  }
0x1f: {  	s9 =	smul.u32 $0xF7A, s1;
	s8 =	simm.s32 @!p0 $0x1BF5;
	p2 =	por !p2, p0  }
0x20: {  	[sflag:s8] =	ssyncset.s32 @!p0 $0xFFFFF086;
	s6 =	sadd.s32 @!p0 s3, s7;
	s7 =	simm.s32 @!p0 $0x108  }
0x21: {  	s3 =	sadd.s32 s3, s9;
	s6 =	sadd.s32 @!p0 $0x88, s6;
	s7 =	simm.s32 @p2 $0x1082  }
0x22: {  	[simem:s7], [sflag:s8] =	dma.local @!p0 [hbm:s6], $0xF7A  }
0x23: {  	s9 =	sor.u32 $0xD0000000, s2;
	s6 =	simm.s32 $0x108;
	_ =	swait.ge @!p0 [sflag:s8], $0x0  }
0x24: {  	s3 =	sadd.s32 $0x88, s3;
	s6 =	simm.s32 @!p1 $0x1082;
	[sflag:s4] =	ssyncset.s32 $0xFFFFF086  }
0x25: {  	[simem:s6], [sflag:s4] =	dma.local [hbm:s3], $0xF7A  }
0x26: {  	[smem:$0x3F90] =	sst s1;
	(tag) =	ssettag s2;
	_ =	strace s9  }
0x27: {  	s1 =	sld [smem:$0x3FA0]  }
0x28: {  	s2 =	sld [smem:$0x3FA1]  }
0x29: {  	s4 =	sld [smem:$0x3FA3]  }
0x2a: {  	p0 =	seq.s32 s5, $0x0;
	s5 =	sld [smem:$0x3FA4]  }
0x2b: {  	s6 =	sld [smem:$0x3FA5]  }
0x2c: {  	s7 =	sld [smem:$0x3FA6]  }
0x2d: {  	s3 =	simm.s32 $0x108;
	s8 =	sld [smem:$0x3FA7]  }
0x2e: {  	s3 =	simm.s32 @!p0 $0x1082;
	s9 =	sld [smem:$0x3FA8]  }
0x2f: {  	lr =	sadd.s32 s0, s3;
	s0 =	sld [smem:$0x3F9F]  }
0x30: {  	s3 =	sld [smem:$0x3FA2]  }
0x31: {  	[smem:$0x3FAB] =	sst s10  }
0x32: {  	s10 =	sld [smem:$0x3FA9];
	_ =	sdelay $0x3  }
0x33: {  	p0 =	seq.s32 s10, $0x1;
	s10 =	sld [smem:$0x3FAB];
	_ =	sdelay $0x3  }
0x34: {  	[smem:$0x3FAB] =	sst s10  }
0x35: {  	s10 =	sld [smem:$0x3FAA];
	_ =	sdelay $0x3  }
0x36: {  	p1 =	seq.s32 s10, $0x1;
	s10 =	sld [smem:$0x3FAB];
	_ =	sdelay $0x3  }
0x37: {  	[smem:$0x3FAB] =	sst s10  }
0x38: {  	s10 =	sld [smem:$0x3FAC]  }
0x39: {  	_ = 	snop;
	(pc) =	sbr.ind lr, $3  }
0x3a: {  	_ = 	snop  }
0x3b: {  	_ = 	snop  }
0x3c: {  	p2 =	seq.s32 s10, $0x1;
	s10 =	sld [smem:$0x3FAB]  }
0x3d: {  	_ =	shalt  }
0x3e: {  	_ =	shalt  }
0x3f: {  	_ =	shalt  }
0x40: {  	_ =	shalt  }
0x41: {  	_ =	shalt  }
0x42: {  	_ =	shalt  }
0x43: {  	_ =	shalt  }
0x44: {  	_ =	shalt  }
0x45: {  	_ =	shalt  }
0x46: {  	_ =	shalt  }
0x47: {  	_ =	shalt  }
0x48: {  	_ =	shalt  }
0x49: {  	_ =	shalt  }
0x4a: {  	_ =	shalt  }
0x4b: {  	_ =	shalt  }
0x4c: {  	_ =	shalt  }
0x4d: {  	_ =	shalt  }
0x4e: {  	_ =	shalt  }
0x4f: {  	_ =	shalt  }
0x50: {  	_ =	shalt  }
0x51: {  	_ =	shalt  }
0x52: {  	_ =	shalt  }
0x53: {  	_ =	shalt  }
0x54: {  	_ =	shalt  }
0x55: {  	_ =	shalt  }
0x56: {  	_ =	shalt  }
0x57: {  	_ =	shalt  }
0x58: {  	_ =	shalt  }
0x59: {  	_ =	shalt  }
0x5a: {  	_ =	shalt  }
0x5b: {  	_ =	shalt  }
0x5c: {  	_ =	shalt  }
0x5d: {  	_ =	shalt  }
0x5e: {  	_ =	shalt  }
0x5f: {  	_ =	shalt  }
0x60: {  	_ =	shalt  }
0x61: {  	_ =	shalt  }
0x62: {  	_ =	shalt  }
0x63: {  	_ =	shalt  }
0x64: {  	_ =	shalt  }
0x65: {  	_ =	shalt  }
0x66: {  	_ =	shalt  }
0x67: {  	_ =	shalt  }
0x68: {  	_ =	shalt  }
0x69: {  	_ =	shalt  }
0x6a: {  	_ =	shalt  }
0x6b: {  	_ =	shalt  }
0x6c: {  	_ =	shalt  }
0x6d: {  	_ =	shalt  }
0x6e: {  	_ =	shalt  }
0x6f: {  	_ =	shalt  }
0x70: {  	_ =	shalt  }
0x71: {  	_ =	shalt  }
0x72: {  	_ =	shalt  }
0x73: {  	_ =	shalt  }
0x74: {  	_ =	shalt  }
0x75: {  	_ =	shalt  }
0x76: {  	_ =	shalt  }
0x77: {  	_ =	shalt  }
0x78: {  	_ =	shalt  }
0x79: {  	_ =	shalt  }
0x7a: {  	_ =	shalt  }
0x7b: {  	_ =	shalt  }
0x7c: {  	_ =	shalt  }
0x7d: {  	_ =	shalt  }
0x7e: {  	_ =	shalt  }
0x7f: {  	_ =	shalt  }
0x80: {  	_ =	shalt  }
0x81: {  	_ =	shalt  }
0x82: {  	_ =	shalt  }
0x83: {  	_ =	shalt  }
0x84: {  	_ =	shalt  }
0x85: {  	_ =	shalt  }
0x86: {  	_ =	shalt  }
0x87: {  	_ =	shalt  }
.Lfunc_end0:
.L_simem_size_0:
called_computation.2_lowered:
.L_overlay_start_0:
0x88: {  	s2 =	sld [smem:$0x3FD9]  }
0x89: {  	s3 =	sld [smem:$0x3FFE];
	_ =	sdelay $0x1  }
0x8a: {  	s1 =	srdreg.scid  }
0x8b: {  	s0 =	sand.u32 $0x1, s1  }
0x8c: {  	s16 =	sshll.u32 s0, $0xA;
	s2 =	sadd.s32 s3, s2  }
0x8d: {  	s2 =	sadd.s32 s2, s16  }
0x8e: {  	[smem:$0x3FB7] =	sst s2  }
0x8f: {  	_ = 	snop  }
0x90: {  	(tm) =	ssettm $0x1  }
0x91: {  	s17 =	sld [smem:$0x3FFB];
	_ =	sdelay $0x3  }
0x92: {  	_ =	strace s17  }
0x93: {  	s2 =	sld [smem:$0x3FFC];
	_ =	sdelay $0x3  }
0x94: {  	_ =	strace s2  }
0x95: {  	s2 =	sld [smem:$0x3FFD];
	_ =	sdelay $0x3  }
0x96: {  	_ =	strace s2  }
0x97: {  	_ =	strace $0x8FFFFFFF  }
0x98: {  	s18 =	sld [smem:$0x3FDB];
	_ =	sdelay $0x1  }
0x99: {  	s19 =	simm.s32 $_scs_section_size  }
0x9a: {  	s4 =	simm.s32 $_size__tile_overlayer_lowered;
	s5 =	simm.s32 $_tile_overlayer_lowered  }
0x9b: {  	s22 =	simm.s32 $0x1BFF;
	s21 =	sshll.u32 s5, $0x1;
	s2 =	sadd.s32 s19, s18  }
0x9c: {  	s6 =	simm.s32 $0x0;
	s20 =	sshll.u32 s4, $0x1;
	s4 =	sadd.s32 s21, s2  }
0x9d: {  	[timem:s6], [sflag:s22] =	dma.local [hbm:s4], s20  }
0x9e: {  	_ =	swait.ge [sflag:s22], s20  }
0x9f: {  	s3 =	ssub.s32 $0x0, s20;
	[sflag:s22] =	ssyncset.done $0x0  }
0xa0: {  	[sflag:s22] =	ssyncadd.s32 s3;
	_ =	sdelay $0x1  }
0xa1: {  	s23 =	simm.s32 $0x1B8B  }
0xa2: {  	_ =	swait.ge [sflag:s23], $0x1  }
0xa3: {  	[sflag:s23] =	ssyncset.done $0x0  }
0xa4: {  	s25 =	simm.s32 $0x1B8E;
	s24 =	sld [smem:$0x3FFE];
	[sflag:s23] =	ssyncadd.s32 $0xFFFFFFFF  }
0xa5: {  	s26 =	simm.s32 $execute0_lowered;
	[smem:$0x3FD2] =	sst s25  }
0xa6: {  	s4 =	sshll.u32 s26, $0x1;
	_ =	strace $0x8000004C;
	[dreg:$0x1] =	wrdreg $0xFFFFFFFF  }
0xa7: {  	s28 =	simm.s32 $_size_execute0_lowered;
	s2 =	sadd.s32 s2, s4;
	[dreg:$0x0] =	wrdreg $0x0  }
0xa8: {  	s4 =	sshll.u32 s28, $0x1;
	[dreg:$0x2] =	wrdreg s2  }
0xa9: {  	[dreg:$0x3] =	wrdreg s4  }
0xaa: {  	[dreg:$0x4] =	wrdreg $0xC0  }
0xab: {  	_ =	task [dreg:s6], $0x5FFFF  }
0xac: {  	[dreg:$0x1] =	wrdreg $0xFFFFFFFF  }
0xad: {  	[dreg:$0x0] =	wrdreg $0x60  }
0xae: {  	[dreg:$0x2] =	wrdreg s24  }
0xaf: {  	[dreg:$0x3] =	wrdreg $0x9CC00  }
0xb0: {  	[dreg:$0x4] =	wrdreg $0x9  }
0xb1: {  	_ =	task.clear_ibuf [dreg:s6], $0x5FFFF;
	_ =	strace $0x9000004C  }
0xb2: {  	s29 =	simm.s32 $0x9;
	_ =	strace $0x8000004E  }
0xb3: {  	_ =	swait.ge [sflag:s29], $0x1  }
0xb4: {  	[sflag:s29] =	ssyncadd.s32 $0xFFFFFFFF  }
0xb5: {  	_ =	strace $0x9000004E  }
0xb6: {  	_ =	sfence  }
0xb7: {  	s30 =	sld [smem:$0x0];
	_ =	sdelay $0x2  }
0xb8: {  	s31 =	sshll.u32 s1, $0xD;
	s1 =	sshrl.u32 s1, $0x2  }
0xb9: {  	s3 =	sand.u32 $0x4000, s31;
	s1 =	sadd.s32 s1, s30  }
0xba: {  	s0 =	sor.u32 s3, s0;
	s1 =	sshll.u32 s1, $0x11  }
0xbb: {  	s0 =	sor.u32 s1, s0  }
0xbc: {  	s0 =	sadd.s32 $0x8F2B, s0  }
0xbd: {  	[sflag:s0] =	ssyncadd.remote.s32 $0x1  }
0xbe: {  	_ =	sfence.sel $0xFFFF  }
0xbf: {  	[dreg:$0x0] =	wrdreg $0xFFFFFFFF;
	(pc) =	sbr.abs _section_cstart, $3  }
0xc0: {  	[dreg:$0x1] =	wrdreg $0xFFFFFFFF  }
0xc1: {  	_ =	task.clear_ibuf [dreg:s6], $0x2FFFF;
	_ =	strace $0x9FFFFFFF  }
0xc2: {  	(tm) =	ssettm $0x7FFFFFFF  }
0xc3: {  	_ =	shalt  }
tec
execute0_lowered:
.L_overlay_start_1:
0x0: {  	(tag) =	ssettag $0x1  }
0x1: {  	s0 =	srdreg.scid  }
0x2: {  	s1 =	rddreg [dreg:$0x0];
	s14 =	stileid.u32  }
0x3: {  	s2 =	rddreg [dreg:$0x1];
	s3 =	simm.s32 $0x0;
	s23 =	simm.s32 $0xB0  }
0x4: {  	s24 =	simm.s32 $0x478;
	s15 =	simm.s32 $0x58;
	s5 =	smul.u32 $0x4E60, s14  }
0x5: {  	s26 =	simm.s32 $0x108;
	s16 =	simm.s32 $0x840;
	s17 =	smul.u32 $0x9CC, s14  }
0x6: {  	s28 =	simm.s32 $0x268;
	s29 =	simm.s32 $0x630;
	s7 =	smul.u32 $0x16380, s14  }
0x7: {  	s30 =	simm.s32 $0x2C0;
	s31 =	simm.s32 $0x688;
	s12 =	smul.u32 $0x2C70, s14  }
0x8: {  	s0 =	sand.u32 $0x1, s0;
	[smem:$0x7FF] =	sst s3;
	s18 =	smul.u32 $0x58E00, s14  }
0x9: {  	s13 =	sadd.s32 $0x1DDA00, s1;
	p0 =	seq.s32 s14, $0xF;
	s4 =	smul.u32 $0x4E600, s0  }
0xa: {  	_ =	strace $0x8000004D;
	s10 =	smul.u32 $0x2BF20, s0;
	[dreg:$0x5] =	wrdreg s23  }
0xb: {  	s9 =	ssub.s32 $0x2, s0;
	s0 =	smul.u32 $0x15F900, s0;
	[dreg:$0x6] =	wrdreg s24  }
0xc: {  	[dreg:$0x7] =	wrdreg s26;
	s23 =	simm.s32 $0x5;
	s24 =	simm.s32 $0x6  }
0xd: {  	s26 =	simm.s32 $0x5D8;
	s8 =	sshrl.u32 s7, $0x3;
	s11 =	sshrl.u32 s9, $0x1  }
0xe: {  	s7 =	sadd.s32 s7, s2;
	s4 =	sadd.s32 s4, s5;
	s5 =	sadd.s32 s17, s1  }
0xf: {  	s8 =	sadd.s32 s8, s1;
	s9 =	ssub.s32 s9, s11;
	s11 =	sadd.s32 $0x14D480, s2  }
0x10: {  	s0 =	sshrl.u32 s0, $0x3;
	s19 =	sadd.s32 s12, s10;
	s10 =	simm.s32 $0x210  }
0x11: {  	s17 =	simm.s32 $0x39C0;
	s8 =	sadd.s32 $0x115600, s8;
	[dreg:$0xd] =	wrdreg s10  }
0x12: {  	s6 =	sshrl.u32 s4, $0x3;
	s20 =	smax.u32 s9, $0x1;
	[dreg:$0xe] =	wrdreg s8  }
0x13: {  	s4 =	sadd.s32 $0xBD600, s1;
	s22 =	sadd.s32 $0x17400, s5;
	[dreg:$0x12] =	wrdreg s20  }
0x14: {  	s0 =	sadd.s32 s13, s0;
	s9 =	simm.s32 $0x580;
	[dreg:$0x4] =	wrdreg s22  }
0x15: {  	s12 =	sshrl.u32 @p0 s11, $0x3;
	s11 =	simm.s32 $0x0;
	[dreg:$0xc] =	wrdreg s9  }
0x16: {  	s5 =	sshll.u32 @!p0 s14, $0x6;
	s14 =	simm.s32 $0x420;
	[dreg:$0x17] =	wrdreg s11  }
0x17: {  	s6 =	sadd.s32 s6, s1;
	s1 =	sadd.s32 $0x13F090, s1;
	[dreg:$0x13] =	wrdreg s12  }
0x18: {  	s8 =	sshrl.u32 s18, $0x2;
	s0 =	sadd.s32 $0x29A90, s0;
	[dreg:$0xf] =	wrdreg s1  }
0x19: {  	s25 =	sor.u32 @!p0 $0x1C07, s5;
	s5 =	simm.s32 $0x4D0;
	[dreg:$0x11] =	wrdreg s0  }
0x1a: {  	s18 =	simm.s32 $0x1;
	s20 =	simm.s32 $0x2;
	[dreg:$0x8] =	wrdreg s5  }
0x1b: {  	s22 =	simm.s32 $0x3;
	s1 =	sadd.s32 s13, s19;
	[dreg:$0x14] =	wrdreg s25  }
0x1c: {  	s9 =	simm.s32 $0x7E8;
	s21 =	sadd.s32 $0x3A00, s6;
	[dreg:$0x10] =	wrdreg s1  }
0x1d: {  	s0 =	sshrl.u32 @!p0 s7, $0x3;
	s13 =	simm.s32 $0x7;
	[dreg:$0x3] =	wrdreg s21  }
0x1e: {  	s6 =	simm.s32 $0x160;
	s7 =	simm.s32 $0x528;
	[dreg:$0x15] =	wrdreg s0  }
0x1f: {  	s19 =	simm.s32 $0x6B40;
	s5 =	simm.s32 $0x370;
	[dreg:$0x9] =	wrdreg s6  }
0x20: {  	s1 =	sadd.s32 s8, s2;
	[dreg:$0xa] =	wrdreg s7;
	s8 =	simm.s32 $0x1B8  }
0x21: {  	s21 =	simm.s32 $0x4;
	s6 =	simm.s32 $0x738;
	s7 =	simm.s32 $0x3C8  }
0x22: {  	[dreg:$0xb] =	wrdreg s8;
	s0 =	sshrl.u32 @!p0 s1, $0x3;
	s1 =	simm.s32 $0x318  }
0x23: {  	s8 =	simm.s32 $0x790;
	[dreg:$0x16] =	wrdreg s0;
	s0 =	simm.s32 $0x6E0  }
.LBB2_1:
0x24: {  	s10 =	simm.s32 @p0 $0x1FC7;
	s11 =	rddreg [dreg:$0xf]  }
0x25: {  	[spmem:s12], [sflag:s10] =	dma.local @p0 [hbm:s11], $0x2490  }
0x26: {  	s10 =	simm.s32 @p0 $0x7  }
0x27: {  	_ =	swait.ge @p0 [sflag:s10], $0x2490  }
0x28: {  	[sflag:s10] =	ssyncset.done @p0 $0x0;
	s11 =	rddreg [dreg:$0x15]  }
0x29: {  	[sflag:s10] =	ssyncadd.s32 @p0 $0xFFFFDB70;
	s10 =	rddreg [dreg:$0xe]  }
0x2a: {  	[spmem:s11], [sflag:s25] =	dma.local @!p0 [hbm:s10], $0x2C70  }
0x2b: {  	s10 =	simm.s32 @!p0 $0x7  }
0x2c: {  	_ =	swait.ge @!p0 [sflag:s10], $0x2C70  }
0x2d: {  	[sflag:s10] =	ssyncset.done @!p0 $0x0  }
0x2e: {  	[sflag:s10] =	ssyncadd.s32 @!p0 $0xFFFFD390  }
0x2f: {  	[bflag:$0x0] =	sbarrier.arrive $0xFFFF  }
0x30: {  	s12 =	rddreg [dreg:$0x3]  }
0x31: {  	s10 =	sadd.s32 $0x0, s12  }
0x32: {  	[tilespmem:s3], [sflag:$0x7] =	stream.linear.gather [hbm4b:s10+s3], $0x420, $0x38;
	[tilespmem:$0x1FC98] =	vst v63  }
0x33: {  	_ =	swait.ge [sflag:s13], $0x420  }
0x34: {  	s25 =	rddreg [dreg:$0x4];
	[sflag:s13] =	ssyncset.done $0x0  }
0x35: {  	[sflag:s13] =	ssyncadd.s32 $0xFFFFFBE0;
	s10 =	sadd.s32 $0x0, s25  }
0x36: {  	[tilespmem:s14], [sflag:$0x7] =	stream.linear.gather [hbm4b:s10+s3], $0x420, $0x38;
	[tilespmem:$0x1FC98] =	vst v63  }
0x37: {  	_ =	swait.ge [sflag:s13], $0x420  }
0x38: {  	[sflag:s13] =	ssyncset.done $0x0  }
0x39: {  	[sflag:s13] =	ssyncadd.s32 $0xFFFFFBE0  }
0x3a: {  	[tilespmem:s16], [sflag:$0x1] =	stream.indirect.gather [hbm4b:s4+s15], $0x90, s3, s15, $0xb8;
	[tilespmem:$0x1FC98] =	vst v63  }
0x3b: {  	_ = 	snop  }
0x3c: {  	[tilespmem:s17], [sflag:$0x2] =	stream.indirect.gather [hbm4b:s4+s15], $0x90, s15, s15, $0xb8;
	[tilespmem:$0x1FC98] =	vst v63  }
0x3d: {  	_ =	swait.ge [sflag:s18], $0x3180  }
0x3e: {  	[sflag:s18] =	ssyncset.done $0x0  }
0x3f: {  	[sflag:s18] =	ssyncadd.s32 $0xFFFFCE80  }
0x40: {  	[spmem:s2] =	stream.indirect.scatter.add.f32 [tilespmem:s16], [sflag:$0x4], $0x90, s14, s15, $0xb8;
	[tilespmem:$0x1FC98] =	vst v63  }
0x41: {  	s11 =	rddreg [dreg:$0x5]  }
0x42: {  	[tilespmem:s19], [sflag:$0x3] =	stream.indirect.gather [hbm4b:s4+s15], $0x90, s11, s15, $0xb8;
	[tilespmem:$0x1FC98] =	vst v63  }
0x43: {  	_ =	swait.ge [sflag:s20], $0x3180  }
0x44: {  	[sflag:s20] =	ssyncset.done $0x0  }
0x45: {  	s12 =	rddreg [dreg:$0x6];
	[sflag:s20] =	ssyncadd.s32 $0xFFFFCE80  }
0x46: {  	[spmem:s2] =	stream.indirect.scatter.add.f32 [tilespmem:s17], [sflag:$0x5], $0x90, s12, s15, $0xb8;
	[tilespmem:$0x1FC98] =	vst v63  }
0x47: {  	_ =	swait.ge [sflag:s21], $0x3180  }
0x48: {  	[sflag:s21] =	ssyncset.done $0x0  }
0x49: {  	s25 =	rddreg [dreg:$0x7];
	[sflag:s21] =	ssyncadd.s32 $0xFFFFCE80  }
0x4a: {  	[tilespmem:s16], [sflag:$0x1] =	stream.indirect.gather [hbm4b:s4+s15], $0x90, s25, s15, $0xb8;
	[tilespmem:$0x1FC98] =	vst v63  }
0x4b: {  	_ =	swait.ge [sflag:s22], $0x3180  }
0x4c: {  	[sflag:s22] =	ssyncset.done $0x0  }
0x4d: {  	s11 =	rddreg [dreg:$0x8];
	[sflag:s22] =	ssyncadd.s32 $0xFFFFCE80  }
0x4e: {  	[spmem:s2] =	stream.indirect.scatter.add.f32 [tilespmem:s19], [sflag:$0x6], $0x90, s11, s15, $0xb8;
	[tilespmem:$0x1FC98] =	vst v63  }
0x4f: {  	_ =	swait.ge [sflag:s23], $0x3180  }
0x50: {  	[sflag:s23] =	ssyncset.done $0x0  }
0x51: {  	s12 =	rddreg [dreg:$0x9];
	[sflag:s23] =	ssyncadd.s32 $0xFFFFCE80  }
0x52: {  	[tilespmem:s17], [sflag:$0x2] =	stream.indirect.gather [hbm4b:s4+s15], $0x90, s12, s15, $0xb8;
	[tilespmem:$0x1FC98] =	vst v63  }
0x53: {  	_ =	swait.ge [sflag:s18], $0x3180  }
0x54: {  	[sflag:s18] =	ssyncset.done $0x0  }
0x55: {  	s25 =	rddreg [dreg:$0xa];
	[sflag:s18] =	ssyncadd.s32 $0xFFFFCE80  }
0x56: {  	[spmem:s2] =	stream.indirect.scatter.add.f32 [tilespmem:s16], [sflag:$0x4], $0x90, s25, s15, $0xb8;
	[tilespmem:$0x1FC98] =	vst v63  }
0x57: {  	_ =	swait.ge [sflag:s24], $0x3180  }
0x58: {  	[sflag:s24] =	ssyncset.done $0x0  }
0x59: {  	s11 =	rddreg [dreg:$0xb];
	[sflag:s24] =	ssyncadd.s32 $0xFFFFCE80  }
0x5a: {  	[tilespmem:s19], [sflag:$0x3] =	stream.indirect.gather [hbm4b:s4+s15], $0x90, s11, s15, $0xb8;
	[tilespmem:$0x1FC98] =	vst v63  }
0x5b: {  	_ =	swait.ge [sflag:s20], $0x3180  }
0x5c: {  	[sflag:s20] =	ssyncset.done $0x0  }
0x5d: {  	s12 =	rddreg [dreg:$0xc];
	[sflag:s20] =	ssyncadd.s32 $0xFFFFCE80  }
0x5e: {  	[spmem:s2] =	stream.indirect.scatter.add.f32 [tilespmem:s17], [sflag:$0x5], $0x90, s12, s15, $0xb8;
	[tilespmem:$0x1FC98] =	vst v63  }
0x5f: {  	_ =	swait.ge [sflag:s21], $0x3180  }
0x60: {  	[sflag:s21] =	ssyncset.done $0x0  }
0x61: {  	s25 =	rddreg [dreg:$0xd];
	[sflag:s21] =	ssyncadd.s32 $0xFFFFCE80  }
0x62: {  	[tilespmem:s16], [sflag:$0x1] =	stream.indirect.gather [hbm4b:s4+s15], $0x90, s25, s15, $0xb8;
	[tilespmem:$0x1FC98] =	vst v63  }
0x63: {  	_ =	swait.ge [sflag:s22], $0x3180  }
0x64: {  	[sflag:s22] =	ssyncset.done $0x0  }
0x65: {  	[sflag:s22] =	ssyncadd.s32 $0xFFFFCE80  }
0x66: {  	[spmem:s2] =	stream.indirect.scatter.add.f32 [tilespmem:s19], [sflag:$0x6], $0x90, s26, s15, $0xb8;
	[tilespmem:$0x1FC98] =	vst v63  }
0x67: {  	_ =	swait.ge [sflag:s23], $0x3180  }
0x68: {  	[sflag:s23] =	ssyncset.done $0x0  }
0x69: {  	[sflag:s23] =	ssyncadd.s32 $0xFFFFCE80  }
0x6a: {  	[tilespmem:s17], [sflag:$0x2] =	stream.indirect.gather [hbm4b:s4+s15], $0x90, s28, s15, $0xb8;
	[tilespmem:$0x1FC98] =	vst v63  }
0x6b: {  	_ =	swait.ge [sflag:s18], $0x3180  }
0x6c: {  	[sflag:s18] =	ssyncset.done $0x0  }
0x6d: {  	[sflag:s18] =	ssyncadd.s32 $0xFFFFCE80  }
0x6e: {  	[spmem:s2] =	stream.indirect.scatter.add.f32 [tilespmem:s16], [sflag:$0x4], $0x90, s29, s15, $0xb8;
	[tilespmem:$0x1FC98] =	vst v63  }
0x6f: {  	_ =	swait.ge [sflag:s24], $0x3180  }
0x70: {  	[sflag:s24] =	ssyncset.done $0x0  }
0x71: {  	[sflag:s24] =	ssyncadd.s32 $0xFFFFCE80  }
0x72: {  	[tilespmem:s19], [sflag:$0x3] =	stream.indirect.gather [hbm4b:s4+s15], $0x90, s30, s15, $0xb8;
	[tilespmem:$0x1FC98] =	vst v63  }
0x73: {  	_ =	swait.ge [sflag:s20], $0x3180  }
0x74: {  	[sflag:s20] =	ssyncset.done $0x0  }
0x75: {  	[sflag:s20] =	ssyncadd.s32 $0xFFFFCE80  }
0x76: {  	[spmem:s2] =	stream.indirect.scatter.add.f32 [tilespmem:s17], [sflag:$0x5], $0x90, s31, s15, $0xb8;
	[tilespmem:$0x1FC98] =	vst v63  }
0x77: {  	_ =	swait.ge [sflag:s21], $0x3180  }
0x78: {  	[sflag:s21] =	ssyncset.done $0x0  }
0x79: {  	[sflag:s21] =	ssyncadd.s32 $0xFFFFCE80  }
0x7a: {  	[tilespmem:s16], [sflag:$0x1] =	stream.indirect.gather [hbm4b:s4+s15], $0x90, s1, s15, $0xb8;
	[tilespmem:$0x1FC98] =	vst v63  }
0x7b: {  	_ =	swait.ge [sflag:s22], $0x3180  }
0x7c: {  	[sflag:s22] =	ssyncset.done $0x0  }
0x7d: {  	[sflag:s22] =	ssyncadd.s32 $0xFFFFCE80  }
0x7e: {  	[spmem:s2] =	stream.indirect.scatter.add.f32 [tilespmem:s19], [sflag:$0x6], $0x90, s0, s15, $0xb8;
	[tilespmem:$0x1FC98] =	vst v63  }
0x7f: {  	_ =	swait.ge [sflag:s23], $0x3180  }
0x80: {  	[sflag:s23] =	ssyncset.done $0x0  }
0x81: {  	[sflag:s23] =	ssyncadd.s32 $0xFFFFCE80  }
0x82: {  	[tilespmem:s17], [sflag:$0x2] =	stream.indirect.gather [hbm4b:s4+s15], $0x90, s5, s15, $0xb8;
	[tilespmem:$0x1FC98] =	vst v63  }
0x83: {  	_ =	swait.ge [sflag:s18], $0x3180  }
0x84: {  	[sflag:s18] =	ssyncset.done $0x0  }
0x85: {  	[sflag:s18] =	ssyncadd.s32 $0xFFFFCE80  }
0x86: {  	[spmem:s2] =	stream.indirect.scatter.add.f32 [tilespmem:s16], [sflag:$0x4], $0x90, s6, s15, $0xb8;
	[tilespmem:$0x1FC98] =	vst v63  }
0x87: {  	_ =	swait.ge [sflag:s24], $0x3180  }
0x88: {  	[sflag:s24] =	ssyncset.done $0x0  }
0x89: {  	[sflag:s24] =	ssyncadd.s32 $0xFFFFCE80  }
0x8a: {  	[tilespmem:s19], [sflag:$0x3] =	stream.indirect.gather [hbm4b:s4+s15], $0x90, s7, s15, $0xb8;
	[tilespmem:$0x1FC98] =	vst v63  }
0x8b: {  	_ =	swait.ge [sflag:s20], $0x3180  }
0x8c: {  	[sflag:s20] =	ssyncset.done $0x0  }
0x8d: {  	[sflag:s20] =	ssyncadd.s32 $0xFFFFCE80  }
0x8e: {  	[spmem:s2] =	stream.indirect.scatter.add.f32 [tilespmem:s17], [sflag:$0x5], $0x90, s8, s15, $0xb8;
	[tilespmem:$0x1FC98] =	vst v63  }
0x8f: {  	_ =	swait.ge [sflag:s22], $0x3180  }
0x90: {  	[sflag:s22] =	ssyncset.done $0x0  }
0x91: {  	[sflag:s22] =	ssyncadd.s32 $0xFFFFCE80  }
0x92: {  	[spmem:s2] =	stream.indirect.scatter.add.f32 [tilespmem:s19], [sflag:$0x6], $0x90, s9, s15, $0xb8;
	[tilespmem:$0x1FC98] =	vst v63  }
0x93: {  	_ =	swait.ge [sflag:s21], $0x3180  }
0x94: {  	[sflag:s21] =	ssyncset.done $0x0  }
0x95: {  	[sflag:s21] =	ssyncadd.s32 $0xFFFFCE80  }
0x96: {  	_ =	swait.ge [sflag:s23], $0x3180  }
0x97: {  	[sflag:s23] =	ssyncset.done $0x0  }
0x98: {  	[sflag:s23] =	ssyncadd.s32 $0xFFFFCE80  }
0x99: {  	s10 =	simm.s32 $0x108;
	_ =	swait.ge [sflag:s24], $0x3180  }
0x9a: {  	s25 =	simm.s32 $0x84;
	s11 =	rddreg [dreg:$0x3];
	[sflag:s24] =	ssyncset.done $0x0  }
.LBB2_2:
0x9b: {  	[sflag:s24] =	ssyncadd.s32 $0xFFFFCE80;
	s11 =	sadd.s32 s25, s11  }
0x9c: {  	[tilespmem:s3], [sflag:$0x7] =	stream.linear.gather [hbm4b:s11+s3], $0x420, $0x38;
	[tilespmem:$0x1FC98] =	vst v63  }
0x9d: {  	_ =	swait.ge [sflag:s13], $0x420  }
0x9e: {  	s11 =	rddreg [dreg:$0x4];
	[sflag:s13] =	ssyncset.done $0x0  }
0x9f: {  	[sflag:s13] =	ssyncadd.s32 $0xFFFFFBE0;
	s11 =	sadd.s32 s25, s11  }
0xa0: {  	[tilespmem:s14], [sflag:$0x7] =	stream.linear.gather [hbm4b:s11+s3], $0x420, $0x38;
	[tilespmem:$0x1FC98] =	vst v63  }
0xa1: {  	_ =	swait.ge [sflag:s13], $0x420  }
0xa2: {  	[sflag:s13] =	ssyncset.done $0x0  }
0xa3: {  	[sflag:s13] =	ssyncadd.s32 $0xFFFFFBE0  }
0xa4: {  	[tilespmem:s16], [sflag:$0x1] =	stream.indirect.gather [hbm4b:s4+s15], $0x90, s3, s15, $0xb8;
	[tilespmem:$0x1FC98] =	vst v63  }
0xa5: {  	_ = 	snop  }
0xa6: {  	[tilespmem:s17], [sflag:$0x2] =	stream.indirect.gather [hbm4b:s4+s15], $0x90, s15, s15, $0xb8;
	[tilespmem:$0x1FC98] =	vst v63  }
0xa7: {  	_ =	swait.ge [sflag:s18], $0x3180  }
0xa8: {  	[sflag:s18] =	ssyncset.done $0x0  }
0xa9: {  	s12 =	smov.u32 s10;
	[sflag:s18] =	ssyncadd.s32 $0xFFFFCE80  }
0xaa: {  	[spmem:s2] =	stream.indirect.scatter.add.f32 [tilespmem:s16], [sflag:$0x4], $0x90, s14, s15, $0xb8;
	[tilespmem:$0x1FC98] =	vst v63  }
0xab: {  	s25 =	smov.u32 s12;
	s12 =	rddreg [dreg:$0x5]  }
0xac: {  	[tilespmem:s19], [sflag:$0x3] =	stream.indirect.gather [hbm4b:s4+s15], $0x90, s12, s15, $0xb8;
	[tilespmem:$0x1FC98] =	vst v63  }
0xad: {  	_ =	swait.ge [sflag:s20], $0x3180  }
0xae: {  	[sflag:s20] =	ssyncset.done $0x0  }
0xaf: {  	s12 =	rddreg [dreg:$0x6];
	[sflag:s20] =	ssyncadd.s32 $0xFFFFCE80  }
0xb0: {  	[spmem:s2] =	stream.indirect.scatter.add.f32 [tilespmem:s17], [sflag:$0x5], $0x90, s12, s15, $0xb8;
	[tilespmem:$0x1FC98] =	vst v63  }
0xb1: {  	_ =	swait.ge [sflag:s21], $0x3180  }
0xb2: {  	[sflag:s21] =	ssyncset.done $0x0  }
0xb3: {  	s12 =	rddreg [dreg:$0x7];
	[sflag:s21] =	ssyncadd.s32 $0xFFFFCE80  }
0xb4: {  	[tilespmem:s16], [sflag:$0x1] =	stream.indirect.gather [hbm4b:s4+s15], $0x90, s12, s15, $0xb8;
	[tilespmem:$0x1FC98] =	vst v63  }
0xb5: {  	_ =	swait.ge [sflag:s22], $0x3180  }
0xb6: {  	[sflag:s22] =	ssyncset.done $0x0  }
0xb7: {  	s12 =	rddreg [dreg:$0x8];
	[sflag:s22] =	ssyncadd.s32 $0xFFFFCE80  }
0xb8: {  	[spmem:s2] =	stream.indirect.scatter.add.f32 [tilespmem:s19], [sflag:$0x6], $0x90, s12, s15, $0xb8;
	[tilespmem:$0x1FC98] =	vst v63  }
0xb9: {  	_ =	swait.ge [sflag:s23], $0x3180  }
0xba: {  	[sflag:s23] =	ssyncset.done $0x0  }
0xbb: {  	s12 =	rddreg [dreg:$0x9];
	[sflag:s23] =	ssyncadd.s32 $0xFFFFCE80  }
0xbc: {  	[tilespmem:s17], [sflag:$0x2] =	stream.indirect.gather [hbm4b:s4+s15], $0x90, s12, s15, $0xb8;
	[tilespmem:$0x1FC98] =	vst v63  }
0xbd: {  	_ =	swait.ge [sflag:s18], $0x3180  }
0xbe: {  	[sflag:s18] =	ssyncset.done $0x0  }
0xbf: {  	s12 =	rddreg [dreg:$0xa];
	[sflag:s18] =	ssyncadd.s32 $0xFFFFCE80  }
0xc0: {  	[spmem:s2] =	stream.indirect.scatter.add.f32 [tilespmem:s16], [sflag:$0x4], $0x90, s12, s15, $0xb8;
	[tilespmem:$0x1FC98] =	vst v63  }
0xc1: {  	_ =	swait.ge [sflag:s24], $0x3180  }
0xc2: {  	[sflag:s24] =	ssyncset.done $0x0  }
0xc3: {  	s12 =	rddreg [dreg:$0xb];
	[sflag:s24] =	ssyncadd.s32 $0xFFFFCE80  }
0xc4: {  	[tilespmem:s19], [sflag:$0x3] =	stream.indirect.gather [hbm4b:s4+s15], $0x90, s12, s15, $0xb8;
	[tilespmem:$0x1FC98] =	vst v63  }
0xc5: {  	_ =	swait.ge [sflag:s20], $0x3180  }
0xc6: {  	[sflag:s20] =	ssyncset.done $0x0  }
0xc7: {  	s12 =	rddreg [dreg:$0xc];
	[sflag:s20] =	ssyncadd.s32 $0xFFFFCE80  }
0xc8: {  	[spmem:s2] =	stream.indirect.scatter.add.f32 [tilespmem:s17], [sflag:$0x5], $0x90, s12, s15, $0xb8;
	[tilespmem:$0x1FC98] =	vst v63  }
0xc9: {  	_ =	swait.ge [sflag:s21], $0x3180  }
0xca: {  	[sflag:s21] =	ssyncset.done $0x0  }
0xcb: {  	s12 =	rddreg [dreg:$0xd];
	[sflag:s21] =	ssyncadd.s32 $0xFFFFCE80  }
0xcc: {  	[tilespmem:s16], [sflag:$0x1] =	stream.indirect.gather [hbm4b:s4+s15], $0x90, s12, s15, $0xb8;
	[tilespmem:$0x1FC98] =	vst v63  }
0xcd: {  	_ =	swait.ge [sflag:s22], $0x3180  }
0xce: {  	[sflag:s22] =	ssyncset.done $0x0  }
0xcf: {  	[sflag:s22] =	ssyncadd.s32 $0xFFFFCE80  }
0xd0: {  	[spmem:s2] =	stream.indirect.scatter.add.f32 [tilespmem:s19], [sflag:$0x6], $0x90, s26, s15, $0xb8;
	[tilespmem:$0x1FC98] =	vst v63  }
0xd1: {  	_ =	swait.ge [sflag:s23], $0x3180  }
0xd2: {  	[sflag:s23] =	ssyncset.done $0x0  }
0xd3: {  	[sflag:s23] =	ssyncadd.s32 $0xFFFFCE80  }
0xd4: {  	[tilespmem:s17], [sflag:$0x2] =	stream.indirect.gather [hbm4b:s4+s15], $0x90, s28, s15, $0xb8;
	[tilespmem:$0x1FC98] =	vst v63  }
0xd5: {  	_ =	swait.ge [sflag:s18], $0x3180  }
0xd6: {  	[sflag:s18] =	ssyncset.done $0x0  }
0xd7: {  	[sflag:s18] =	ssyncadd.s32 $0xFFFFCE80  }
0xd8: {  	[spmem:s2] =	stream.indirect.scatter.add.f32 [tilespmem:s16], [sflag:$0x4], $0x90, s29, s15, $0xb8;
	[tilespmem:$0x1FC98] =	vst v63  }
0xd9: {  	_ =	swait.ge [sflag:s24], $0x3180  }
0xda: {  	[sflag:s24] =	ssyncset.done $0x0  }
0xdb: {  	[sflag:s24] =	ssyncadd.s32 $0xFFFFCE80  }
0xdc: {  	[tilespmem:s19], [sflag:$0x3] =	stream.indirect.gather [hbm4b:s4+s15], $0x90, s30, s15, $0xb8;
	[tilespmem:$0x1FC98] =	vst v63  }
0xdd: {  	_ =	swait.ge [sflag:s20], $0x3180  }
0xde: {  	[sflag:s20] =	ssyncset.done $0x0  }
0xdf: {  	[sflag:s20] =	ssyncadd.s32 $0xFFFFCE80  }
0xe0: {  	[spmem:s2] =	stream.indirect.scatter.add.f32 [tilespmem:s17], [sflag:$0x5], $0x90, s31, s15, $0xb8;
	[tilespmem:$0x1FC98] =	vst v63  }
0xe1: {  	_ =	swait.ge [sflag:s21], $0x3180  }
0xe2: {  	[sflag:s21] =	ssyncset.done $0x0  }
0xe3: {  	[sflag:s21] =	ssyncadd.s32 $0xFFFFCE80  }
0xe4: {  	[tilespmem:s16], [sflag:$0x1] =	stream.indirect.gather [hbm4b:s4+s15], $0x90, s1, s15, $0xb8;
	[tilespmem:$0x1FC98] =	vst v63  }
0xe5: {  	_ =	swait.ge [sflag:s22], $0x3180  }
0xe6: {  	[sflag:s22] =	ssyncset.done $0x0  }
0xe7: {  	[sflag:s22] =	ssyncadd.s32 $0xFFFFCE80  }
0xe8: {  	[spmem:s2] =	stream.indirect.scatter.add.f32 [tilespmem:s19], [sflag:$0x6], $0x90, s0, s15, $0xb8;
	[tilespmem:$0x1FC98] =	vst v63  }
0xe9: {  	_ =	swait.ge [sflag:s23], $0x3180  }
0xea: {  	[sflag:s23] =	ssyncset.done $0x0  }
0xeb: {  	[sflag:s23] =	ssyncadd.s32 $0xFFFFCE80  }
0xec: {  	[tilespmem:s17], [sflag:$0x2] =	stream.indirect.gather [hbm4b:s4+s15], $0x90, s5, s15, $0xb8;
	[tilespmem:$0x1FC98] =	vst v63  }
0xed: {  	_ =	swait.ge [sflag:s18], $0x3180  }
0xee: {  	[sflag:s18] =	ssyncset.done $0x0  }
0xef: {  	[sflag:s18] =	ssyncadd.s32 $0xFFFFCE80  }
0xf0: {  	[spmem:s2] =	stream.indirect.scatter.add.f32 [tilespmem:s16], [sflag:$0x4], $0x90, s6, s15, $0xb8;
	[tilespmem:$0x1FC98] =	vst v63  }
0xf1: {  	_ =	swait.ge [sflag:s24], $0x3180  }
0xf2: {  	[sflag:s24] =	ssyncset.done $0x0  }
0xf3: {  	[sflag:s24] =	ssyncadd.s32 $0xFFFFCE80  }
0xf4: {  	[tilespmem:s19], [sflag:$0x3] =	stream.indirect.gather [hbm4b:s4+s15], $0x90, s7, s15, $0xb8;
	[tilespmem:$0x1FC98] =	vst v63  }
0xf5: {  	_ =	swait.ge [sflag:s20], $0x3180  }
0xf6: {  	[sflag:s20] =	ssyncset.done $0x0  }
0xf7: {  	[sflag:s20] =	ssyncadd.s32 $0xFFFFCE80  }
0xf8: {  	[spmem:s2] =	stream.indirect.scatter.add.f32 [tilespmem:s17], [sflag:$0x5], $0x90, s8, s15, $0xb8;
	[tilespmem:$0x1FC98] =	vst v63  }
0xf9: {  	_ =	swait.ge [sflag:s22], $0x3180  }
0xfa: {  	[sflag:s22] =	ssyncset.done $0x0  }
0xfb: {  	[sflag:s22] =	ssyncadd.s32 $0xFFFFCE80  }
0xfc: {  	[spmem:s2] =	stream.indirect.scatter.add.f32 [tilespmem:s19], [sflag:$0x6], $0x90, s9, s15, $0xb8;
	[tilespmem:$0x1FC98] =	vst v63  }
0xfd: {  	_ =	swait.ge [sflag:s21], $0x3180  }
0xfe: {  	[sflag:s21] =	ssyncset.done $0x0  }
0xff: {  	p1 =	sne.s32 s10, $0x948;
	[sflag:s21] =	ssyncadd.s32 $0xFFFFCE80  }
.Ltmp0:
0x100: {  	_ =	swait.ge [sflag:s23], $0x3180;
	(pc) =	sbr.rel @p1 .LBB2_2-.Ltmp0, $4  }
0x101: {  	[sflag:s23] =	ssyncset.done $0x0  }
0x102: {  	[sflag:s23] =	ssyncadd.s32 $0xFFFFCE80  }
0x103: {  	_ =	swait.ge [sflag:s24], $0x3180  }
0x104: {  	s10 =	sadd.s32 $0x84, s10;
	s11 =	rddreg [dreg:$0x3];
	[sflag:s24] =	ssyncset.done $0x0  }
0x105: {  	[sflag:s24] =	ssyncadd.s32 $0xFFFFCE80;
	s10 =	sadd.s32 s25, s11  }
0x106: {  	[tilespmem:s3], [sflag:$0x7] =	stream.linear.gather [hbm4b:s10+s3], $0x420, $0x38;
	[tilespmem:$0x1FC98] =	vst v63  }
0x107: {  	_ =	swait.ge [sflag:s13], $0x420  }
0x108: {  	s12 =	rddreg [dreg:$0x4];
	[sflag:s13] =	ssyncset.done $0x0  }
0x109: {  	s10 =	sadd.s32 s25, s12;
	[sflag:s13] =	ssyncadd.s32 $0xFFFFFBE0  }
0x10a: {  	[tilespmem:s14], [sflag:$0x7] =	stream.linear.gather [hbm4b:s10+s3], $0x420, $0x38;
	[tilespmem:$0x1FC98] =	vst v63  }
0x10b: {  	_ =	swait.ge [sflag:s13], $0x420  }
0x10c: {  	[sflag:s13] =	ssyncset.done $0x0  }
0x10d: {  	[sflag:s13] =	ssyncadd.s32 $0xFFFFFBE0  }
0x10e: {  	[tilespmem:s16], [sflag:$0x1] =	stream.indirect.gather [hbm4b:s4+s15], $0x90, s3, s15, $0xb8;
	[tilespmem:$0x1FC98] =	vst v63  }
0x10f: {  	_ = 	snop  }
0x110: {  	[tilespmem:s17], [sflag:$0x2] =	stream.indirect.gather [hbm4b:s4+s15], $0x90, s15, s15, $0xb8;
	[tilespmem:$0x1FC98] =	vst v63  }
0x111: {  	_ =	swait.ge [sflag:s18], $0x3180  }
0x112: {  	[sflag:s18] =	ssyncset.done $0x0  }
0x113: {  	[sflag:s18] =	ssyncadd.s32 $0xFFFFCE80  }
0x114: {  	[spmem:s2] =	stream.indirect.scatter.add.f32 [tilespmem:s16], [sflag:$0x4], $0x90, s14, s15, $0xb8;
	[tilespmem:$0x1FC98] =	vst v63  }
0x115: {  	s11 =	rddreg [dreg:$0x5]  }
0x116: {  	[tilespmem:s19], [sflag:$0x3] =	stream.indirect.gather [hbm4b:s4+s15], $0x90, s11, s15, $0xb8;
	[tilespmem:$0x1FC98] =	vst v63  }
0x117: {  	_ =	swait.ge [sflag:s20], $0x3180  }
0x118: {  	[sflag:s20] =	ssyncset.done $0x0  }
0x119: {  	s12 =	rddreg [dreg:$0x6];
	[sflag:s20] =	ssyncadd.s32 $0xFFFFCE80  }
0x11a: {  	[spmem:s2] =	stream.indirect.scatter.add.f32 [tilespmem:s17], [sflag:$0x5], $0x90, s12, s15, $0xb8;
	[tilespmem:$0x1FC98] =	vst v63  }
0x11b: {  	_ =	swait.ge [sflag:s21], $0x3180  }
0x11c: {  	[sflag:s21] =	ssyncset.done $0x0  }
0x11d: {  	s25 =	rddreg [dreg:$0x7];
	[sflag:s21] =	ssyncadd.s32 $0xFFFFCE80  }
0x11e: {  	[tilespmem:s16], [sflag:$0x1] =	stream.indirect.gather [hbm4b:s4+s15], $0x90, s25, s15, $0xb8;
	[tilespmem:$0x1FC98] =	vst v63  }
0x11f: {  	_ =	swait.ge [sflag:s22], $0x3180  }
0x120: {  	[sflag:s22] =	ssyncset.done $0x0  }
0x121: {  	s11 =	rddreg [dreg:$0x8];
	[sflag:s22] =	ssyncadd.s32 $0xFFFFCE80  }
0x122: {  	[spmem:s2] =	stream.indirect.scatter.add.f32 [tilespmem:s19], [sflag:$0x6], $0x90, s11, s15, $0xb8;
	[tilespmem:$0x1FC98] =	vst v63  }
0x123: {  	_ =	swait.ge [sflag:s23], $0x3180  }
0x124: {  	[sflag:s23] =	ssyncset.done $0x0  }
0x125: {  	s12 =	rddreg [dreg:$0x9];
	[sflag:s23] =	ssyncadd.s32 $0xFFFFCE80  }
0x126: {  	[tilespmem:s17], [sflag:$0x2] =	stream.indirect.gather [hbm4b:s4+s15], $0x90, s12, s15, $0xb8;
	[tilespmem:$0x1FC98] =	vst v63  }
0x127: {  	_ =	swait.ge [sflag:s18], $0x3180  }
0x128: {  	[sflag:s18] =	ssyncset.done $0x0  }
0x129: {  	s25 =	rddreg [dreg:$0xa];
	[sflag:s18] =	ssyncadd.s32 $0xFFFFCE80  }
0x12a: {  	[spmem:s2] =	stream.indirect.scatter.add.f32 [tilespmem:s16], [sflag:$0x4], $0x90, s25, s15, $0xb8;
	[tilespmem:$0x1FC98] =	vst v63  }
0x12b: {  	_ =	swait.ge [sflag:s24], $0x3180  }
0x12c: {  	[sflag:s24] =	ssyncset.done $0x0  }
0x12d: {  	s11 =	rddreg [dreg:$0xb];
	[sflag:s24] =	ssyncadd.s32 $0xFFFFCE80  }
0x12e: {  	[tilespmem:s19], [sflag:$0x3] =	stream.indirect.gather [hbm4b:s4+s15], $0x90, s11, s15, $0xb8;
	[tilespmem:$0x1FC98] =	vst v63  }
0x12f: {  	_ =	swait.ge [sflag:s20], $0x3180  }
0x130: {  	[sflag:s20] =	ssyncset.done $0x0  }
0x131: {  	s12 =	rddreg [dreg:$0xc];
	[sflag:s20] =	ssyncadd.s32 $0xFFFFCE80  }
0x132: {  	[spmem:s2] =	stream.indirect.scatter.add.f32 [tilespmem:s17], [sflag:$0x5], $0x90, s12, s15, $0xb8;
	[tilespmem:$0x1FC98] =	vst v63  }
0x133: {  	_ =	swait.ge [sflag:s21], $0x3180  }
0x134: {  	[sflag:s21] =	ssyncset.done $0x0  }
0x135: {  	s25 =	rddreg [dreg:$0xd];
	[sflag:s21] =	ssyncadd.s32 $0xFFFFCE80  }
0x136: {  	[tilespmem:s16], [sflag:$0x1] =	stream.indirect.gather [hbm4b:s4+s15], $0x90, s25, s15, $0xb8;
	[tilespmem:$0x1FC98] =	vst v63  }
0x137: {  	_ =	swait.ge [sflag:s22], $0x3180  }
0x138: {  	[sflag:s22] =	ssyncset.done $0x0  }
0x139: {  	[sflag:s22] =	ssyncadd.s32 $0xFFFFCE80  }
0x13a: {  	[spmem:s2] =	stream.indirect.scatter.add.f32 [tilespmem:s19], [sflag:$0x6], $0x90, s26, s15, $0xb8;
	[tilespmem:$0x1FC98] =	vst v63  }
0x13b: {  	_ =	swait.ge [sflag:s23], $0x3180  }
0x13c: {  	[sflag:s23] =	ssyncset.done $0x0  }
0x13d: {  	[sflag:s23] =	ssyncadd.s32 $0xFFFFCE80  }
0x13e: {  	[tilespmem:s17], [sflag:$0x2] =	stream.indirect.gather [hbm4b:s4+s15], $0x90, s28, s15, $0xb8;
	[tilespmem:$0x1FC98] =	vst v63  }
0x13f: {  	_ =	swait.ge [sflag:s18], $0x3180  }
0x140: {  	[sflag:s18] =	ssyncset.done $0x0  }
0x141: {  	[sflag:s18] =	ssyncadd.s32 $0xFFFFCE80  }
0x142: {  	[spmem:s2] =	stream.indirect.scatter.add.f32 [tilespmem:s16], [sflag:$0x4], $0x90, s29, s15, $0xb8;
	[tilespmem:$0x1FC98] =	vst v63  }
0x143: {  	_ =	swait.ge [sflag:s24], $0x3180  }
0x144: {  	[sflag:s24] =	ssyncset.done $0x0  }
0x145: {  	[sflag:s24] =	ssyncadd.s32 $0xFFFFCE80  }
0x146: {  	[tilespmem:s19], [sflag:$0x3] =	stream.indirect.gather [hbm4b:s4+s15], $0x90, s30, s15, $0xb8;
	[tilespmem:$0x1FC98] =	vst v63  }
0x147: {  	_ =	swait.ge [sflag:s20], $0x3180  }
0x148: {  	[sflag:s20] =	ssyncset.done $0x0  }
0x149: {  	[sflag:s20] =	ssyncadd.s32 $0xFFFFCE80  }
0x14a: {  	[spmem:s2] =	stream.indirect.scatter.add.f32 [tilespmem:s17], [sflag:$0x5], $0x90, s31, s15, $0xb8;
	[tilespmem:$0x1FC98] =	vst v63  }
0x14b: {  	_ =	swait.ge [sflag:s21], $0x3180  }
0x14c: {  	[sflag:s21] =	ssyncset.done $0x0  }
0x14d: {  	[sflag:s21] =	ssyncadd.s32 $0xFFFFCE80  }
0x14e: {  	[tilespmem:s16], [sflag:$0x1] =	stream.indirect.gather [hbm4b:s4+s15], $0x90, s1, s15, $0xb8;
	[tilespmem:$0x1FC98] =	vst v63  }
0x14f: {  	_ =	swait.ge [sflag:s22], $0x3180  }
0x150: {  	[sflag:s22] =	ssyncset.done $0x0  }
0x151: {  	[sflag:s22] =	ssyncadd.s32 $0xFFFFCE80  }
0x152: {  	[spmem:s2] =	stream.indirect.scatter.add.f32 [tilespmem:s19], [sflag:$0x6], $0x90, s0, s15, $0xb8;
	[tilespmem:$0x1FC98] =	vst v63  }
0x153: {  	_ =	swait.ge [sflag:s23], $0x3180  }
0x154: {  	[sflag:s23] =	ssyncset.done $0x0  }
0x155: {  	[sflag:s23] =	ssyncadd.s32 $0xFFFFCE80  }
0x156: {  	[tilespmem:s17], [sflag:$0x2] =	stream.indirect.gather [hbm4b:s4+s15], $0x90, s5, s15, $0xb8;
	[tilespmem:$0x1FC98] =	vst v63  }
0x157: {  	_ =	swait.ge [sflag:s18], $0x3180  }
0x158: {  	[sflag:s18] =	ssyncset.done $0x0  }
0x159: {  	[sflag:s18] =	ssyncadd.s32 $0xFFFFCE80  }
0x15a: {  	[spmem:s2] =	stream.indirect.scatter.add.f32 [tilespmem:s16], [sflag:$0x4], $0x90, s6, s15, $0xb8;
	[tilespmem:$0x1FC98] =	vst v63  }
0x15b: {  	_ =	swait.ge [sflag:s24], $0x3180  }
0x15c: {  	[sflag:s24] =	ssyncset.done $0x0  }
0x15d: {  	[sflag:s24] =	ssyncadd.s32 $0xFFFFCE80  }
0x15e: {  	[tilespmem:s19], [sflag:$0x3] =	stream.indirect.gather [hbm4b:s4+s15], $0x90, s7, s15, $0xb8;
	[tilespmem:$0x1FC98] =	vst v63  }
0x15f: {  	_ =	swait.ge [sflag:s20], $0x3180  }
0x160: {  	[sflag:s20] =	ssyncset.done $0x0  }
0x161: {  	[sflag:s20] =	ssyncadd.s32 $0xFFFFCE80  }
0x162: {  	[spmem:s2] =	stream.indirect.scatter.add.f32 [tilespmem:s17], [sflag:$0x5], $0x90, s8, s15, $0xb8;
	[tilespmem:$0x1FC98] =	vst v63  }
0x163: {  	_ =	swait.ge [sflag:s22], $0x3180  }
0x164: {  	[sflag:s22] =	ssyncset.done $0x0  }
0x165: {  	[sflag:s22] =	ssyncadd.s32 $0xFFFFCE80  }
0x166: {  	[spmem:s2] =	stream.indirect.scatter.add.f32 [tilespmem:s19], [sflag:$0x6], $0x90, s9, s15, $0xb8;
	[tilespmem:$0x1FC98] =	vst v63  }
0x167: {  	_ =	swait.ge [sflag:s21], $0x3180  }
0x168: {  	[sflag:s21] =	ssyncset.done $0x0  }
0x169: {  	[sflag:s21] =	ssyncadd.s32 $0xFFFFCE80  }
0x16a: {  	_ =	swait.ge [sflag:s23], $0x3180  }
0x16b: {  	[sflag:s23] =	ssyncset.done $0x0  }
0x16c: {  	[sflag:s23] =	ssyncadd.s32 $0xFFFFCE80  }
0x16d: {  	_ =	swait.ge [sflag:s24], $0x3180  }
0x16e: {  	[sflag:s24] =	ssyncset.done $0x0  }
0x16f: {  	[sflag:s24] =	ssyncadd.s32 $0xFFFFCE80  }
0x170: {  	[bflag:$0x0] =	sbarrier.arrive $0xFFFF  }
0x171: {  	s11 =	rddreg [dreg:$0x11]  }
0x172: {  	s10 =	simm.s32 @p0 $0x1FC7;
	s12 =	rddreg [dreg:$0x13]  }
0x173: {  	[hbm:s11], [sflag:s10] =	dma.local @p0 [spmem:s12], $0x2490  }
0x174: {  	s10 =	simm.s32 @p0 $0x7  }
0x175: {  	_ =	swait.ge @p0 [sflag:s10], $0x2490  }
0x176: {  	s25 =	rddreg [dreg:$0x14]  }
0x177: {  	[sflag:s10] =	ssyncset.done @p0 $0x0;
	s11 =	rddreg [dreg:$0x16]  }
0x178: {  	[sflag:s10] =	ssyncadd.s32 @p0 $0xFFFFDB70;
	s10 =	rddreg [dreg:$0x10]  }
0x179: {  	[hbm:s10], [sflag:s25] =	dma.local @!p0 [spmem:s11], $0x2C70  }
0x17a: {  	s11 =	simm.s32 @!p0 $0x7  }
0x17b: {  	_ =	swait.ge @!p0 [sflag:s11], $0x2C70  }
0x17c: {  	s10 =	rddreg [dreg:$0x17]  }
0x17d: {  	[sflag:s11] =	ssyncset.done @!p0 $0x0;
	s11 =	rddreg [dreg:$0x12];
	s10 =	sadd.s32 $0x1, s10  }
0x17e: {  	p1 =	sne.s32 s10, s11  }
.Ltmp1:
0x17f: {  	_ = 	snop;
	(pc) =	sbr.rel @p1 .LBB2_1-.Ltmp1, $3  }
0x180: {  	_ =	sdelay $0x1  }
0x181: {  	[dreg:$0x17] =	wrdreg s10;
	s10 =	simm.s32 @!p0 $0x7  }
0x182: {  	[sflag:s10] =	ssyncadd.s32 @!p0 $0xFFFFD390  }
0x183: {  	_ =	sfence.sel $0x180000  }
0x184: {  	[bflag:$0x0] =	sbarrier.arrive $0xFFFF  }
0x185: {  	_ =	strace $0x9000004D  }
0x186: {  	s0 =	stileid.u32;
	[bflag:$0x2] =	sbarrier.arrive $0xFFFF  }
0x187: {  	p0 =	sne.s32 s0, $0x0;
	s0 =	rddreg [dreg:$0x2]  }
0x188: {  	s0 =	sadd.s32 @!p0 $0x100000, s0  }
0x189: {  	[sflag:s0] =	ssyncadd.tile.s32 @!p0 $0x1;
	_ =	shalt  }
.Lfunc_end2:
_tile_overlayer_lowered:
.L_overlay_start_2:
0x18a: {  	(tag) =	ssettag $0x2  }
0x18b: {  	s0 =	rddreg [dreg:$0x0];
	s2 =	stileid.u32  }
0x18c: {  	s1 =	rddreg [dreg:$0x1];
	p0 =	sne.s32 s2, $0x0  }
0x18d: {  	s3 =	rddreg [dreg:$0x2];
	[bflag:$0x3] =	sbarrier.arrive $0xFFFF;
	s2 =	simm.s32 @!p0 $0x1C07  }
0x18e: {  	[timem:s3], [sflag:s2] =	dma.local @!p0 [hbm:s0], s1  }
0x18f: {  	s0 =	simm.s32 @!p0 $0x7  }
0x190: {  	_ =	swait.ge @!p0 [sflag:s0], s1  }
0x191: {  	s1 =	ssub.s32 @!p0 $0x0, s1;
	[sflag:s0] =	ssyncset.done @!p0 $0x0  }
0x192: {  	[sflag:s0] =	ssyncadd.s32 @!p0 s1  }
0x193: {  	[bflag:$0x3] =	sbarrier.arrive $0xFFFF  }
0x194: {  	_ =	shalt  }

</sc_bundles>
